<compile_context>
chip_gen: v7x
topology: tpu7x:2x2x1
jax: 0.10.2.dev20260603
libtpu: 0.0.44.dev20260713+nightly
codegen_flags: <defaults>
</compile_context>

<pallas_src>
import functools

import jax
import jax.numpy as jnp
from jax import lax
from jax.experimental import pallas as pl
from jax.experimental.pallas import tpu as pltpu
from jax.experimental.pallas import tpu_sc as plsc

N_DIM = 4096
T_OUT = 1000000
NW = 32
B_PER_W = 31296
STRIDE_W = 31256
LAST_BASE = T_OUT - B_PER_W
N_CHUNKS = 6
B_C = B_PER_W // N_CHUNKS
UNROLL = 8


def _build_sc_kernel():
  mesh = plsc.VectorSubcoreMesh(core_axis_name="c", subcore_axis_name="s")

  idx3_t = pltpu.VMEM((3 * B_C,), jnp.int32)
  val3_t = pltpu.VMEM((3 * B_C,), jnp.float32)
  val_t = pltpu.VMEM((B_C,), jnp.float32)

  @functools.partial(
      pl.kernel,
      mesh=mesh,
      out_type=jax.ShapeDtypeStruct((T_OUT,), jnp.float32),
      scratch_types=[
          idx3_t, idx3_t,
          idx3_t, idx3_t,
          val3_t, val3_t,
          val_t, val_t,
          pltpu.SemaphoreType.DMA,
          pltpu.SemaphoreType.DMA,
          pltpu.SemaphoreType.DMA,
          pltpu.SemaphoreType.DMA,
          pltpu.SemaphoreType.DMA,
          pltpu.SemaphoreType.DMA,
          pltpu.SemaphoreType.DMA,
          pltpu.SemaphoreType.DMA,
          pltpu.SemaphoreType.DMA,
          pltpu.SemaphoreType.DMA,
          pltpu.SemaphoreType.DMA,
          pltpu.SemaphoreType.DMA,
      ],
  )
  def tri_gather(a_hbm, tri_hbm, out_hbm,
                 tv0, tv1, idx0, idx1, val0, val1, ov0, ov1,
                 ts00, ts01, ts02, ts10, ts11, ts12,
                 vsem0, vsem1, vsem2, vsem3, osem0, osem1):
    wid = lax.axis_index("s") * 2 + lax.axis_index("c")
    wbase = jnp.minimum(wid * STRIDE_W, LAST_BASE)
    tv_sets = (tv0, tv1)
    idx_sets = (idx0, idx1)
    val_sets = (val0, val1)
    tsems = ((ts00, ts01, ts02), (ts10, ts11, ts12))
    vsems = (vsem0, vsem1)
    vsems2 = (vsem2, vsem3)
    ov_sets = (ov0, ov1)
    osems = (osem0, osem1)
    ocps = {}

    def tri_fire(c, p):
      base = wbase + c * B_C
      tvb = tv_sets[p]
      sems = tsems[p]
      return [
          pltpu.async_copy(
              tri_hbm.at[pl.ds(col * T_OUT + base, B_C)],
              tvb.at[pl.ds(col * B_C, B_C)], sems[col])
          for col in range(3)
      ]

    def compute_idx(p):
      tvb = tv_sets[p]
      idx = idx_sets[p]

      @plsc.parallel_loop(0, B_C, step=16, unroll=UNROLL)
      def _(t):
        a = tvb[pl.ds(t, 16)]
        b = tvb[pl.ds(t + B_C, 16)]
        cc = tvb[pl.ds(t + 2 * B_C, 16)]
        an = a * N_DIM
        idx[pl.ds(t, 16)] = an + b
        idx[pl.ds(t + B_C, 16)] = an + cc
        idx[pl.ds(t + 2 * B_C, 16)] = b * N_DIM + cc

    H = 3 * B_C // 2

    def val_fire(p):
      idx = idx_sets[p]
      val = val_sets[p]
      return [
          pltpu.async_copy(a_hbm.at[idx.at[pl.ds(0, H)]],
                           val.at[pl.ds(0, H)], vsems[p]),
          pltpu.async_copy(a_hbm.at[idx.at[pl.ds(H, H)]],
                           val.at[pl.ds(H, H)], vsems2[p]),
      ]

    def avg_out(c, p, cp):
      for h in cp:
        h.wait()
      val = val_sets[p]
      ob = c % 2
      if c >= 2:
        ocps[ob].wait()
      ovb = ov_sets[ob]

      @plsc.parallel_loop(0, B_C, step=16, unroll=UNROLL)
      def _(t):
        ovb[pl.ds(t, 16)] = (
            val[pl.ds(t, 16)]
            + val[pl.ds(t + B_C, 16)]
            + val[pl.ds(t + 2 * B_C, 16)]
        ) * (1.0 / 3.0)

      base = wbase + c * B_C
      ocps[ob] = pltpu.async_copy(
          ovb, out_hbm.at[pl.ds(base, B_C)], osems[ob])

    tcps = {0: tri_fire(0, 0)}
    tcps[1] = tri_fire(1, 1)
    for h in tcps[0]:
      h.wait()
    compute_idx(0)
    vcps = {0: val_fire(0)}
    for c in range(1, N_CHUNKS):
      p = c % 2
      for h in tcps[p]:
        h.wait()
      compute_idx(p)
      vcps[p] = val_fire(p)
      if c + 1 < N_CHUNKS:
        tcps[1 - p] = tri_fire(c + 1, 1 - p)
      avg_out(c - 1, 1 - p, vcps[1 - p])
    last = N_CHUNKS - 1
    avg_out(last, last % 2, vcps[last % 2])
    ocps[0].wait()
    ocps[1].wait()

  return tri_gather


_tri_gather = _build_sc_kernel()


@jax.jit
def kernel(A_s, triangles_indexes):
  a_flat = A_s.reshape(-1)
  tri_cols = triangles_indexes.T.reshape(-1)
  return _tri_gather(a_flat, tri_cols)

# --- scband reference (transcript-rebuilt; emitter-appended) ---
"""Pipeline reference for scband-first-pinit-layer-18872086298694 (READ-ONLY COPY).

The authoritative reference and input builder live on the scoring server;
editing this copy changes nothing except your own understanding.
"""

import jax, jax.numpy as jnp
import numpy as np

N = 4096
T = 1000000

def setup_inputs(seed: int = 0) -> dict:
    key = jax.random.key(seed)
    k1, k2 = jax.random.split(key)
    A_s = jax.random.normal(k1, (N, N), dtype=jnp.float32)
    triangles_indexes = jax.random.randint(k2, (T, 3), 0, N, dtype=jnp.int32)
    return {"A_s": A_s, "triangles_indexes": triangles_indexes}

def reference(A_s, triangles_indexes):
    # Faithful translation of FirstPInitLayer.forward:
    #   i, j, k = triangles_indexes.T
    #   p_init = (A_s[i, j] + A_s[i, k] + A_s[j, k]) / 3
    # (the torch.zeros(...) p_init is dead code: it is immediately overwritten)
    i = triangles_indexes[:, 0]
    j = triangles_indexes[:, 1]
    k = triangles_indexes[:, 2]
    A_s_ij = A_s[i, j]
    A_s_ik = A_s[i, k]
    A_s_jk = A_s[j, k]
    p_init = (A_s_ij + A_s_ik + A_s_jk) / 3
    return p_init

if __name__ == "__main__":
    import jax
    _d = setup_inputs()
    print(jax.jit(kernel)(*tuple(_d.values())))

</pallas_src>

<mosaic_0001>
#map = affine_map<(d0, d1) -> (0)>
module attributes {stable_mosaic.version = 14 : i64} {
  func.func @tri_gather(%arg0: i32, %arg1: i32, %arg2: memref<16777216xf32, #tpu.memory_space<hbm>>, %arg3: memref<3000000xi32, #tpu.memory_space<hbm>>, %arg4: memref<1000000xf32, #tpu.memory_space<hbm>>, %arg5: memref<15648xi32, #tpu.memory_space<vmem>>, %arg6: memref<15648xi32, #tpu.memory_space<vmem>>, %arg7: memref<15648xi32, #tpu.memory_space<vmem>>, %arg8: memref<15648xi32, #tpu.memory_space<vmem>>, %arg9: memref<15648xf32, #tpu.memory_space<vmem>>, %arg10: memref<15648xf32, #tpu.memory_space<vmem>>, %arg11: memref<5216xf32, #tpu.memory_space<vmem>>, %arg12: memref<5216xf32, #tpu.memory_space<vmem>>, %arg13: memref<!tpu.dma_semaphore, #tpu.memory_space<semaphore_mem>>, %arg14: memref<!tpu.dma_semaphore, #tpu.memory_space<semaphore_mem>>, %arg15: memref<!tpu.dma_semaphore, #tpu.memory_space<semaphore_mem>>, %arg16: memref<!tpu.dma_semaphore, #tpu.memory_space<semaphore_mem>>, %arg17: memref<!tpu.dma_semaphore, #tpu.memory_space<semaphore_mem>>, %arg18: memref<!tpu.dma_semaphore, #tpu.memory_space<semaphore_mem>>, %arg19: memref<!tpu.dma_semaphore, #tpu.memory_space<semaphore_mem>>, %arg20: memref<!tpu.dma_semaphore, #tpu.memory_space<semaphore_mem>>, %arg21: memref<!tpu.dma_semaphore, #tpu.memory_space<semaphore_mem>>, %arg22: memref<!tpu.dma_semaphore, #tpu.memory_space<semaphore_mem>>, %arg23: memref<!tpu.dma_semaphore, #tpu.memory_space<semaphore_mem>>, %arg24: memref<!tpu.dma_semaphore, #tpu.memory_space<semaphore_mem>>) attributes {dimension_semantics = [#tpu.dimension_semantics<core_parallel>, #tpu.dimension_semantics<subcore_parallel>], iteration_bounds = array<i64: 2, 16>, scalar_prefetch = 0 : i64, scratch_operands = 20 : i64, tpu.core_type = #tpu.core_type<sc_vector_subcore>, window_params = [{transform_indices = #map}, {transform_indices = #map}, {transform_indices = #map}]} {
    %mul3A = arith.constant 2 : i32
    %mul3A_0 = arith.muli %arg1, %mul3A : i32
    %add3A = arith.addi %mul3A_0, %arg0 : i32
    %mul3A_1 = arith.constant 31256 : i32
    %mul3A_2 = arith.muli %add3A, %mul3A_1 : i32
    %min3A = arith.constant 968704 : i32
    %min3A_3 = arith.minsi %mul3A_2, %min3A : i32
    %add3A_4 = arith.constant 0 : i32
    %add3A_5 = arith.addi %min3A_3, %add3A_4 : i32
    %add3A_6 = arith.constant 0 : i32
    %add3A_7 = arith.addi %add3A_6, %add3A_5 : i32
    %dma_start3A = arith.constant 0 : i32
    %dma_start3A_8 = tpu.memref_slice %arg5[%dma_start3A] : memref<15648xi32, #tpu.memory_space<vmem>> -> memref<5216xi32, #tpu.memory_space<vmem>>
    %dma_start3A_9 = tpu.memref_slice %arg3[%add3A_7] : memref<3000000xi32, #tpu.memory_space<hbm>> -> memref<5216xi32, #tpu.memory_space<hbm>>
    %dma_start3A_10 = arith.constant 0 : i32
    %dma_start3A_11 = tpu.memref_slice %arg5[%dma_start3A_10] : memref<15648xi32, #tpu.memory_space<vmem>> -> memref<5216xi32, #tpu.memory_space<vmem>>
    %dma_start3A_12 = tpu.memref_slice %arg3[%add3A_7] : memref<3000000xi32, #tpu.memory_space<hbm>> -> memref<5216xi32, #tpu.memory_space<hbm>>
    tpu.enqueue_dma source(%dma_start3A_12 : memref<5216xi32, #tpu.memory_space<hbm>>) target(%dma_start3A_11 : memref<5216xi32, #tpu.memory_space<vmem>>) target_semaphore(%arg13 : memref<!tpu.dma_semaphore, #tpu.memory_space<semaphore_mem>>)
    %add3A_13 = arith.constant 1000000 : i32
    %add3A_14 = arith.addi %add3A_13, %add3A_5 : i32
    %dma_start3A_15 = arith.constant 5216 : i32
    %dma_start3A_16 = tpu.memref_slice %arg5[%dma_start3A_15] : memref<15648xi32, #tpu.memory_space<vmem>> -> memref<5216xi32, #tpu.memory_space<vmem>>
    %dma_start3A_17 = tpu.memref_slice %arg3[%add3A_14] : memref<3000000xi32, #tpu.memory_space<hbm>> -> memref<5216xi32, #tpu.memory_space<hbm>>
    %dma_start3A_18 = arith.constant 5216 : i32
    %dma_start3A_19 = tpu.memref_slice %arg5[%dma_start3A_18] : memref<15648xi32, #tpu.memory_space<vmem>> -> memref<5216xi32, #tpu.memory_space<vmem>>
    %dma_start3A_20 = tpu.memref_slice %arg3[%add3A_14] : memref<3000000xi32, #tpu.memory_space<hbm>> -> memref<5216xi32, #tpu.memory_space<hbm>>
    tpu.enqueue_dma source(%dma_start3A_20 : memref<5216xi32, #tpu.memory_space<hbm>>) target(%dma_start3A_19 : memref<5216xi32, #tpu.memory_space<vmem>>) target_semaphore(%arg14 : memref<!tpu.dma_semaphore, #tpu.memory_space<semaphore_mem>>)
    %add3A_21 = arith.constant 2000000 : i32
    %add3A_22 = arith.addi %add3A_21, %add3A_5 : i32
    %dma_start3A_23 = arith.constant 10432 : i32
    %dma_start3A_24 = tpu.memref_slice %arg5[%dma_start3A_23] : memref<15648xi32, #tpu.memory_space<vmem>> -> memref<5216xi32, #tpu.memory_space<vmem>>
    %dma_start3A_25 = tpu.memref_slice %arg3[%add3A_22] : memref<3000000xi32, #tpu.memory_space<hbm>> -> memref<5216xi32, #tpu.memory_space<hbm>>
    %dma_start3A_26 = arith.constant 10432 : i32
    %dma_start3A_27 = tpu.memref_slice %arg5[%dma_start3A_26] : memref<15648xi32, #tpu.memory_space<vmem>> -> memref<5216xi32, #tpu.memory_space<vmem>>
    %dma_start3A_28 = tpu.memref_slice %arg3[%add3A_22] : memref<3000000xi32, #tpu.memory_space<hbm>> -> memref<5216xi32, #tpu.memory_space<hbm>>
    tpu.enqueue_dma source(%dma_start3A_28 : memref<5216xi32, #tpu.memory_space<hbm>>) target(%dma_start3A_27 : memref<5216xi32, #tpu.memory_space<vmem>>) target_semaphore(%arg15 : memref<!tpu.dma_semaphore, #tpu.memory_space<semaphore_mem>>)
    %add3A_29 = arith.constant 5216 : i32
    %add3A_30 = arith.addi %min3A_3, %add3A_29 : i32
    %add3A_31 = arith.constant 0 : i32
    %add3A_32 = arith.addi %add3A_31, %add3A_30 : i32
    %dma_start3A_33 = arith.constant 0 : i32
    %dma_start3A_34 = tpu.memref_slice %arg6[%dma_start3A_33] : memref<15648xi32, #tpu.memory_space<vmem>> -> memref<5216xi32, #tpu.memory_space<vmem>>
    %dma_start3A_35 = tpu.memref_slice %arg3[%add3A_32] : memref<3000000xi32, #tpu.memory_space<hbm>> -> memref<5216xi32, #tpu.memory_space<hbm>>
    %dma_start3A_36 = arith.constant 0 : i32
    %dma_start3A_37 = tpu.memref_slice %arg6[%dma_start3A_36] : memref<15648xi32, #tpu.memory_space<vmem>> -> memref<5216xi32, #tpu.memory_space<vmem>>
    %dma_start3A_38 = tpu.memref_slice %arg3[%add3A_32] : memref<3000000xi32, #tpu.memory_space<hbm>> -> memref<5216xi32, #tpu.memory_space<hbm>>
    tpu.enqueue_dma source(%dma_start3A_38 : memref<5216xi32, #tpu.memory_space<hbm>>) target(%dma_start3A_37 : memref<5216xi32, #tpu.memory_space<vmem>>) target_semaphore(%arg16 : memref<!tpu.dma_semaphore, #tpu.memory_space<semaphore_mem>>)
    %add3A_39 = arith.constant 1000000 : i32
    %add3A_40 = arith.addi %add3A_39, %add3A_30 : i32
    %dma_start3A_41 = arith.constant 5216 : i32
    %dma_start3A_42 = tpu.memref_slice %arg6[%dma_start3A_41] : memref<15648xi32, #tpu.memory_space<vmem>> -> memref<5216xi32, #tpu.memory_space<vmem>>
    %dma_start3A_43 = tpu.memref_slice %arg3[%add3A_40] : memref<3000000xi32, #tpu.memory_space<hbm>> -> memref<5216xi32, #tpu.memory_space<hbm>>
    %dma_start3A_44 = arith.constant 5216 : i32
    %dma_start3A_45 = tpu.memref_slice %arg6[%dma_start3A_44] : memref<15648xi32, #tpu.memory_space<vmem>> -> memref<5216xi32, #tpu.memory_space<vmem>>
    %dma_start3A_46 = tpu.memref_slice %arg3[%add3A_40] : memref<3000000xi32, #tpu.memory_space<hbm>> -> memref<5216xi32, #tpu.memory_space<hbm>>
    tpu.enqueue_dma source(%dma_start3A_46 : memref<5216xi32, #tpu.memory_space<hbm>>) target(%dma_start3A_45 : memref<5216xi32, #tpu.memory_space<vmem>>) target_semaphore(%arg17 : memref<!tpu.dma_semaphore, #tpu.memory_space<semaphore_mem>>)
    %add3A_47 = arith.constant 2000000 : i32
    %add3A_48 = arith.addi %add3A_47, %add3A_30 : i32
    %dma_start3A_49 = arith.constant 10432 : i32
    %dma_start3A_50 = tpu.memref_slice %arg6[%dma_start3A_49] : memref<15648xi32, #tpu.memory_space<vmem>> -> memref<5216xi32, #tpu.memory_space<vmem>>
    %dma_start3A_51 = tpu.memref_slice %arg3[%add3A_48] : memref<3000000xi32, #tpu.memory_space<hbm>> -> memref<5216xi32, #tpu.memory_space<hbm>>
    %dma_start3A_52 = arith.constant 10432 : i32
    %dma_start3A_53 = tpu.memref_slice %arg6[%dma_start3A_52] : memref<15648xi32, #tpu.memory_space<vmem>> -> memref<5216xi32, #tpu.memory_space<vmem>>
    %dma_start3A_54 = tpu.memref_slice %arg3[%add3A_48] : memref<3000000xi32, #tpu.memory_space<hbm>> -> memref<5216xi32, #tpu.memory_space<hbm>>
    tpu.enqueue_dma source(%dma_start3A_54 : memref<5216xi32, #tpu.memory_space<hbm>>) target(%dma_start3A_53 : memref<5216xi32, #tpu.memory_space<vmem>>) target_semaphore(%arg18 : memref<!tpu.dma_semaphore, #tpu.memory_space<semaphore_mem>>)
    %dma_wait3A = arith.constant 0 : i32
    %dma_wait3A_55 = tpu.memref_slice %arg5[%dma_wait3A] : memref<15648xi32, #tpu.memory_space<vmem>> -> memref<5216xi32, #tpu.memory_space<vmem>>
    %dma_wait3A_56 = tpu.memref_slice %arg3[%add3A_7] : memref<3000000xi32, #tpu.memory_space<hbm>> -> memref<5216xi32, #tpu.memory_space<hbm>>
    %dma_wait3A_57 = arith.constant 0 : i32
    %dma_wait3A_58 = tpu.memref_slice %arg5[%dma_wait3A_57] : memref<15648xi32, #tpu.memory_space<vmem>> -> memref<5216xi32, #tpu.memory_space<vmem>>
    %dma_wait3A_59 = tpu.memref_slice %arg3[%add3A_7] : memref<3000000xi32, #tpu.memory_space<hbm>> -> memref<5216xi32, #tpu.memory_space<hbm>>
    tpu.wait_dma2 semaphore(%arg13 : memref<!tpu.dma_semaphore, #tpu.memory_space<semaphore_mem>>) src(%dma_wait3A_59 : memref<5216xi32, #tpu.memory_space<hbm>>) dst(%dma_wait3A_58 : memref<5216xi32, #tpu.memory_space<vmem>>)
    %dma_wait3A_60 = arith.constant 5216 : i32
    %dma_wait3A_61 = tpu.memref_slice %arg5[%dma_wait3A_60] : memref<15648xi32, #tpu.memory_space<vmem>> -> memref<5216xi32, #tpu.memory_space<vmem>>
    %dma_wait3A_62 = tpu.memref_slice %arg3[%add3A_14] : memref<3000000xi32, #tpu.memory_space<hbm>> -> memref<5216xi32, #tpu.memory_space<hbm>>
    %dma_wait3A_63 = arith.constant 5216 : i32
    %dma_wait3A_64 = tpu.memref_slice %arg5[%dma_wait3A_63] : memref<15648xi32, #tpu.memory_space<vmem>> -> memref<5216xi32, #tpu.memory_space<vmem>>
    %dma_wait3A_65 = tpu.memref_slice %arg3[%add3A_14] : memref<3000000xi32, #tpu.memory_space<hbm>> -> memref<5216xi32, #tpu.memory_space<hbm>>
    tpu.wait_dma2 semaphore(%arg14 : memref<!tpu.dma_semaphore, #tpu.memory_space<semaphore_mem>>) src(%dma_wait3A_65 : memref<5216xi32, #tpu.memory_space<hbm>>) dst(%dma_wait3A_64 : memref<5216xi32, #tpu.memory_space<vmem>>)
    %dma_wait3A_66 = arith.constant 10432 : i32
    %dma_wait3A_67 = tpu.memref_slice %arg5[%dma_wait3A_66] : memref<15648xi32, #tpu.memory_space<vmem>> -> memref<5216xi32, #tpu.memory_space<vmem>>
    %dma_wait3A_68 = tpu.memref_slice %arg3[%add3A_22] : memref<3000000xi32, #tpu.memory_space<hbm>> -> memref<5216xi32, #tpu.memory_space<hbm>>
    %dma_wait3A_69 = arith.constant 10432 : i32
    %dma_wait3A_70 = tpu.memref_slice %arg5[%dma_wait3A_69] : memref<15648xi32, #tpu.memory_space<vmem>> -> memref<5216xi32, #tpu.memory_space<vmem>>
    %dma_wait3A_71 = tpu.memref_slice %arg3[%add3A_22] : memref<3000000xi32, #tpu.memory_space<hbm>> -> memref<5216xi32, #tpu.memory_space<hbm>>
    tpu.wait_dma2 semaphore(%arg15 : memref<!tpu.dma_semaphore, #tpu.memory_space<semaphore_mem>>) src(%dma_wait3A_71 : memref<5216xi32, #tpu.memory_space<hbm>>) dst(%dma_wait3A_70 : memref<5216xi32, #tpu.memory_space<vmem>>)
    %parallel_loop3A = arith.constant 0 : i32
    %parallel_loop3A_72 = arith.constant 5216 : i32
    %parallel_loop3A_73 = arith.constant 16 : i32
    scf.for %parallel_loop3A_481 = %parallel_loop3A to %parallel_loop3A_72 step %parallel_loop3A_73  : i32 {
      %parallel_loop3A_482 = arith.index_cast %parallel_loop3A_481 : i32 to index
      %parallel_loop3A_483 = tpu.vector_load %arg5[%parallel_loop3A_482] {strides = array<i32>} : memref<15648xi32, #tpu.memory_space<vmem>>, vector<16xi32>,
      %parallel_loop3A_484 = vector.shape_cast %parallel_loop3A_483 : vector<16xi32> to vector<16xi32>
      %parallel_loop3A_485 = arith.constant 5216 : i32
      %parallel_loop3A_486 = arith.addi %parallel_loop3A_481, %parallel_loop3A_485 : i32
      %parallel_loop3A_487 = arith.index_cast %parallel_loop3A_486 : i32 to index
      %parallel_loop3A_488 = tpu.vector_load %arg5[%parallel_loop3A_487] {strides = array<i32>} : memref<15648xi32, #tpu.memory_space<vmem>>, vector<16xi32>,
      %parallel_loop3A_489 = vector.shape_cast %parallel_loop3A_488 : vector<16xi32> to vector<16xi32>
      %parallel_loop3A_490 = arith.constant 10432 : i32
      %parallel_loop3A_491 = arith.addi %parallel_loop3A_481, %parallel_loop3A_490 : i32
      %parallel_loop3A_492 = arith.index_cast %parallel_loop3A_491 : i32 to index
      %parallel_loop3A_493 = tpu.vector_load %arg5[%parallel_loop3A_492] {strides = array<i32>} : memref<15648xi32, #tpu.memory_space<vmem>>, vector<16xi32>,
      %parallel_loop3A_494 = vector.shape_cast %parallel_loop3A_493 : vector<16xi32> to vector<16xi32>
      %parallel_loop3A_495 = arith.constant 4096 : i32
      %parallel_loop3A_496 = vector.broadcast %parallel_loop3A_495 : i32 to vector<16xi32>
      %parallel_loop3A_497 = arith.muli %parallel_loop3A_484, %parallel_loop3A_496 : vector<16xi32>
      %parallel_loop3A_498 = arith.addi %parallel_loop3A_497, %parallel_loop3A_489 : vector<16xi32>
      %parallel_loop3A_499 = arith.index_cast %parallel_loop3A_481 : i32 to index
      %parallel_loop3A_500 = tpu.vector_load %arg7[%parallel_loop3A_499] {strides = array<i32>} : memref<15648xi32, #tpu.memory_space<vmem>>, vector<16xi32>,
      %parallel_loop3A_501 = vector.shape_cast %parallel_loop3A_500 : vector<16xi32> to vector<16xi32>
      %parallel_loop3A_502 = vector.shape_cast %parallel_loop3A_498 : vector<16xi32> to vector<16xi32>
      tpu.vector_store %arg7[%parallel_loop3A_499], %parallel_loop3A_502 {strides = array<i32>} : memref<15648xi32, #tpu.memory_space<vmem>>, vector<16xi32>,
      %parallel_loop3A_503 = arith.addi %parallel_loop3A_497, %parallel_loop3A_494 : vector<16xi32>
      %parallel_loop3A_504 = arith.constant 5216 : i32
      %parallel_loop3A_505 = arith.addi %parallel_loop3A_481, %parallel_loop3A_504 : i32
      %parallel_loop3A_506 = arith.index_cast %parallel_loop3A_505 : i32 to index
      %parallel_loop3A_507 = tpu.vector_load %arg7[%parallel_loop3A_506] {strides = array<i32>} : memref<15648xi32, #tpu.memory_space<vmem>>, vector<16xi32>,
      %parallel_loop3A_508 = vector.shape_cast %parallel_loop3A_507 : vector<16xi32> to vector<16xi32>
      %parallel_loop3A_509 = vector.shape_cast %parallel_loop3A_503 : vector<16xi32> to vector<16xi32>
      tpu.vector_store %arg7[%parallel_loop3A_506], %parallel_loop3A_509 {strides = array<i32>} : memref<15648xi32, #tpu.memory_space<vmem>>, vector<16xi32>,
      %parallel_loop3A_510 = arith.constant 4096 : i32
      %parallel_loop3A_511 = vector.broadcast %parallel_loop3A_510 : i32 to vector<16xi32>
      %parallel_loop3A_512 = arith.muli %parallel_loop3A_489, %parallel_loop3A_511 : vector<16xi32>
      %parallel_loop3A_513 = arith.addi %parallel_loop3A_512, %parallel_loop3A_494 : vector<16xi32>
      %parallel_loop3A_514 = arith.constant 10432 : i32
      %parallel_loop3A_515 = arith.addi %parallel_loop3A_481, %parallel_loop3A_514 : i32
      %parallel_loop3A_516 = arith.index_cast %parallel_loop3A_515 : i32 to index
      %parallel_loop3A_517 = tpu.vector_load %arg7[%parallel_loop3A_516] {strides = array<i32>} : memref<15648xi32, #tpu.memory_space<vmem>>, vector<16xi32>,
      %parallel_loop3A_518 = vector.shape_cast %parallel_loop3A_517 : vector<16xi32> to vector<16xi32>
      %parallel_loop3A_519 = vector.shape_cast %parallel_loop3A_513 : vector<16xi32> to vector<16xi32>
      tpu.vector_store %arg7[%parallel_loop3A_516], %parallel_loop3A_519 {strides = array<i32>} : memref<15648xi32, #tpu.memory_space<vmem>>, vector<16xi32>,
    } {sc.loop_unroll_factor = 8 : i64, sc.parallel_access}
    %dma_start3A_74 = arith.constant 0 : i32
    %dma_start3A_75 = tpu.memref_slice %arg9[%dma_start3A_74] : memref<15648xf32, #tpu.memory_space<vmem>> -> memref<7824xf32, #tpu.memory_space<vmem>>
    %dma_start3A_76 = arith.constant 0 : i32
    %dma_start3A_77 = tpu.memref_slice %arg7[%dma_start3A_76] : memref<15648xi32, #tpu.memory_space<vmem>> -> memref<7824xi32, #tpu.memory_space<vmem>>
    %dma_start3A_78 = arith.constant 0 : i32
    %dma_start3A_79 = tpu.memref_slice %arg2[%dma_start3A_78] : memref<16777216xf32, #tpu.memory_space<hbm>> -> memref<16777216xf32, #tpu.memory_space<hbm>>
    tpu.enqueue_indirect_dma source(%dma_start3A_79 : memref<16777216xf32, #tpu.memory_space<hbm>>) target(%dma_start3A_75 : memref<7824xf32, #tpu.memory_space<vmem>>) offsets(%dma_start3A_77 : memref<7824xi32, #tpu.memory_space<vmem>>) semaphore(%arg19 : memref<!tpu.dma_semaphore, #tpu.memory_space<semaphore_mem>>)
    %dma_start3A_80 = arith.constant 7824 : i32
    %dma_start3A_81 = tpu.memref_slice %arg9[%dma_start3A_80] : memref<15648xf32, #tpu.memory_space<vmem>> -> memref<7824xf32, #tpu.memory_space<vmem>>
    %dma_start3A_82 = arith.constant 7824 : i32
    %dma_start3A_83 = tpu.memref_slice %arg7[%dma_start3A_82] : memref<15648xi32, #tpu.memory_space<vmem>> -> memref<7824xi32, #tpu.memory_space<vmem>>
    %dma_start3A_84 = arith.constant 0 : i32
    %dma_start3A_85 = tpu.memref_slice %arg2[%dma_start3A_84] : memref<16777216xf32, #tpu.memory_space<hbm>> -> memref<16777216xf32, #tpu.memory_space<hbm>>
    tpu.enqueue_indirect_dma source(%dma_start3A_85 : memref<16777216xf32, #tpu.memory_space<hbm>>) target(%dma_start3A_81 : memref<7824xf32, #tpu.memory_space<vmem>>) offsets(%dma_start3A_83 : memref<7824xi32, #tpu.memory_space<vmem>>) semaphore(%arg21 : memref<!tpu.dma_semaphore, #tpu.memory_space<semaphore_mem>>)
    %dma_wait3A_86 = arith.constant 0 : i32
    %dma_wait3A_87 = tpu.memref_slice %arg6[%dma_wait3A_86] : memref<15648xi32, #tpu.memory_space<vmem>> -> memref<5216xi32, #tpu.memory_space<vmem>>
    %dma_wait3A_88 = tpu.memref_slice %arg3[%add3A_32] : memref<3000000xi32, #tpu.memory_space<hbm>> -> memref<5216xi32, #tpu.memory_space<hbm>>
    %dma_wait3A_89 = arith.constant 0 : i32
    %dma_wait3A_90 = tpu.memref_slice %arg6[%dma_wait3A_89] : memref<15648xi32, #tpu.memory_space<vmem>> -> memref<5216xi32, #tpu.memory_space<vmem>>
    %dma_wait3A_91 = tpu.memref_slice %arg3[%add3A_32] : memref<3000000xi32, #tpu.memory_space<hbm>> -> memref<5216xi32, #tpu.memory_space<hbm>>
    tpu.wait_dma2 semaphore(%arg16 : memref<!tpu.dma_semaphore, #tpu.memory_space<semaphore_mem>>) src(%dma_wait3A_91 : memref<5216xi32, #tpu.memory_space<hbm>>) dst(%dma_wait3A_90 : memref<5216xi32, #tpu.memory_space<vmem>>)
    %dma_wait3A_92 = arith.constant 5216 : i32
    %dma_wait3A_93 = tpu.memref_slice %arg6[%dma_wait3A_92] : memref<15648xi32, #tpu.memory_space<vmem>> -> memref<5216xi32, #tpu.memory_space<vmem>>
    %dma_wait3A_94 = tpu.memref_slice %arg3[%add3A_40] : memref<3000000xi32, #tpu.memory_space<hbm>> -> memref<5216xi32, #tpu.memory_space<hbm>>
    %dma_wait3A_95 = arith.constant 5216 : i32
    %dma_wait3A_96 = tpu.memref_slice %arg6[%dma_wait3A_95] : memref<15648xi32, #tpu.memory_space<vmem>> -> memref<5216xi32, #tpu.memory_space<vmem>>
    %dma_wait3A_97 = tpu.memref_slice %arg3[%add3A_40] : memref<3000000xi32, #tpu.memory_space<hbm>> -> memref<5216xi32, #tpu.memory_space<hbm>>
    tpu.wait_dma2 semaphore(%arg17 : memref<!tpu.dma_semaphore, #tpu.memory_space<semaphore_mem>>) src(%dma_wait3A_97 : memref<5216xi32, #tpu.memory_space<hbm>>) dst(%dma_wait3A_96 : memref<5216xi32, #tpu.memory_space<vmem>>)
    %dma_wait3A_98 = arith.constant 10432 : i32
    %dma_wait3A_99 = tpu.memref_slice %arg6[%dma_wait3A_98] : memref<15648xi32, #tpu.memory_space<vmem>> -> memref<5216xi32, #tpu.memory_space<vmem>>
    %dma_wait3A_100 = tpu.memref_slice %arg3[%add3A_48] : memref<3000000xi32, #tpu.memory_space<hbm>> -> memref<5216xi32, #tpu.memory_space<hbm>>
    %dma_wait3A_101 = arith.constant 10432 : i32
    %dma_wait3A_102 = tpu.memref_slice %arg6[%dma_wait3A_101] : memref<15648xi32, #tpu.memory_space<vmem>> -> memref<5216xi32, #tpu.memory_space<vmem>>
    %dma_wait3A_103 = tpu.memref_slice %arg3[%add3A_48] : memref<3000000xi32, #tpu.memory_space<hbm>> -> memref<5216xi32, #tpu.memory_space<hbm>>
    tpu.wait_dma2 semaphore(%arg18 : memref<!tpu.dma_semaphore, #tpu.memory_space<semaphore_mem>>) src(%dma_wait3A_103 : memref<5216xi32, #tpu.memory_space<hbm>>) dst(%dma_wait3A_102 : memref<5216xi32, #tpu.memory_space<vmem>>)
    %parallel_loop3A_104 = arith.constant 0 : i32
    %parallel_loop3A_105 = arith.constant 5216 : i32
    %parallel_loop3A_106 = arith.constant 16 : i32
    scf.for %parallel_loop3A_481 = %parallel_loop3A_104 to %parallel_loop3A_105 step %parallel_loop3A_106  : i32 {
      %parallel_loop3A_482 = arith.index_cast %parallel_loop3A_481 : i32 to index
      %parallel_loop3A_483 = tpu.vector_load %arg6[%parallel_loop3A_482] {strides = array<i32>} : memref<15648xi32, #tpu.memory_space<vmem>>, vector<16xi32>,
      %parallel_loop3A_484 = vector.shape_cast %parallel_loop3A_483 : vector<16xi32> to vector<16xi32>
      %parallel_loop3A_485 = arith.constant 5216 : i32
      %parallel_loop3A_486 = arith.addi %parallel_loop3A_481, %parallel_loop3A_485 : i32
      %parallel_loop3A_487 = arith.index_cast %parallel_loop3A_486 : i32 to index
      %parallel_loop3A_488 = tpu.vector_load %arg6[%parallel_loop3A_487] {strides = array<i32>} : memref<15648xi32, #tpu.memory_space<vmem>>, vector<16xi32>,
      %parallel_loop3A_489 = vector.shape_cast %parallel_loop3A_488 : vector<16xi32> to vector<16xi32>
      %parallel_loop3A_490 = arith.constant 10432 : i32
      %parallel_loop3A_491 = arith.addi %parallel_loop3A_481, %parallel_loop3A_490 : i32
      %parallel_loop3A_492 = arith.index_cast %parallel_loop3A_491 : i32 to index
      %parallel_loop3A_493 = tpu.vector_load %arg6[%parallel_loop3A_492] {strides = array<i32>} : memref<15648xi32, #tpu.memory_space<vmem>>, vector<16xi32>,
      %parallel_loop3A_494 = vector.shape_cast %parallel_loop3A_493 : vector<16xi32> to vector<16xi32>
      %parallel_loop3A_495 = arith.constant 4096 : i32
      %parallel_loop3A_496 = vector.broadcast %parallel_loop3A_495 : i32 to vector<16xi32>
      %parallel_loop3A_497 = arith.muli %parallel_loop3A_484, %parallel_loop3A_496 : vector<16xi32>
      %parallel_loop3A_498 = arith.addi %parallel_loop3A_497, %parallel_loop3A_489 : vector<16xi32>
      %parallel_loop3A_499 = arith.index_cast %parallel_loop3A_481 : i32 to index
      %parallel_loop3A_500 = tpu.vector_load %arg8[%parallel_loop3A_499] {strides = array<i32>} : memref<15648xi32, #tpu.memory_space<vmem>>, vector<16xi32>,
      %parallel_loop3A_501 = vector.shape_cast %parallel_loop3A_500 : vector<16xi32> to vector<16xi32>
      %parallel_loop3A_502 = vector.shape_cast %parallel_loop3A_498 : vector<16xi32> to vector<16xi32>
      tpu.vector_store %arg8[%parallel_loop3A_499], %parallel_loop3A_502 {strides = array<i32>} : memref<15648xi32, #tpu.memory_space<vmem>>, vector<16xi32>,
      %parallel_loop3A_503 = arith.addi %parallel_loop3A_497, %parallel_loop3A_494 : vector<16xi32>
      %parallel_loop3A_504 = arith.constant 5216 : i32
      %parallel_loop3A_505 = arith.addi %parallel_loop3A_481, %parallel_loop3A_504 : i32
      %parallel_loop3A_506 = arith.index_cast %parallel_loop3A_505 : i32 to index
      %parallel_loop3A_507 = tpu.vector_load %arg8[%parallel_loop3A_506] {strides = array<i32>} : memref<15648xi32, #tpu.memory_space<vmem>>, vector<16xi32>,
      %parallel_loop3A_508 = vector.shape_cast %parallel_loop3A_507 : vector<16xi32> to vector<16xi32>
      %parallel_loop3A_509 = vector.shape_cast %parallel_loop3A_503 : vector<16xi32> to vector<16xi32>
      tpu.vector_store %arg8[%parallel_loop3A_506], %parallel_loop3A_509 {strides = array<i32>} : memref<15648xi32, #tpu.memory_space<vmem>>, vector<16xi32>,
      %parallel_loop3A_510 = arith.constant 4096 : i32
      %parallel_loop3A_511 = vector.broadcast %parallel_loop3A_510 : i32 to vector<16xi32>
      %parallel_loop3A_512 = arith.muli %parallel_loop3A_489, %parallel_loop3A_511 : vector<16xi32>
      %parallel_loop3A_513 = arith.addi %parallel_loop3A_512, %parallel_loop3A_494 : vector<16xi32>
      %parallel_loop3A_514 = arith.constant 10432 : i32
      %parallel_loop3A_515 = arith.addi %parallel_loop3A_481, %parallel_loop3A_514 : i32
      %parallel_loop3A_516 = arith.index_cast %parallel_loop3A_515 : i32 to index
      %parallel_loop3A_517 = tpu.vector_load %arg8[%parallel_loop3A_516] {strides = array<i32>} : memref<15648xi32, #tpu.memory_space<vmem>>, vector<16xi32>,
      %parallel_loop3A_518 = vector.shape_cast %parallel_loop3A_517 : vector<16xi32> to vector<16xi32>
      %parallel_loop3A_519 = vector.shape_cast %parallel_loop3A_513 : vector<16xi32> to vector<16xi32>
      tpu.vector_store %arg8[%parallel_loop3A_516], %parallel_loop3A_519 {strides = array<i32>} : memref<15648xi32, #tpu.memory_space<vmem>>, vector<16xi32>,
    } {sc.loop_unroll_factor = 8 : i64, sc.parallel_access}
    %dma_start3A_107 = arith.constant 0 : i32
    %dma_start3A_108 = tpu.memref_slice %arg10[%dma_start3A_107] : memref<15648xf32, #tpu.memory_space<vmem>> -> memref<7824xf32, #tpu.memory_space<vmem>>
    %dma_start3A_109 = arith.constant 0 : i32
    %dma_start3A_110 = tpu.memref_slice %arg8[%dma_start3A_109] : memref<15648xi32, #tpu.memory_space<vmem>> -> memref<7824xi32, #tpu.memory_space<vmem>>
    %dma_start3A_111 = arith.constant 0 : i32
    %dma_start3A_112 = tpu.memref_slice %arg2[%dma_start3A_111] : memref<16777216xf32, #tpu.memory_space<hbm>> -> memref<16777216xf32, #tpu.memory_space<hbm>>
    tpu.enqueue_indirect_dma source(%dma_start3A_112 : memref<16777216xf32, #tpu.memory_space<hbm>>) target(%dma_start3A_108 : memref<7824xf32, #tpu.memory_space<vmem>>) offsets(%dma_start3A_110 : memref<7824xi32, #tpu.memory_space<vmem>>) semaphore(%arg20 : memref<!tpu.dma_semaphore, #tpu.memory_space<semaphore_mem>>)
    %dma_start3A_113 = arith.constant 7824 : i32
    %dma_start3A_114 = tpu.memref_slice %arg10[%dma_start3A_113] : memref<15648xf32, #tpu.memory_space<vmem>> -> memref<7824xf32, #tpu.memory_space<vmem>>
    %dma_start3A_115 = arith.constant 7824 : i32
    %dma_start3A_116 = tpu.memref_slice %arg8[%dma_start3A_115] : memref<15648xi32, #tpu.memory_space<vmem>> -> memref<7824xi32, #tpu.memory_space<vmem>>
    %dma_start3A_117 = arith.constant 0 : i32
    %dma_start3A_118 = tpu.memref_slice %arg2[%dma_start3A_117] : memref<16777216xf32, #tpu.memory_space<hbm>> -> memref<16777216xf32, #tpu.memory_space<hbm>>
    tpu.enqueue_indirect_dma source(%dma_start3A_118 : memref<16777216xf32, #tpu.memory_space<hbm>>) target(%dma_start3A_114 : memref<7824xf32, #tpu.memory_space<vmem>>) offsets(%dma_start3A_116 : memref<7824xi32, #tpu.memory_space<vmem>>) semaphore(%arg22 : memref<!tpu.dma_semaphore, #tpu.memory_space<semaphore_mem>>)
    %add3A_119 = arith.constant 10432 : i32
    %add3A_120 = arith.addi %min3A_3, %add3A_119 : i32
    %add3A_121 = arith.constant 0 : i32
    %add3A_122 = arith.addi %add3A_121, %add3A_120 : i32
    %dma_start3A_123 = arith.constant 0 : i32
    %dma_start3A_124 = tpu.memref_slice %arg5[%dma_start3A_123] : memref<15648xi32, #tpu.memory_space<vmem>> -> memref<5216xi32, #tpu.memory_space<vmem>>
    %dma_start3A_125 = tpu.memref_slice %arg3[%add3A_122] : memref<3000000xi32, #tpu.memory_space<hbm>> -> memref<5216xi32, #tpu.memory_space<hbm>>
    %dma_start3A_126 = arith.constant 0 : i32
    %dma_start3A_127 = tpu.memref_slice %arg5[%dma_start3A_126] : memref<15648xi32, #tpu.memory_space<vmem>> -> memref<5216xi32, #tpu.memory_space<vmem>>
    %dma_start3A_128 = tpu.memref_slice %arg3[%add3A_122] : memref<3000000xi32, #tpu.memory_space<hbm>> -> memref<5216xi32, #tpu.memory_space<hbm>>
    tpu.enqueue_dma source(%dma_start3A_128 : memref<5216xi32, #tpu.memory_space<hbm>>) target(%dma_start3A_127 : memref<5216xi32, #tpu.memory_space<vmem>>) target_semaphore(%arg13 : memref<!tpu.dma_semaphore, #tpu.memory_space<semaphore_mem>>)
    %add3A_129 = arith.constant 1000000 : i32
    %add3A_130 = arith.addi %add3A_129, %add3A_120 : i32
    %dma_start3A_131 = arith.constant 5216 : i32
    %dma_start3A_132 = tpu.memref_slice %arg5[%dma_start3A_131] : memref<15648xi32, #tpu.memory_space<vmem>> -> memref<5216xi32, #tpu.memory_space<vmem>>
    %dma_start3A_133 = tpu.memref_slice %arg3[%add3A_130] : memref<3000000xi32, #tpu.memory_space<hbm>> -> memref<5216xi32, #tpu.memory_space<hbm>>
    %dma_start3A_134 = arith.constant 5216 : i32
    %dma_start3A_135 = tpu.memref_slice %arg5[%dma_start3A_134] : memref<15648xi32, #tpu.memory_space<vmem>> -> memref<5216xi32, #tpu.memory_space<vmem>>
    %dma_start3A_136 = tpu.memref_slice %arg3[%add3A_130] : memref<3000000xi32, #tpu.memory_space<hbm>> -> memref<5216xi32, #tpu.memory_space<hbm>>
    tpu.enqueue_dma source(%dma_start3A_136 : memref<5216xi32, #tpu.memory_space<hbm>>) target(%dma_start3A_135 : memref<5216xi32, #tpu.memory_space<vmem>>) target_semaphore(%arg14 : memref<!tpu.dma_semaphore, #tpu.memory_space<semaphore_mem>>)
    %add3A_137 = arith.constant 2000000 : i32
    %add3A_138 = arith.addi %add3A_137, %add3A_120 : i32
    %dma_start3A_139 = arith.constant 10432 : i32
    %dma_start3A_140 = tpu.memref_slice %arg5[%dma_start3A_139] : memref<15648xi32, #tpu.memory_space<vmem>> -> memref<5216xi32, #tpu.memory_space<vmem>>
    %dma_start3A_141 = tpu.memref_slice %arg3[%add3A_138] : memref<3000000xi32, #tpu.memory_space<hbm>> -> memref<5216xi32, #tpu.memory_space<hbm>>
    %dma_start3A_142 = arith.constant 10432 : i32
    %dma_start3A_143 = tpu.memref_slice %arg5[%dma_start3A_142] : memref<15648xi32, #tpu.memory_space<vmem>> -> memref<5216xi32, #tpu.memory_space<vmem>>
    %dma_start3A_144 = tpu.memref_slice %arg3[%add3A_138] : memref<3000000xi32, #tpu.memory_space<hbm>> -> memref<5216xi32, #tpu.memory_space<hbm>>
    tpu.enqueue_dma source(%dma_start3A_144 : memref<5216xi32, #tpu.memory_space<hbm>>) target(%dma_start3A_143 : memref<5216xi32, #tpu.memory_space<vmem>>) target_semaphore(%arg15 : memref<!tpu.dma_semaphore, #tpu.memory_space<semaphore_mem>>)
    %dma_wait3A_145 = arith.constant 0 : i32
    %dma_wait3A_146 = tpu.memref_slice %arg9[%dma_wait3A_145] : memref<15648xf32, #tpu.memory_space<vmem>> -> memref<7824xf32, #tpu.memory_space<vmem>>
    %dma_wait3A_147 = arith.constant 0 : i32
    %dma_wait3A_148 = tpu.memref_slice %arg7[%dma_wait3A_147] : memref<15648xi32, #tpu.memory_space<vmem>> -> memref<7824xi32, #tpu.memory_space<vmem>>
    %dma_wait3A_149 = arith.constant 0 : i32
    %dma_wait3A_150 = tpu.memref_slice %arg2[%dma_wait3A_149] : memref<16777216xf32, #tpu.memory_space<hbm>> -> memref<16777216xf32, #tpu.memory_space<hbm>>
    tpu.wait_indirect_dma semaphore(%arg19 : memref<!tpu.dma_semaphore, #tpu.memory_space<semaphore_mem>>) src(%dma_wait3A_150 : memref<16777216xf32, #tpu.memory_space<hbm>>) dst(%dma_wait3A_146 : memref<7824xf32, #tpu.memory_space<vmem>>)
    %dma_wait3A_151 = arith.constant 7824 : i32
    %dma_wait3A_152 = tpu.memref_slice %arg9[%dma_wait3A_151] : memref<15648xf32, #tpu.memory_space<vmem>> -> memref<7824xf32, #tpu.memory_space<vmem>>
    %dma_wait3A_153 = arith.constant 7824 : i32
    %dma_wait3A_154 = tpu.memref_slice %arg7[%dma_wait3A_153] : memref<15648xi32, #tpu.memory_space<vmem>> -> memref<7824xi32, #tpu.memory_space<vmem>>
    %dma_wait3A_155 = arith.constant 0 : i32
    %dma_wait3A_156 = tpu.memref_slice %arg2[%dma_wait3A_155] : memref<16777216xf32, #tpu.memory_space<hbm>> -> memref<16777216xf32, #tpu.memory_space<hbm>>
    tpu.wait_indirect_dma semaphore(%arg21 : memref<!tpu.dma_semaphore, #tpu.memory_space<semaphore_mem>>) src(%dma_wait3A_156 : memref<16777216xf32, #tpu.memory_space<hbm>>) dst(%dma_wait3A_152 : memref<7824xf32, #tpu.memory_space<vmem>>)
    %parallel_loop3A_157 = arith.constant 0 : i32
    %parallel_loop3A_158 = arith.constant 5216 : i32
    %parallel_loop3A_159 = arith.constant 16 : i32
    scf.for %parallel_loop3A_481 = %parallel_loop3A_157 to %parallel_loop3A_158 step %parallel_loop3A_159  : i32 {
      %parallel_loop3A_482 = arith.index_cast %parallel_loop3A_481 : i32 to index
      %parallel_loop3A_483 = tpu.vector_load %arg9[%parallel_loop3A_482] {strides = array<i32>} : memref<15648xf32, #tpu.memory_space<vmem>>, vector<16xf32>,
      %parallel_loop3A_484 = vector.shape_cast %parallel_loop3A_483 : vector<16xf32> to vector<16xf32>
      %parallel_loop3A_485 = arith.constant 5216 : i32
      %parallel_loop3A_486 = arith.addi %parallel_loop3A_481, %parallel_loop3A_485 : i32
      %parallel_loop3A_487 = arith.index_cast %parallel_loop3A_486 : i32 to index
      %parallel_loop3A_488 = tpu.vector_load %arg9[%parallel_loop3A_487] {strides = array<i32>} : memref<15648xf32, #tpu.memory_space<vmem>>, vector<16xf32>,
      %parallel_loop3A_489 = vector.shape_cast %parallel_loop3A_488 : vector<16xf32> to vector<16xf32>
      %parallel_loop3A_490 = arith.addf %parallel_loop3A_484, %parallel_loop3A_489 : vector<16xf32>
      %parallel_loop3A_491 = arith.constant 10432 : i32
      %parallel_loop3A_492 = arith.addi %parallel_loop3A_481, %parallel_loop3A_491 : i32
      %parallel_loop3A_493 = arith.index_cast %parallel_loop3A_492 : i32 to index
      %parallel_loop3A_494 = tpu.vector_load %arg9[%parallel_loop3A_493] {strides = array<i32>} : memref<15648xf32, #tpu.memory_space<vmem>>, vector<16xf32>,
      %parallel_loop3A_495 = vector.shape_cast %parallel_loop3A_494 : vector<16xf32> to vector<16xf32>
      %parallel_loop3A_496 = arith.addf %parallel_loop3A_490, %parallel_loop3A_495 : vector<16xf32>
      %parallel_loop3A_497 = arith.constant 0.333333343 : f32
      %parallel_loop3A_498 = vector.broadcast %parallel_loop3A_497 : f32 to vector<16xf32>
      %parallel_loop3A_499 = arith.mulf %parallel_loop3A_496, %parallel_loop3A_498 : vector<16xf32>
      %parallel_loop3A_500 = arith.index_cast %parallel_loop3A_481 : i32 to index
      %parallel_loop3A_501 = tpu.vector_load %arg11[%parallel_loop3A_500] {strides = array<i32>} : memref<5216xf32, #tpu.memory_space<vmem>>, vector<16xf32>,
      %parallel_loop3A_502 = vector.shape_cast %parallel_loop3A_501 : vector<16xf32> to vector<16xf32>
      %parallel_loop3A_503 = vector.shape_cast %parallel_loop3A_499 : vector<16xf32> to vector<16xf32>
      tpu.vector_store %arg11[%parallel_loop3A_500], %parallel_loop3A_503 {strides = array<i32>} : memref<5216xf32, #tpu.memory_space<vmem>>, vector<16xf32>,
    } {sc.loop_unroll_factor = 8 : i64, sc.parallel_access}
    %add3A_160 = arith.constant 0 : i32
    %add3A_161 = arith.addi %min3A_3, %add3A_160 : i32
    %dma_start3A_162 = tpu.memref_slice %arg4[%add3A_161] : memref<1000000xf32, #tpu.memory_space<hbm>> -> memref<5216xf32, #tpu.memory_space<hbm>>
    %dma_start3A_163 = tpu.memref_slice %arg4[%add3A_161] : memref<1000000xf32, #tpu.memory_space<hbm>> -> memref<5216xf32, #tpu.memory_space<hbm>>
    tpu.enqueue_dma source(%arg11 : memref<5216xf32, #tpu.memory_space<vmem>>) target(%dma_start3A_163 : memref<5216xf32, #tpu.memory_space<hbm>>) target_semaphore(%arg23 : memref<!tpu.dma_semaphore, #tpu.memory_space<semaphore_mem>>)
    %dma_wait3A_164 = arith.constant 0 : i32
    %dma_wait3A_165 = tpu.memref_slice %arg5[%dma_wait3A_164] : memref<15648xi32, #tpu.memory_space<vmem>> -> memref<5216xi32, #tpu.memory_space<vmem>>
    %dma_wait3A_166 = tpu.memref_slice %arg3[%add3A_122] : memref<3000000xi32, #tpu.memory_space<hbm>> -> memref<5216xi32, #tpu.memory_space<hbm>>
    %dma_wait3A_167 = arith.constant 0 : i32
    %dma_wait3A_168 = tpu.memref_slice %arg5[%dma_wait3A_167] : memref<15648xi32, #tpu.memory_space<vmem>> -> memref<5216xi32, #tpu.memory_space<vmem>>
    %dma_wait3A_169 = tpu.memref_slice %arg3[%add3A_122] : memref<3000000xi32, #tpu.memory_space<hbm>> -> memref<5216xi32, #tpu.memory_space<hbm>>
    tpu.wait_dma2 semaphore(%arg13 : memref<!tpu.dma_semaphore, #tpu.memory_space<semaphore_mem>>) src(%dma_wait3A_169 : memref<5216xi32, #tpu.memory_space<hbm>>) dst(%dma_wait3A_168 : memref<5216xi32, #tpu.memory_space<vmem>>)
    %dma_wait3A_170 = arith.constant 5216 : i32
    %dma_wait3A_171 = tpu.memref_slice %arg5[%dma_wait3A_170] : memref<15648xi32, #tpu.memory_space<vmem>> -> memref<5216xi32, #tpu.memory_space<vmem>>
    %dma_wait3A_172 = tpu.memref_slice %arg3[%add3A_130] : memref<3000000xi32, #tpu.memory_space<hbm>> -> memref<5216xi32, #tpu.memory_space<hbm>>
    %dma_wait3A_173 = arith.constant 5216 : i32
    %dma_wait3A_174 = tpu.memref_slice %arg5[%dma_wait3A_173] : memref<15648xi32, #tpu.memory_space<vmem>> -> memref<5216xi32, #tpu.memory_space<vmem>>
    %dma_wait3A_175 = tpu.memref_slice %arg3[%add3A_130] : memref<3000000xi32, #tpu.memory_space<hbm>> -> memref<5216xi32, #tpu.memory_space<hbm>>
    tpu.wait_dma2 semaphore(%arg14 : memref<!tpu.dma_semaphore, #tpu.memory_space<semaphore_mem>>) src(%dma_wait3A_175 : memref<5216xi32, #tpu.memory_space<hbm>>) dst(%dma_wait3A_174 : memref<5216xi32, #tpu.memory_space<vmem>>)
    %dma_wait3A_176 = arith.constant 10432 : i32
    %dma_wait3A_177 = tpu.memref_slice %arg5[%dma_wait3A_176] : memref<15648xi32, #tpu.memory_space<vmem>> -> memref<5216xi32, #tpu.memory_space<vmem>>
    %dma_wait3A_178 = tpu.memref_slice %arg3[%add3A_138] : memref<3000000xi32, #tpu.memory_space<hbm>> -> memref<5216xi32, #tpu.memory_space<hbm>>
    %dma_wait3A_179 = arith.constant 10432 : i32
    %dma_wait3A_180 = tpu.memref_slice %arg5[%dma_wait3A_179] : memref<15648xi32, #tpu.memory_space<vmem>> -> memref<5216xi32, #tpu.memory_space<vmem>>
    %dma_wait3A_181 = tpu.memref_slice %arg3[%add3A_138] : memref<3000000xi32, #tpu.memory_space<hbm>> -> memref<5216xi32, #tpu.memory_space<hbm>>
    tpu.wait_dma2 semaphore(%arg15 : memref<!tpu.dma_semaphore, #tpu.memory_space<semaphore_mem>>) src(%dma_wait3A_181 : memref<5216xi32, #tpu.memory_space<hbm>>) dst(%dma_wait3A_180 : memref<5216xi32, #tpu.memory_space<vmem>>)
    %parallel_loop3A_182 = arith.constant 0 : i32
    %parallel_loop3A_183 = arith.constant 5216 : i32
    %parallel_loop3A_184 = arith.constant 16 : i32
    scf.for %parallel_loop3A_481 = %parallel_loop3A_182 to %parallel_loop3A_183 step %parallel_loop3A_184  : i32 {
      %parallel_loop3A_482 = arith.index_cast %parallel_loop3A_481 : i32 to index
      %parallel_loop3A_483 = tpu.vector_load %arg5[%parallel_loop3A_482] {strides = array<i32>} : memref<15648xi32, #tpu.memory_space<vmem>>, vector<16xi32>,
      %parallel_loop3A_484 = vector.shape_cast %parallel_loop3A_483 : vector<16xi32> to vector<16xi32>
      %parallel_loop3A_485 = arith.constant 5216 : i32
      %parallel_loop3A_486 = arith.addi %parallel_loop3A_481, %parallel_loop3A_485 : i32
      %parallel_loop3A_487 = arith.index_cast %parallel_loop3A_486 : i32 to index
      %parallel_loop3A_488 = tpu.vector_load %arg5[%parallel_loop3A_487] {strides = array<i32>} : memref<15648xi32, #tpu.memory_space<vmem>>, vector<16xi32>,
      %parallel_loop3A_489 = vector.shape_cast %parallel_loop3A_488 : vector<16xi32> to vector<16xi32>
      %parallel_loop3A_490 = arith.constant 10432 : i32
      %parallel_loop3A_491 = arith.addi %parallel_loop3A_481, %parallel_loop3A_490 : i32
      %parallel_loop3A_492 = arith.index_cast %parallel_loop3A_491 : i32 to index
      %parallel_loop3A_493 = tpu.vector_load %arg5[%parallel_loop3A_492] {strides = array<i32>} : memref<15648xi32, #tpu.memory_space<vmem>>, vector<16xi32>,
      %parallel_loop3A_494 = vector.shape_cast %parallel_loop3A_493 : vector<16xi32> to vector<16xi32>
      %parallel_loop3A_495 = arith.constant 4096 : i32
      %parallel_loop3A_496 = vector.broadcast %parallel_loop3A_495 : i32 to vector<16xi32>
      %parallel_loop3A_497 = arith.muli %parallel_loop3A_484, %parallel_loop3A_496 : vector<16xi32>
      %parallel_loop3A_498 = arith.addi %parallel_loop3A_497, %parallel_loop3A_489 : vector<16xi32>
      %parallel_loop3A_499 = arith.index_cast %parallel_loop3A_481 : i32 to index
      %parallel_loop3A_500 = tpu.vector_load %arg7[%parallel_loop3A_499] {strides = array<i32>} : memref<15648xi32, #tpu.memory_space<vmem>>, vector<16xi32>,
      %parallel_loop3A_501 = vector.shape_cast %parallel_loop3A_500 : vector<16xi32> to vector<16xi32>
      %parallel_loop3A_502 = vector.shape_cast %parallel_loop3A_498 : vector<16xi32> to vector<16xi32>
      tpu.vector_store %arg7[%parallel_loop3A_499], %parallel_loop3A_502 {strides = array<i32>} : memref<15648xi32, #tpu.memory_space<vmem>>, vector<16xi32>,
      %parallel_loop3A_503 = arith.addi %parallel_loop3A_497, %parallel_loop3A_494 : vector<16xi32>
      %parallel_loop3A_504 = arith.constant 5216 : i32
      %parallel_loop3A_505 = arith.addi %parallel_loop3A_481, %parallel_loop3A_504 : i32
      %parallel_loop3A_506 = arith.index_cast %parallel_loop3A_505 : i32 to index
      %parallel_loop3A_507 = tpu.vector_load %arg7[%parallel_loop3A_506] {strides = array<i32>} : memref<15648xi32, #tpu.memory_space<vmem>>, vector<16xi32>,
      %parallel_loop3A_508 = vector.shape_cast %parallel_loop3A_507 : vector<16xi32> to vector<16xi32>
      %parallel_loop3A_509 = vector.shape_cast %parallel_loop3A_503 : vector<16xi32> to vector<16xi32>
      tpu.vector_store %arg7[%parallel_loop3A_506], %parallel_loop3A_509 {strides = array<i32>} : memref<15648xi32, #tpu.memory_space<vmem>>, vector<16xi32>,
      %parallel_loop3A_510 = arith.constant 4096 : i32
      %parallel_loop3A_511 = vector.broadcast %parallel_loop3A_510 : i32 to vector<16xi32>
      %parallel_loop3A_512 = arith.muli %parallel_loop3A_489, %parallel_loop3A_511 : vector<16xi32>
      %parallel_loop3A_513 = arith.addi %parallel_loop3A_512, %parallel_loop3A_494 : vector<16xi32>
      %parallel_loop3A_514 = arith.constant 10432 : i32
      %parallel_loop3A_515 = arith.addi %parallel_loop3A_481, %parallel_loop3A_514 : i32
      %parallel_loop3A_516 = arith.index_cast %parallel_loop3A_515 : i32 to index
      %parallel_loop3A_517 = tpu.vector_load %arg7[%parallel_loop3A_516] {strides = array<i32>} : memref<15648xi32, #tpu.memory_space<vmem>>, vector<16xi32>,
      %parallel_loop3A_518 = vector.shape_cast %parallel_loop3A_517 : vector<16xi32> to vector<16xi32>
      %parallel_loop3A_519 = vector.shape_cast %parallel_loop3A_513 : vector<16xi32> to vector<16xi32>
      tpu.vector_store %arg7[%parallel_loop3A_516], %parallel_loop3A_519 {strides = array<i32>} : memref<15648xi32, #tpu.memory_space<vmem>>, vector<16xi32>,
    } {sc.loop_unroll_factor = 8 : i64, sc.parallel_access}
    %dma_start3A_185 = arith.constant 0 : i32
    %dma_start3A_186 = tpu.memref_slice %arg9[%dma_start3A_185] : memref<15648xf32, #tpu.memory_space<vmem>> -> memref<7824xf32, #tpu.memory_space<vmem>>
    %dma_start3A_187 = arith.constant 0 : i32
    %dma_start3A_188 = tpu.memref_slice %arg7[%dma_start3A_187] : memref<15648xi32, #tpu.memory_space<vmem>> -> memref<7824xi32, #tpu.memory_space<vmem>>
    %dma_start3A_189 = arith.constant 0 : i32
    %dma_start3A_190 = tpu.memref_slice %arg2[%dma_start3A_189] : memref<16777216xf32, #tpu.memory_space<hbm>> -> memref<16777216xf32, #tpu.memory_space<hbm>>
    tpu.enqueue_indirect_dma source(%dma_start3A_190 : memref<16777216xf32, #tpu.memory_space<hbm>>) target(%dma_start3A_186 : memref<7824xf32, #tpu.memory_space<vmem>>) offsets(%dma_start3A_188 : memref<7824xi32, #tpu.memory_space<vmem>>) semaphore(%arg19 : memref<!tpu.dma_semaphore, #tpu.memory_space<semaphore_mem>>)
    %dma_start3A_191 = arith.constant 7824 : i32
    %dma_start3A_192 = tpu.memref_slice %arg9[%dma_start3A_191] : memref<15648xf32, #tpu.memory_space<vmem>> -> memref<7824xf32, #tpu.memory_space<vmem>>
    %dma_start3A_193 = arith.constant 7824 : i32
    %dma_start3A_194 = tpu.memref_slice %arg7[%dma_start3A_193] : memref<15648xi32, #tpu.memory_space<vmem>> -> memref<7824xi32, #tpu.memory_space<vmem>>
    %dma_start3A_195 = arith.constant 0 : i32
    %dma_start3A_196 = tpu.memref_slice %arg2[%dma_start3A_195] : memref<16777216xf32, #tpu.memory_space<hbm>> -> memref<16777216xf32, #tpu.memory_space<hbm>>
    tpu.enqueue_indirect_dma source(%dma_start3A_196 : memref<16777216xf32, #tpu.memory_space<hbm>>) target(%dma_start3A_192 : memref<7824xf32, #tpu.memory_space<vmem>>) offsets(%dma_start3A_194 : memref<7824xi32, #tpu.memory_space<vmem>>) semaphore(%arg21 : memref<!tpu.dma_semaphore, #tpu.memory_space<semaphore_mem>>)
    %add3A_197 = arith.constant 15648 : i32
    %add3A_198 = arith.addi %min3A_3, %add3A_197 : i32
    %add3A_199 = arith.constant 0 : i32
    %add3A_200 = arith.addi %add3A_199, %add3A_198 : i32
    %dma_start3A_201 = arith.constant 0 : i32
    %dma_start3A_202 = tpu.memref_slice %arg6[%dma_start3A_201] : memref<15648xi32, #tpu.memory_space<vmem>> -> memref<5216xi32, #tpu.memory_space<vmem>>
    %dma_start3A_203 = tpu.memref_slice %arg3[%add3A_200] : memref<3000000xi32, #tpu.memory_space<hbm>> -> memref<5216xi32, #tpu.memory_space<hbm>>
    %dma_start3A_204 = arith.constant 0 : i32
    %dma_start3A_205 = tpu.memref_slice %arg6[%dma_start3A_204] : memref<15648xi32, #tpu.memory_space<vmem>> -> memref<5216xi32, #tpu.memory_space<vmem>>
    %dma_start3A_206 = tpu.memref_slice %arg3[%add3A_200] : memref<3000000xi32, #tpu.memory_space<hbm>> -> memref<5216xi32, #tpu.memory_space<hbm>>
    tpu.enqueue_dma source(%dma_start3A_206 : memref<5216xi32, #tpu.memory_space<hbm>>) target(%dma_start3A_205 : memref<5216xi32, #tpu.memory_space<vmem>>) target_semaphore(%arg16 : memref<!tpu.dma_semaphore, #tpu.memory_space<semaphore_mem>>)
    %add3A_207 = arith.constant 1000000 : i32
    %add3A_208 = arith.addi %add3A_207, %add3A_198 : i32
    %dma_start3A_209 = arith.constant 5216 : i32
    %dma_start3A_210 = tpu.memref_slice %arg6[%dma_start3A_209] : memref<15648xi32, #tpu.memory_space<vmem>> -> memref<5216xi32, #tpu.memory_space<vmem>>
    %dma_start3A_211 = tpu.memref_slice %arg3[%add3A_208] : memref<3000000xi32, #tpu.memory_space<hbm>> -> memref<5216xi32, #tpu.memory_space<hbm>>
    %dma_start3A_212 = arith.constant 5216 : i32
    %dma_start3A_213 = tpu.memref_slice %arg6[%dma_start3A_212] : memref<15648xi32, #tpu.memory_space<vmem>> -> memref<5216xi32, #tpu.memory_space<vmem>>
    %dma_start3A_214 = tpu.memref_slice %arg3[%add3A_208] : memref<3000000xi32, #tpu.memory_space<hbm>> -> memref<5216xi32, #tpu.memory_space<hbm>>
    tpu.enqueue_dma source(%dma_start3A_214 : memref<5216xi32, #tpu.memory_space<hbm>>) target(%dma_start3A_213 : memref<5216xi32, #tpu.memory_space<vmem>>) target_semaphore(%arg17 : memref<!tpu.dma_semaphore, #tpu.memory_space<semaphore_mem>>)
    %add3A_215 = arith.constant 2000000 : i32
    %add3A_216 = arith.addi %add3A_215, %add3A_198 : i32
    %dma_start3A_217 = arith.constant 10432 : i32
    %dma_start3A_218 = tpu.memref_slice %arg6[%dma_start3A_217] : memref<15648xi32, #tpu.memory_space<vmem>> -> memref<5216xi32, #tpu.memory_space<vmem>>
    %dma_start3A_219 = tpu.memref_slice %arg3[%add3A_216] : memref<3000000xi32, #tpu.memory_space<hbm>> -> memref<5216xi32, #tpu.memory_space<hbm>>
    %dma_start3A_220 = arith.constant 10432 : i32
    %dma_start3A_221 = tpu.memref_slice %arg6[%dma_start3A_220] : memref<15648xi32, #tpu.memory_space<vmem>> -> memref<5216xi32, #tpu.memory_space<vmem>>
    %dma_start3A_222 = tpu.memref_slice %arg3[%add3A_216] : memref<3000000xi32, #tpu.memory_space<hbm>> -> memref<5216xi32, #tpu.memory_space<hbm>>
    tpu.enqueue_dma source(%dma_start3A_222 : memref<5216xi32, #tpu.memory_space<hbm>>) target(%dma_start3A_221 : memref<5216xi32, #tpu.memory_space<vmem>>) target_semaphore(%arg18 : memref<!tpu.dma_semaphore, #tpu.memory_space<semaphore_mem>>)
    %dma_wait3A_223 = arith.constant 0 : i32
    %dma_wait3A_224 = tpu.memref_slice %arg10[%dma_wait3A_223] : memref<15648xf32, #tpu.memory_space<vmem>> -> memref<7824xf32, #tpu.memory_space<vmem>>
    %dma_wait3A_225 = arith.constant 0 : i32
    %dma_wait3A_226 = tpu.memref_slice %arg8[%dma_wait3A_225] : memref<15648xi32, #tpu.memory_space<vmem>> -> memref<7824xi32, #tpu.memory_space<vmem>>
    %dma_wait3A_227 = arith.constant 0 : i32
    %dma_wait3A_228 = tpu.memref_slice %arg2[%dma_wait3A_227] : memref<16777216xf32, #tpu.memory_space<hbm>> -> memref<16777216xf32, #tpu.memory_space<hbm>>
    tpu.wait_indirect_dma semaphore(%arg20 : memref<!tpu.dma_semaphore, #tpu.memory_space<semaphore_mem>>) src(%dma_wait3A_228 : memref<16777216xf32, #tpu.memory_space<hbm>>) dst(%dma_wait3A_224 : memref<7824xf32, #tpu.memory_space<vmem>>)
    %dma_wait3A_229 = arith.constant 7824 : i32
    %dma_wait3A_230 = tpu.memref_slice %arg10[%dma_wait3A_229] : memref<15648xf32, #tpu.memory_space<vmem>> -> memref<7824xf32, #tpu.memory_space<vmem>>
    %dma_wait3A_231 = arith.constant 7824 : i32
    %dma_wait3A_232 = tpu.memref_slice %arg8[%dma_wait3A_231] : memref<15648xi32, #tpu.memory_space<vmem>> -> memref<7824xi32, #tpu.memory_space<vmem>>
    %dma_wait3A_233 = arith.constant 0 : i32
    %dma_wait3A_234 = tpu.memref_slice %arg2[%dma_wait3A_233] : memref<16777216xf32, #tpu.memory_space<hbm>> -> memref<16777216xf32, #tpu.memory_space<hbm>>
    tpu.wait_indirect_dma semaphore(%arg22 : memref<!tpu.dma_semaphore, #tpu.memory_space<semaphore_mem>>) src(%dma_wait3A_234 : memref<16777216xf32, #tpu.memory_space<hbm>>) dst(%dma_wait3A_230 : memref<7824xf32, #tpu.memory_space<vmem>>)
    %parallel_loop3A_235 = arith.constant 0 : i32
    %parallel_loop3A_236 = arith.constant 5216 : i32
    %parallel_loop3A_237 = arith.constant 16 : i32
    scf.for %parallel_loop3A_481 = %parallel_loop3A_235 to %parallel_loop3A_236 step %parallel_loop3A_237  : i32 {
      %parallel_loop3A_482 = arith.index_cast %parallel_loop3A_481 : i32 to index
      %parallel_loop3A_483 = tpu.vector_load %arg10[%parallel_loop3A_482] {strides = array<i32>} : memref<15648xf32, #tpu.memory_space<vmem>>, vector<16xf32>,
      %parallel_loop3A_484 = vector.shape_cast %parallel_loop3A_483 : vector<16xf32> to vector<16xf32>
      %parallel_loop3A_485 = arith.constant 5216 : i32
      %parallel_loop3A_486 = arith.addi %parallel_loop3A_481, %parallel_loop3A_485 : i32
      %parallel_loop3A_487 = arith.index_cast %parallel_loop3A_486 : i32 to index
      %parallel_loop3A_488 = tpu.vector_load %arg10[%parallel_loop3A_487] {strides = array<i32>} : memref<15648xf32, #tpu.memory_space<vmem>>, vector<16xf32>,
      %parallel_loop3A_489 = vector.shape_cast %parallel_loop3A_488 : vector<16xf32> to vector<16xf32>
      %parallel_loop3A_490 = arith.addf %parallel_loop3A_484, %parallel_loop3A_489 : vector<16xf32>
      %parallel_loop3A_491 = arith.constant 10432 : i32
      %parallel_loop3A_492 = arith.addi %parallel_loop3A_481, %parallel_loop3A_491 : i32
      %parallel_loop3A_493 = arith.index_cast %parallel_loop3A_492 : i32 to index
      %parallel_loop3A_494 = tpu.vector_load %arg10[%parallel_loop3A_493] {strides = array<i32>} : memref<15648xf32, #tpu.memory_space<vmem>>, vector<16xf32>,
      %parallel_loop3A_495 = vector.shape_cast %parallel_loop3A_494 : vector<16xf32> to vector<16xf32>
      %parallel_loop3A_496 = arith.addf %parallel_loop3A_490, %parallel_loop3A_495 : vector<16xf32>
      %parallel_loop3A_497 = arith.constant 0.333333343 : f32
      %parallel_loop3A_498 = vector.broadcast %parallel_loop3A_497 : f32 to vector<16xf32>
      %parallel_loop3A_499 = arith.mulf %parallel_loop3A_496, %parallel_loop3A_498 : vector<16xf32>
      %parallel_loop3A_500 = arith.index_cast %parallel_loop3A_481 : i32 to index
      %parallel_loop3A_501 = tpu.vector_load %arg12[%parallel_loop3A_500] {strides = array<i32>} : memref<5216xf32, #tpu.memory_space<vmem>>, vector<16xf32>,
      %parallel_loop3A_502 = vector.shape_cast %parallel_loop3A_501 : vector<16xf32> to vector<16xf32>
      %parallel_loop3A_503 = vector.shape_cast %parallel_loop3A_499 : vector<16xf32> to vector<16xf32>
      tpu.vector_store %arg12[%parallel_loop3A_500], %parallel_loop3A_503 {strides = array<i32>} : memref<5216xf32, #tpu.memory_space<vmem>>, vector<16xf32>,
    } {sc.loop_unroll_factor = 8 : i64, sc.parallel_access}
    %add3A_238 = arith.constant 5216 : i32
    %add3A_239 = arith.addi %min3A_3, %add3A_238 : i32
    %dma_start3A_240 = tpu.memref_slice %arg4[%add3A_239] : memref<1000000xf32, #tpu.memory_space<hbm>> -> memref<5216xf32, #tpu.memory_space<hbm>>
    %dma_start3A_241 = tpu.memref_slice %arg4[%add3A_239] : memref<1000000xf32, #tpu.memory_space<hbm>> -> memref<5216xf32, #tpu.memory_space<hbm>>
    tpu.enqueue_dma source(%arg12 : memref<5216xf32, #tpu.memory_space<vmem>>) target(%dma_start3A_241 : memref<5216xf32, #tpu.memory_space<hbm>>) target_semaphore(%arg24 : memref<!tpu.dma_semaphore, #tpu.memory_space<semaphore_mem>>)
    %dma_wait3A_242 = arith.constant 0 : i32
    %dma_wait3A_243 = tpu.memref_slice %arg6[%dma_wait3A_242] : memref<15648xi32, #tpu.memory_space<vmem>> -> memref<5216xi32, #tpu.memory_space<vmem>>
    %dma_wait3A_244 = tpu.memref_slice %arg3[%add3A_200] : memref<3000000xi32, #tpu.memory_space<hbm>> -> memref<5216xi32, #tpu.memory_space<hbm>>
    %dma_wait3A_245 = arith.constant 0 : i32
    %dma_wait3A_246 = tpu.memref_slice %arg6[%dma_wait3A_245] : memref<15648xi32, #tpu.memory_space<vmem>> -> memref<5216xi32, #tpu.memory_space<vmem>>
    %dma_wait3A_247 = tpu.memref_slice %arg3[%add3A_200] : memref<3000000xi32, #tpu.memory_space<hbm>> -> memref<5216xi32, #tpu.memory_space<hbm>>
    tpu.wait_dma2 semaphore(%arg16 : memref<!tpu.dma_semaphore, #tpu.memory_space<semaphore_mem>>) src(%dma_wait3A_247 : memref<5216xi32, #tpu.memory_space<hbm>>) dst(%dma_wait3A_246 : memref<5216xi32, #tpu.memory_space<vmem>>)
    %dma_wait3A_248 = arith.constant 5216 : i32
    %dma_wait3A_249 = tpu.memref_slice %arg6[%dma_wait3A_248] : memref<15648xi32, #tpu.memory_space<vmem>> -> memref<5216xi32, #tpu.memory_space<vmem>>
    %dma_wait3A_250 = tpu.memref_slice %arg3[%add3A_208] : memref<3000000xi32, #tpu.memory_space<hbm>> -> memref<5216xi32, #tpu.memory_space<hbm>>
    %dma_wait3A_251 = arith.constant 5216 : i32
    %dma_wait3A_252 = tpu.memref_slice %arg6[%dma_wait3A_251] : memref<15648xi32, #tpu.memory_space<vmem>> -> memref<5216xi32, #tpu.memory_space<vmem>>
    %dma_wait3A_253 = tpu.memref_slice %arg3[%add3A_208] : memref<3000000xi32, #tpu.memory_space<hbm>> -> memref<5216xi32, #tpu.memory_space<hbm>>
    tpu.wait_dma2 semaphore(%arg17 : memref<!tpu.dma_semaphore, #tpu.memory_space<semaphore_mem>>) src(%dma_wait3A_253 : memref<5216xi32, #tpu.memory_space<hbm>>) dst(%dma_wait3A_252 : memref<5216xi32, #tpu.memory_space<vmem>>)
    %dma_wait3A_254 = arith.constant 10432 : i32
    %dma_wait3A_255 = tpu.memref_slice %arg6[%dma_wait3A_254] : memref<15648xi32, #tpu.memory_space<vmem>> -> memref<5216xi32, #tpu.memory_space<vmem>>
    %dma_wait3A_256 = tpu.memref_slice %arg3[%add3A_216] : memref<3000000xi32, #tpu.memory_space<hbm>> -> memref<5216xi32, #tpu.memory_space<hbm>>
    %dma_wait3A_257 = arith.constant 10432 : i32
    %dma_wait3A_258 = tpu.memref_slice %arg6[%dma_wait3A_257] : memref<15648xi32, #tpu.memory_space<vmem>> -> memref<5216xi32, #tpu.memory_space<vmem>>
    %dma_wait3A_259 = tpu.memref_slice %arg3[%add3A_216] : memref<3000000xi32, #tpu.memory_space<hbm>> -> memref<5216xi32, #tpu.memory_space<hbm>>
    tpu.wait_dma2 semaphore(%arg18 : memref<!tpu.dma_semaphore, #tpu.memory_space<semaphore_mem>>) src(%dma_wait3A_259 : memref<5216xi32, #tpu.memory_space<hbm>>) dst(%dma_wait3A_258 : memref<5216xi32, #tpu.memory_space<vmem>>)
    %parallel_loop3A_260 = arith.constant 0 : i32
    %parallel_loop3A_261 = arith.constant 5216 : i32
    %parallel_loop3A_262 = arith.constant 16 : i32
    scf.for %parallel_loop3A_481 = %parallel_loop3A_260 to %parallel_loop3A_261 step %parallel_loop3A_262  : i32 {
      %parallel_loop3A_482 = arith.index_cast %parallel_loop3A_481 : i32 to index
      %parallel_loop3A_483 = tpu.vector_load %arg6[%parallel_loop3A_482] {strides = array<i32>} : memref<15648xi32, #tpu.memory_space<vmem>>, vector<16xi32>,
      %parallel_loop3A_484 = vector.shape_cast %parallel_loop3A_483 : vector<16xi32> to vector<16xi32>
      %parallel_loop3A_485 = arith.constant 5216 : i32
      %parallel_loop3A_486 = arith.addi %parallel_loop3A_481, %parallel_loop3A_485 : i32
      %parallel_loop3A_487 = arith.index_cast %parallel_loop3A_486 : i32 to index
      %parallel_loop3A_488 = tpu.vector_load %arg6[%parallel_loop3A_487] {strides = array<i32>} : memref<15648xi32, #tpu.memory_space<vmem>>, vector<16xi32>,
      %parallel_loop3A_489 = vector.shape_cast %parallel_loop3A_488 : vector<16xi32> to vector<16xi32>
      %parallel_loop3A_490 = arith.constant 10432 : i32
      %parallel_loop3A_491 = arith.addi %parallel_loop3A_481, %parallel_loop3A_490 : i32
      %parallel_loop3A_492 = arith.index_cast %parallel_loop3A_491 : i32 to index
      %parallel_loop3A_493 = tpu.vector_load %arg6[%parallel_loop3A_492] {strides = array<i32>} : memref<15648xi32, #tpu.memory_space<vmem>>, vector<16xi32>,
      %parallel_loop3A_494 = vector.shape_cast %parallel_loop3A_493 : vector<16xi32> to vector<16xi32>
      %parallel_loop3A_495 = arith.constant 4096 : i32
      %parallel_loop3A_496 = vector.broadcast %parallel_loop3A_495 : i32 to vector<16xi32>
      %parallel_loop3A_497 = arith.muli %parallel_loop3A_484, %parallel_loop3A_496 : vector<16xi32>
      %parallel_loop3A_498 = arith.addi %parallel_loop3A_497, %parallel_loop3A_489 : vector<16xi32>
      %parallel_loop3A_499 = arith.index_cast %parallel_loop3A_481 : i32 to index
      %parallel_loop3A_500 = tpu.vector_load %arg8[%parallel_loop3A_499] {strides = array<i32>} : memref<15648xi32, #tpu.memory_space<vmem>>, vector<16xi32>,
      %parallel_loop3A_501 = vector.shape_cast %parallel_loop3A_500 : vector<16xi32> to vector<16xi32>
      %parallel_loop3A_502 = vector.shape_cast %parallel_loop3A_498 : vector<16xi32> to vector<16xi32>
      tpu.vector_store %arg8[%parallel_loop3A_499], %parallel_loop3A_502 {strides = array<i32>} : memref<15648xi32, #tpu.memory_space<vmem>>, vector<16xi32>,
      %parallel_loop3A_503 = arith.addi %parallel_loop3A_497, %parallel_loop3A_494 : vector<16xi32>
      %parallel_loop3A_504 = arith.constant 5216 : i32
      %parallel_loop3A_505 = arith.addi %parallel_loop3A_481, %parallel_loop3A_504 : i32
      %parallel_loop3A_506 = arith.index_cast %parallel_loop3A_505 : i32 to index
      %parallel_loop3A_507 = tpu.vector_load %arg8[%parallel_loop3A_506] {strides = array<i32>} : memref<15648xi32, #tpu.memory_space<vmem>>, vector<16xi32>,
      %parallel_loop3A_508 = vector.shape_cast %parallel_loop3A_507 : vector<16xi32> to vector<16xi32>
      %parallel_loop3A_509 = vector.shape_cast %parallel_loop3A_503 : vector<16xi32> to vector<16xi32>
      tpu.vector_store %arg8[%parallel_loop3A_506], %parallel_loop3A_509 {strides = array<i32>} : memref<15648xi32, #tpu.memory_space<vmem>>, vector<16xi32>,
      %parallel_loop3A_510 = arith.constant 4096 : i32
      %parallel_loop3A_511 = vector.broadcast %parallel_loop3A_510 : i32 to vector<16xi32>
      %parallel_loop3A_512 = arith.muli %parallel_loop3A_489, %parallel_loop3A_511 : vector<16xi32>
      %parallel_loop3A_513 = arith.addi %parallel_loop3A_512, %parallel_loop3A_494 : vector<16xi32>
      %parallel_loop3A_514 = arith.constant 10432 : i32
      %parallel_loop3A_515 = arith.addi %parallel_loop3A_481, %parallel_loop3A_514 : i32
      %parallel_loop3A_516 = arith.index_cast %parallel_loop3A_515 : i32 to index
      %parallel_loop3A_517 = tpu.vector_load %arg8[%parallel_loop3A_516] {strides = array<i32>} : memref<15648xi32, #tpu.memory_space<vmem>>, vector<16xi32>,
      %parallel_loop3A_518 = vector.shape_cast %parallel_loop3A_517 : vector<16xi32> to vector<16xi32>
      %parallel_loop3A_519 = vector.shape_cast %parallel_loop3A_513 : vector<16xi32> to vector<16xi32>
      tpu.vector_store %arg8[%parallel_loop3A_516], %parallel_loop3A_519 {strides = array<i32>} : memref<15648xi32, #tpu.memory_space<vmem>>, vector<16xi32>,
    } {sc.loop_unroll_factor = 8 : i64, sc.parallel_access}
    %dma_start3A_263 = arith.constant 0 : i32
    %dma_start3A_264 = tpu.memref_slice %arg10[%dma_start3A_263] : memref<15648xf32, #tpu.memory_space<vmem>> -> memref<7824xf32, #tpu.memory_space<vmem>>
    %dma_start3A_265 = arith.constant 0 : i32
    %dma_start3A_266 = tpu.memref_slice %arg8[%dma_start3A_265] : memref<15648xi32, #tpu.memory_space<vmem>> -> memref<7824xi32, #tpu.memory_space<vmem>>
    %dma_start3A_267 = arith.constant 0 : i32
    %dma_start3A_268 = tpu.memref_slice %arg2[%dma_start3A_267] : memref<16777216xf32, #tpu.memory_space<hbm>> -> memref<16777216xf32, #tpu.memory_space<hbm>>
    tpu.enqueue_indirect_dma source(%dma_start3A_268 : memref<16777216xf32, #tpu.memory_space<hbm>>) target(%dma_start3A_264 : memref<7824xf32, #tpu.memory_space<vmem>>) offsets(%dma_start3A_266 : memref<7824xi32, #tpu.memory_space<vmem>>) semaphore(%arg20 : memref<!tpu.dma_semaphore, #tpu.memory_space<semaphore_mem>>)
    %dma_start3A_269 = arith.constant 7824 : i32
    %dma_start3A_270 = tpu.memref_slice %arg10[%dma_start3A_269] : memref<15648xf32, #tpu.memory_space<vmem>> -> memref<7824xf32, #tpu.memory_space<vmem>>
    %dma_start3A_271 = arith.constant 7824 : i32
    %dma_start3A_272 = tpu.memref_slice %arg8[%dma_start3A_271] : memref<15648xi32, #tpu.memory_space<vmem>> -> memref<7824xi32, #tpu.memory_space<vmem>>
    %dma_start3A_273 = arith.constant 0 : i32
    %dma_start3A_274 = tpu.memref_slice %arg2[%dma_start3A_273] : memref<16777216xf32, #tpu.memory_space<hbm>> -> memref<16777216xf32, #tpu.memory_space<hbm>>
    tpu.enqueue_indirect_dma source(%dma_start3A_274 : memref<16777216xf32, #tpu.memory_space<hbm>>) target(%dma_start3A_270 : memref<7824xf32, #tpu.memory_space<vmem>>) offsets(%dma_start3A_272 : memref<7824xi32, #tpu.memory_space<vmem>>) semaphore(%arg22 : memref<!tpu.dma_semaphore, #tpu.memory_space<semaphore_mem>>)
    %add3A_275 = arith.constant 20864 : i32
    %add3A_276 = arith.addi %min3A_3, %add3A_275 : i32
    %add3A_277 = arith.constant 0 : i32
    %add3A_278 = arith.addi %add3A_277, %add3A_276 : i32
    %dma_start3A_279 = arith.constant 0 : i32
    %dma_start3A_280 = tpu.memref_slice %arg5[%dma_start3A_279] : memref<15648xi32, #tpu.memory_space<vmem>> -> memref<5216xi32, #tpu.memory_space<vmem>>
    %dma_start3A_281 = tpu.memref_slice %arg3[%add3A_278] : memref<3000000xi32, #tpu.memory_space<hbm>> -> memref<5216xi32, #tpu.memory_space<hbm>>
    %dma_start3A_282 = arith.constant 0 : i32
    %dma_start3A_283 = tpu.memref_slice %arg5[%dma_start3A_282] : memref<15648xi32, #tpu.memory_space<vmem>> -> memref<5216xi32, #tpu.memory_space<vmem>>
    %dma_start3A_284 = tpu.memref_slice %arg3[%add3A_278] : memref<3000000xi32, #tpu.memory_space<hbm>> -> memref<5216xi32, #tpu.memory_space<hbm>>
    tpu.enqueue_dma source(%dma_start3A_284 : memref<5216xi32, #tpu.memory_space<hbm>>) target(%dma_start3A_283 : memref<5216xi32, #tpu.memory_space<vmem>>) target_semaphore(%arg13 : memref<!tpu.dma_semaphore, #tpu.memory_space<semaphore_mem>>)
    %add3A_285 = arith.constant 1000000 : i32
    %add3A_286 = arith.addi %add3A_285, %add3A_276 : i32
    %dma_start3A_287 = arith.constant 5216 : i32
    %dma_start3A_288 = tpu.memref_slice %arg5[%dma_start3A_287] : memref<15648xi32, #tpu.memory_space<vmem>> -> memref<5216xi32, #tpu.memory_space<vmem>>
    %dma_start3A_289 = tpu.memref_slice %arg3[%add3A_286] : memref<3000000xi32, #tpu.memory_space<hbm>> -> memref<5216xi32, #tpu.memory_space<hbm>>
    %dma_start3A_290 = arith.constant 5216 : i32
    %dma_start3A_291 = tpu.memref_slice %arg5[%dma_start3A_290] : memref<15648xi32, #tpu.memory_space<vmem>> -> memref<5216xi32, #tpu.memory_space<vmem>>
    %dma_start3A_292 = tpu.memref_slice %arg3[%add3A_286] : memref<3000000xi32, #tpu.memory_space<hbm>> -> memref<5216xi32, #tpu.memory_space<hbm>>
    tpu.enqueue_dma source(%dma_start3A_292 : memref<5216xi32, #tpu.memory_space<hbm>>) target(%dma_start3A_291 : memref<5216xi32, #tpu.memory_space<vmem>>) target_semaphore(%arg14 : memref<!tpu.dma_semaphore, #tpu.memory_space<semaphore_mem>>)
    %add3A_293 = arith.constant 2000000 : i32
    %add3A_294 = arith.addi %add3A_293, %add3A_276 : i32
    %dma_start3A_295 = arith.constant 10432 : i32
    %dma_start3A_296 = tpu.memref_slice %arg5[%dma_start3A_295] : memref<15648xi32, #tpu.memory_space<vmem>> -> memref<5216xi32, #tpu.memory_space<vmem>>
    %dma_start3A_297 = tpu.memref_slice %arg3[%add3A_294] : memref<3000000xi32, #tpu.memory_space<hbm>> -> memref<5216xi32, #tpu.memory_space<hbm>>
    %dma_start3A_298 = arith.constant 10432 : i32
    %dma_start3A_299 = tpu.memref_slice %arg5[%dma_start3A_298] : memref<15648xi32, #tpu.memory_space<vmem>> -> memref<5216xi32, #tpu.memory_space<vmem>>
    %dma_start3A_300 = tpu.memref_slice %arg3[%add3A_294] : memref<3000000xi32, #tpu.memory_space<hbm>> -> memref<5216xi32, #tpu.memory_space<hbm>>
    tpu.enqueue_dma source(%dma_start3A_300 : memref<5216xi32, #tpu.memory_space<hbm>>) target(%dma_start3A_299 : memref<5216xi32, #tpu.memory_space<vmem>>) target_semaphore(%arg15 : memref<!tpu.dma_semaphore, #tpu.memory_space<semaphore_mem>>)
    %dma_wait3A_301 = arith.constant 0 : i32
    %dma_wait3A_302 = tpu.memref_slice %arg9[%dma_wait3A_301] : memref<15648xf32, #tpu.memory_space<vmem>> -> memref<7824xf32, #tpu.memory_space<vmem>>
    %dma_wait3A_303 = arith.constant 0 : i32
    %dma_wait3A_304 = tpu.memref_slice %arg7[%dma_wait3A_303] : memref<15648xi32, #tpu.memory_space<vmem>> -> memref<7824xi32, #tpu.memory_space<vmem>>
    %dma_wait3A_305 = arith.constant 0 : i32
    %dma_wait3A_306 = tpu.memref_slice %arg2[%dma_wait3A_305] : memref<16777216xf32, #tpu.memory_space<hbm>> -> memref<16777216xf32, #tpu.memory_space<hbm>>
    tpu.wait_indirect_dma semaphore(%arg19 : memref<!tpu.dma_semaphore, #tpu.memory_space<semaphore_mem>>) src(%dma_wait3A_306 : memref<16777216xf32, #tpu.memory_space<hbm>>) dst(%dma_wait3A_302 : memref<7824xf32, #tpu.memory_space<vmem>>)
    %dma_wait3A_307 = arith.constant 7824 : i32
    %dma_wait3A_308 = tpu.memref_slice %arg9[%dma_wait3A_307] : memref<15648xf32, #tpu.memory_space<vmem>> -> memref<7824xf32, #tpu.memory_space<vmem>>
    %dma_wait3A_309 = arith.constant 7824 : i32
    %dma_wait3A_310 = tpu.memref_slice %arg7[%dma_wait3A_309] : memref<15648xi32, #tpu.memory_space<vmem>> -> memref<7824xi32, #tpu.memory_space<vmem>>
    %dma_wait3A_311 = arith.constant 0 : i32
    %dma_wait3A_312 = tpu.memref_slice %arg2[%dma_wait3A_311] : memref<16777216xf32, #tpu.memory_space<hbm>> -> memref<16777216xf32, #tpu.memory_space<hbm>>
    tpu.wait_indirect_dma semaphore(%arg21 : memref<!tpu.dma_semaphore, #tpu.memory_space<semaphore_mem>>) src(%dma_wait3A_312 : memref<16777216xf32, #tpu.memory_space<hbm>>) dst(%dma_wait3A_308 : memref<7824xf32, #tpu.memory_space<vmem>>)
    %dma_wait3A_313 = tpu.memref_slice %arg4[%add3A_161] : memref<1000000xf32, #tpu.memory_space<hbm>> -> memref<5216xf32, #tpu.memory_space<hbm>>
    %dma_wait3A_314 = tpu.memref_slice %arg4[%add3A_161] : memref<1000000xf32, #tpu.memory_space<hbm>> -> memref<5216xf32, #tpu.memory_space<hbm>>
    tpu.wait_dma2 semaphore(%arg23 : memref<!tpu.dma_semaphore, #tpu.memory_space<semaphore_mem>>) src(%arg11 : memref<5216xf32, #tpu.memory_space<vmem>>) dst(%dma_wait3A_314 : memref<5216xf32, #tpu.memory_space<hbm>>)
    %parallel_loop3A_315 = arith.constant 0 : i32
    %parallel_loop3A_316 = arith.constant 5216 : i32
    %parallel_loop3A_317 = arith.constant 16 : i32
    scf.for %parallel_loop3A_481 = %parallel_loop3A_315 to %parallel_loop3A_316 step %parallel_loop3A_317  : i32 {
      %parallel_loop3A_482 = arith.index_cast %parallel_loop3A_481 : i32 to index
      %parallel_loop3A_483 = tpu.vector_load %arg9[%parallel_loop3A_482] {strides = array<i32>} : memref<15648xf32, #tpu.memory_space<vmem>>, vector<16xf32>,
      %parallel_loop3A_484 = vector.shape_cast %parallel_loop3A_483 : vector<16xf32> to vector<16xf32>
      %parallel_loop3A_485 = arith.constant 5216 : i32
      %parallel_loop3A_486 = arith.addi %parallel_loop3A_481, %parallel_loop3A_485 : i32
      %parallel_loop3A_487 = arith.index_cast %parallel_loop3A_486 : i32 to index
      %parallel_loop3A_488 = tpu.vector_load %arg9[%parallel_loop3A_487] {strides = array<i32>} : memref<15648xf32, #tpu.memory_space<vmem>>, vector<16xf32>,
      %parallel_loop3A_489 = vector.shape_cast %parallel_loop3A_488 : vector<16xf32> to vector<16xf32>
      %parallel_loop3A_490 = arith.addf %parallel_loop3A_484, %parallel_loop3A_489 : vector<16xf32>
      %parallel_loop3A_491 = arith.constant 10432 : i32
      %parallel_loop3A_492 = arith.addi %parallel_loop3A_481, %parallel_loop3A_491 : i32
      %parallel_loop3A_493 = arith.index_cast %parallel_loop3A_492 : i32 to index
      %parallel_loop3A_494 = tpu.vector_load %arg9[%parallel_loop3A_493] {strides = array<i32>} : memref<15648xf32, #tpu.memory_space<vmem>>, vector<16xf32>,
      %parallel_loop3A_495 = vector.shape_cast %parallel_loop3A_494 : vector<16xf32> to vector<16xf32>
      %parallel_loop3A_496 = arith.addf %parallel_loop3A_490, %parallel_loop3A_495 : vector<16xf32>
      %parallel_loop3A_497 = arith.constant 0.333333343 : f32
      %parallel_loop3A_498 = vector.broadcast %parallel_loop3A_497 : f32 to vector<16xf32>
      %parallel_loop3A_499 = arith.mulf %parallel_loop3A_496, %parallel_loop3A_498 : vector<16xf32>
      %parallel_loop3A_500 = arith.index_cast %parallel_loop3A_481 : i32 to index
      %parallel_loop3A_501 = tpu.vector_load %arg11[%parallel_loop3A_500] {strides = array<i32>} : memref<5216xf32, #tpu.memory_space<vmem>>, vector<16xf32>,
      %parallel_loop3A_502 = vector.shape_cast %parallel_loop3A_501 : vector<16xf32> to vector<16xf32>
      %parallel_loop3A_503 = vector.shape_cast %parallel_loop3A_499 : vector<16xf32> to vector<16xf32>
      tpu.vector_store %arg11[%parallel_loop3A_500], %parallel_loop3A_503 {strides = array<i32>} : memref<5216xf32, #tpu.memory_space<vmem>>, vector<16xf32>,
    } {sc.loop_unroll_factor = 8 : i64, sc.parallel_access}
    %add3A_318 = arith.constant 10432 : i32
    %add3A_319 = arith.addi %min3A_3, %add3A_318 : i32
    %dma_start3A_320 = tpu.memref_slice %arg4[%add3A_319] : memref<1000000xf32, #tpu.memory_space<hbm>> -> memref<5216xf32, #tpu.memory_space<hbm>>
    %dma_start3A_321 = tpu.memref_slice %arg4[%add3A_319] : memref<1000000xf32, #tpu.memory_space<hbm>> -> memref<5216xf32, #tpu.memory_space<hbm>>
    tpu.enqueue_dma source(%arg11 : memref<5216xf32, #tpu.memory_space<vmem>>) target(%dma_start3A_321 : memref<5216xf32, #tpu.memory_space<hbm>>) target_semaphore(%arg23 : memref<!tpu.dma_semaphore, #tpu.memory_space<semaphore_mem>>)
    %dma_wait3A_322 = arith.constant 0 : i32
    %dma_wait3A_323 = tpu.memref_slice %arg5[%dma_wait3A_322] : memref<15648xi32, #tpu.memory_space<vmem>> -> memref<5216xi32, #tpu.memory_space<vmem>>
    %dma_wait3A_324 = tpu.memref_slice %arg3[%add3A_278] : memref<3000000xi32, #tpu.memory_space<hbm>> -> memref<5216xi32, #tpu.memory_space<hbm>>
    %dma_wait3A_325 = arith.constant 0 : i32
    %dma_wait3A_326 = tpu.memref_slice %arg5[%dma_wait3A_325] : memref<15648xi32, #tpu.memory_space<vmem>> -> memref<5216xi32, #tpu.memory_space<vmem>>
    %dma_wait3A_327 = tpu.memref_slice %arg3[%add3A_278] : memref<3000000xi32, #tpu.memory_space<hbm>> -> memref<5216xi32, #tpu.memory_space<hbm>>
    tpu.wait_dma2 semaphore(%arg13 : memref<!tpu.dma_semaphore, #tpu.memory_space<semaphore_mem>>) src(%dma_wait3A_327 : memref<5216xi32, #tpu.memory_space<hbm>>) dst(%dma_wait3A_326 : memref<5216xi32, #tpu.memory_space<vmem>>)
    %dma_wait3A_328 = arith.constant 5216 : i32
    %dma_wait3A_329 = tpu.memref_slice %arg5[%dma_wait3A_328] : memref<15648xi32, #tpu.memory_space<vmem>> -> memref<5216xi32, #tpu.memory_space<vmem>>
    %dma_wait3A_330 = tpu.memref_slice %arg3[%add3A_286] : memref<3000000xi32, #tpu.memory_space<hbm>> -> memref<5216xi32, #tpu.memory_space<hbm>>
    %dma_wait3A_331 = arith.constant 5216 : i32
    %dma_wait3A_332 = tpu.memref_slice %arg5[%dma_wait3A_331] : memref<15648xi32, #tpu.memory_space<vmem>> -> memref<5216xi32, #tpu.memory_space<vmem>>
    %dma_wait3A_333 = tpu.memref_slice %arg3[%add3A_286] : memref<3000000xi32, #tpu.memory_space<hbm>> -> memref<5216xi32, #tpu.memory_space<hbm>>
    tpu.wait_dma2 semaphore(%arg14 : memref<!tpu.dma_semaphore, #tpu.memory_space<semaphore_mem>>) src(%dma_wait3A_333 : memref<5216xi32, #tpu.memory_space<hbm>>) dst(%dma_wait3A_332 : memref<5216xi32, #tpu.memory_space<vmem>>)
    %dma_wait3A_334 = arith.constant 10432 : i32
    %dma_wait3A_335 = tpu.memref_slice %arg5[%dma_wait3A_334] : memref<15648xi32, #tpu.memory_space<vmem>> -> memref<5216xi32, #tpu.memory_space<vmem>>
    %dma_wait3A_336 = tpu.memref_slice %arg3[%add3A_294] : memref<3000000xi32, #tpu.memory_space<hbm>> -> memref<5216xi32, #tpu.memory_space<hbm>>
    %dma_wait3A_337 = arith.constant 10432 : i32
    %dma_wait3A_338 = tpu.memref_slice %arg5[%dma_wait3A_337] : memref<15648xi32, #tpu.memory_space<vmem>> -> memref<5216xi32, #tpu.memory_space<vmem>>
    %dma_wait3A_339 = tpu.memref_slice %arg3[%add3A_294] : memref<3000000xi32, #tpu.memory_space<hbm>> -> memref<5216xi32, #tpu.memory_space<hbm>>
    tpu.wait_dma2 semaphore(%arg15 : memref<!tpu.dma_semaphore, #tpu.memory_space<semaphore_mem>>) src(%dma_wait3A_339 : memref<5216xi32, #tpu.memory_space<hbm>>) dst(%dma_wait3A_338 : memref<5216xi32, #tpu.memory_space<vmem>>)
    %parallel_loop3A_340 = arith.constant 0 : i32
    %parallel_loop3A_341 = arith.constant 5216 : i32
    %parallel_loop3A_342 = arith.constant 16 : i32
    scf.for %parallel_loop3A_481 = %parallel_loop3A_340 to %parallel_loop3A_341 step %parallel_loop3A_342  : i32 {
      %parallel_loop3A_482 = arith.index_cast %parallel_loop3A_481 : i32 to index
      %parallel_loop3A_483 = tpu.vector_load %arg5[%parallel_loop3A_482] {strides = array<i32>} : memref<15648xi32, #tpu.memory_space<vmem>>, vector<16xi32>,
      %parallel_loop3A_484 = vector.shape_cast %parallel_loop3A_483 : vector<16xi32> to vector<16xi32>
      %parallel_loop3A_485 = arith.constant 5216 : i32
      %parallel_loop3A_486 = arith.addi %parallel_loop3A_481, %parallel_loop3A_485 : i32
      %parallel_loop3A_487 = arith.index_cast %parallel_loop3A_486 : i32 to index
      %parallel_loop3A_488 = tpu.vector_load %arg5[%parallel_loop3A_487] {strides = array<i32>} : memref<15648xi32, #tpu.memory_space<vmem>>, vector<16xi32>,
      %parallel_loop3A_489 = vector.shape_cast %parallel_loop3A_488 : vector<16xi32> to vector<16xi32>
      %parallel_loop3A_490 = arith.constant 10432 : i32
      %parallel_loop3A_491 = arith.addi %parallel_loop3A_481, %parallel_loop3A_490 : i32
      %parallel_loop3A_492 = arith.index_cast %parallel_loop3A_491 : i32 to index
      %parallel_loop3A_493 = tpu.vector_load %arg5[%parallel_loop3A_492] {strides = array<i32>} : memref<15648xi32, #tpu.memory_space<vmem>>, vector<16xi32>,
      %parallel_loop3A_494 = vector.shape_cast %parallel_loop3A_493 : vector<16xi32> to vector<16xi32>
      %parallel_loop3A_495 = arith.constant 4096 : i32
      %parallel_loop3A_496 = vector.broadcast %parallel_loop3A_495 : i32 to vector<16xi32>
      %parallel_loop3A_497 = arith.muli %parallel_loop3A_484, %parallel_loop3A_496 : vector<16xi32>
      %parallel_loop3A_498 = arith.addi %parallel_loop3A_497, %parallel_loop3A_489 : vector<16xi32>
      %parallel_loop3A_499 = arith.index_cast %parallel_loop3A_481 : i32 to index
      %parallel_loop3A_500 = tpu.vector_load %arg7[%parallel_loop3A_499] {strides = array<i32>} : memref<15648xi32, #tpu.memory_space<vmem>>, vector<16xi32>,
      %parallel_loop3A_501 = vector.shape_cast %parallel_loop3A_500 : vector<16xi32> to vector<16xi32>
      %parallel_loop3A_502 = vector.shape_cast %parallel_loop3A_498 : vector<16xi32> to vector<16xi32>
      tpu.vector_store %arg7[%parallel_loop3A_499], %parallel_loop3A_502 {strides = array<i32>} : memref<15648xi32, #tpu.memory_space<vmem>>, vector<16xi32>,
      %parallel_loop3A_503 = arith.addi %parallel_loop3A_497, %parallel_loop3A_494 : vector<16xi32>
      %parallel_loop3A_504 = arith.constant 5216 : i32
      %parallel_loop3A_505 = arith.addi %parallel_loop3A_481, %parallel_loop3A_504 : i32
      %parallel_loop3A_506 = arith.index_cast %parallel_loop3A_505 : i32 to index
      %parallel_loop3A_507 = tpu.vector_load %arg7[%parallel_loop3A_506] {strides = array<i32>} : memref<15648xi32, #tpu.memory_space<vmem>>, vector<16xi32>,
      %parallel_loop3A_508 = vector.shape_cast %parallel_loop3A_507 : vector<16xi32> to vector<16xi32>
      %parallel_loop3A_509 = vector.shape_cast %parallel_loop3A_503 : vector<16xi32> to vector<16xi32>
      tpu.vector_store %arg7[%parallel_loop3A_506], %parallel_loop3A_509 {strides = array<i32>} : memref<15648xi32, #tpu.memory_space<vmem>>, vector<16xi32>,
      %parallel_loop3A_510 = arith.constant 4096 : i32
      %parallel_loop3A_511 = vector.broadcast %parallel_loop3A_510 : i32 to vector<16xi32>
      %parallel_loop3A_512 = arith.muli %parallel_loop3A_489, %parallel_loop3A_511 : vector<16xi32>
      %parallel_loop3A_513 = arith.addi %parallel_loop3A_512, %parallel_loop3A_494 : vector<16xi32>
      %parallel_loop3A_514 = arith.constant 10432 : i32
      %parallel_loop3A_515 = arith.addi %parallel_loop3A_481, %parallel_loop3A_514 : i32
      %parallel_loop3A_516 = arith.index_cast %parallel_loop3A_515 : i32 to index
      %parallel_loop3A_517 = tpu.vector_load %arg7[%parallel_loop3A_516] {strides = array<i32>} : memref<15648xi32, #tpu.memory_space<vmem>>, vector<16xi32>,
      %parallel_loop3A_518 = vector.shape_cast %parallel_loop3A_517 : vector<16xi32> to vector<16xi32>
      %parallel_loop3A_519 = vector.shape_cast %parallel_loop3A_513 : vector<16xi32> to vector<16xi32>
      tpu.vector_store %arg7[%parallel_loop3A_516], %parallel_loop3A_519 {strides = array<i32>} : memref<15648xi32, #tpu.memory_space<vmem>>, vector<16xi32>,
    } {sc.loop_unroll_factor = 8 : i64, sc.parallel_access}
    %dma_start3A_343 = arith.constant 0 : i32
    %dma_start3A_344 = tpu.memref_slice %arg9[%dma_start3A_343] : memref<15648xf32, #tpu.memory_space<vmem>> -> memref<7824xf32, #tpu.memory_space<vmem>>
    %dma_start3A_345 = arith.constant 0 : i32
    %dma_start3A_346 = tpu.memref_slice %arg7[%dma_start3A_345] : memref<15648xi32, #tpu.memory_space<vmem>> -> memref<7824xi32, #tpu.memory_space<vmem>>
    %dma_start3A_347 = arith.constant 0 : i32
    %dma_start3A_348 = tpu.memref_slice %arg2[%dma_start3A_347] : memref<16777216xf32, #tpu.memory_space<hbm>> -> memref<16777216xf32, #tpu.memory_space<hbm>>
    tpu.enqueue_indirect_dma source(%dma_start3A_348 : memref<16777216xf32, #tpu.memory_space<hbm>>) target(%dma_start3A_344 : memref<7824xf32, #tpu.memory_space<vmem>>) offsets(%dma_start3A_346 : memref<7824xi32, #tpu.memory_space<vmem>>) semaphore(%arg19 : memref<!tpu.dma_semaphore, #tpu.memory_space<semaphore_mem>>)
    %dma_start3A_349 = arith.constant 7824 : i32
    %dma_start3A_350 = tpu.memref_slice %arg9[%dma_start3A_349] : memref<15648xf32, #tpu.memory_space<vmem>> -> memref<7824xf32, #tpu.memory_space<vmem>>
    %dma_start3A_351 = arith.constant 7824 : i32
    %dma_start3A_352 = tpu.memref_slice %arg7[%dma_start3A_351] : memref<15648xi32, #tpu.memory_space<vmem>> -> memref<7824xi32, #tpu.memory_space<vmem>>
    %dma_start3A_353 = arith.constant 0 : i32
    %dma_start3A_354 = tpu.memref_slice %arg2[%dma_start3A_353] : memref<16777216xf32, #tpu.memory_space<hbm>> -> memref<16777216xf32, #tpu.memory_space<hbm>>
    tpu.enqueue_indirect_dma source(%dma_start3A_354 : memref<16777216xf32, #tpu.memory_space<hbm>>) target(%dma_start3A_350 : memref<7824xf32, #tpu.memory_space<vmem>>) offsets(%dma_start3A_352 : memref<7824xi32, #tpu.memory_space<vmem>>) semaphore(%arg21 : memref<!tpu.dma_semaphore, #tpu.memory_space<semaphore_mem>>)
    %add3A_355 = arith.constant 26080 : i32
    %add3A_356 = arith.addi %min3A_3, %add3A_355 : i32
    %add3A_357 = arith.constant 0 : i32
    %add3A_358 = arith.addi %add3A_357, %add3A_356 : i32
    %dma_start3A_359 = arith.constant 0 : i32
    %dma_start3A_360 = tpu.memref_slice %arg6[%dma_start3A_359] : memref<15648xi32, #tpu.memory_space<vmem>> -> memref<5216xi32, #tpu.memory_space<vmem>>
    %dma_start3A_361 = tpu.memref_slice %arg3[%add3A_358] : memref<3000000xi32, #tpu.memory_space<hbm>> -> memref<5216xi32, #tpu.memory_space<hbm>>
    %dma_start3A_362 = arith.constant 0 : i32
    %dma_start3A_363 = tpu.memref_slice %arg6[%dma_start3A_362] : memref<15648xi32, #tpu.memory_space<vmem>> -> memref<5216xi32, #tpu.memory_space<vmem>>
    %dma_start3A_364 = tpu.memref_slice %arg3[%add3A_358] : memref<3000000xi32, #tpu.memory_space<hbm>> -> memref<5216xi32, #tpu.memory_space<hbm>>
    tpu.enqueue_dma source(%dma_start3A_364 : memref<5216xi32, #tpu.memory_space<hbm>>) target(%dma_start3A_363 : memref<5216xi32, #tpu.memory_space<vmem>>) target_semaphore(%arg16 : memref<!tpu.dma_semaphore, #tpu.memory_space<semaphore_mem>>)
    %add3A_365 = arith.constant 1000000 : i32
    %add3A_366 = arith.addi %add3A_365, %add3A_356 : i32
    %dma_start3A_367 = arith.constant 5216 : i32
    %dma_start3A_368 = tpu.memref_slice %arg6[%dma_start3A_367] : memref<15648xi32, #tpu.memory_space<vmem>> -> memref<5216xi32, #tpu.memory_space<vmem>>
    %dma_start3A_369 = tpu.memref_slice %arg3[%add3A_366] : memref<3000000xi32, #tpu.memory_space<hbm>> -> memref<5216xi32, #tpu.memory_space<hbm>>
    %dma_start3A_370 = arith.constant 5216 : i32
    %dma_start3A_371 = tpu.memref_slice %arg6[%dma_start3A_370] : memref<15648xi32, #tpu.memory_space<vmem>> -> memref<5216xi32, #tpu.memory_space<vmem>>
    %dma_start3A_372 = tpu.memref_slice %arg3[%add3A_366] : memref<3000000xi32, #tpu.memory_space<hbm>> -> memref<5216xi32, #tpu.memory_space<hbm>>
    tpu.enqueue_dma source(%dma_start3A_372 : memref<5216xi32, #tpu.memory_space<hbm>>) target(%dma_start3A_371 : memref<5216xi32, #tpu.memory_space<vmem>>) target_semaphore(%arg17 : memref<!tpu.dma_semaphore, #tpu.memory_space<semaphore_mem>>)
    %add3A_373 = arith.constant 2000000 : i32
    %add3A_374 = arith.addi %add3A_373, %add3A_356 : i32
    %dma_start3A_375 = arith.constant 10432 : i32
    %dma_start3A_376 = tpu.memref_slice %arg6[%dma_start3A_375] : memref<15648xi32, #tpu.memory_space<vmem>> -> memref<5216xi32, #tpu.memory_space<vmem>>
    %dma_start3A_377 = tpu.memref_slice %arg3[%add3A_374] : memref<3000000xi32, #tpu.memory_space<hbm>> -> memref<5216xi32, #tpu.memory_space<hbm>>
    %dma_start3A_378 = arith.constant 10432 : i32
    %dma_start3A_379 = tpu.memref_slice %arg6[%dma_start3A_378] : memref<15648xi32, #tpu.memory_space<vmem>> -> memref<5216xi32, #tpu.memory_space<vmem>>
    %dma_start3A_380 = tpu.memref_slice %arg3[%add3A_374] : memref<3000000xi32, #tpu.memory_space<hbm>> -> memref<5216xi32, #tpu.memory_space<hbm>>
    tpu.enqueue_dma source(%dma_start3A_380 : memref<5216xi32, #tpu.memory_space<hbm>>) target(%dma_start3A_379 : memref<5216xi32, #tpu.memory_space<vmem>>) target_semaphore(%arg18 : memref<!tpu.dma_semaphore, #tpu.memory_space<semaphore_mem>>)
    %dma_wait3A_381 = arith.constant 0 : i32
    %dma_wait3A_382 = tpu.memref_slice %arg10[%dma_wait3A_381] : memref<15648xf32, #tpu.memory_space<vmem>> -> memref<7824xf32, #tpu.memory_space<vmem>>
    %dma_wait3A_383 = arith.constant 0 : i32
    %dma_wait3A_384 = tpu.memref_slice %arg8[%dma_wait3A_383] : memref<15648xi32, #tpu.memory_space<vmem>> -> memref<7824xi32, #tpu.memory_space<vmem>>
    %dma_wait3A_385 = arith.constant 0 : i32
    %dma_wait3A_386 = tpu.memref_slice %arg2[%dma_wait3A_385] : memref<16777216xf32, #tpu.memory_space<hbm>> -> memref<16777216xf32, #tpu.memory_space<hbm>>
    tpu.wait_indirect_dma semaphore(%arg20 : memref<!tpu.dma_semaphore, #tpu.memory_space<semaphore_mem>>) src(%dma_wait3A_386 : memref<16777216xf32, #tpu.memory_space<hbm>>) dst(%dma_wait3A_382 : memref<7824xf32, #tpu.memory_space<vmem>>)
    %dma_wait3A_387 = arith.constant 7824 : i32
    %dma_wait3A_388 = tpu.memref_slice %arg10[%dma_wait3A_387] : memref<15648xf32, #tpu.memory_space<vmem>> -> memref<7824xf32, #tpu.memory_space<vmem>>
    %dma_wait3A_389 = arith.constant 7824 : i32
    %dma_wait3A_390 = tpu.memref_slice %arg8[%dma_wait3A_389] : memref<15648xi32, #tpu.memory_space<vmem>> -> memref<7824xi32, #tpu.memory_space<vmem>>
    %dma_wait3A_391 = arith.constant 0 : i32
    %dma_wait3A_392 = tpu.memref_slice %arg2[%dma_wait3A_391] : memref<16777216xf32, #tpu.memory_space<hbm>> -> memref<16777216xf32, #tpu.memory_space<hbm>>
    tpu.wait_indirect_dma semaphore(%arg22 : memref<!tpu.dma_semaphore, #tpu.memory_space<semaphore_mem>>) src(%dma_wait3A_392 : memref<16777216xf32, #tpu.memory_space<hbm>>) dst(%dma_wait3A_388 : memref<7824xf32, #tpu.memory_space<vmem>>)
    %dma_wait3A_393 = tpu.memref_slice %arg4[%add3A_239] : memref<1000000xf32, #tpu.memory_space<hbm>> -> memref<5216xf32, #tpu.memory_space<hbm>>
    %dma_wait3A_394 = tpu.memref_slice %arg4[%add3A_239] : memref<1000000xf32, #tpu.memory_space<hbm>> -> memref<5216xf32, #tpu.memory_space<hbm>>
    tpu.wait_dma2 semaphore(%arg24 : memref<!tpu.dma_semaphore, #tpu.memory_space<semaphore_mem>>) src(%arg12 : memref<5216xf32, #tpu.memory_space<vmem>>) dst(%dma_wait3A_394 : memref<5216xf32, #tpu.memory_space<hbm>>)
    %parallel_loop3A_395 = arith.constant 0 : i32
    %parallel_loop3A_396 = arith.constant 5216 : i32
    %parallel_loop3A_397 = arith.constant 16 : i32
    scf.for %parallel_loop3A_481 = %parallel_loop3A_395 to %parallel_loop3A_396 step %parallel_loop3A_397  : i32 {
      %parallel_loop3A_482 = arith.index_cast %parallel_loop3A_481 : i32 to index
      %parallel_loop3A_483 = tpu.vector_load %arg10[%parallel_loop3A_482] {strides = array<i32>} : memref<15648xf32, #tpu.memory_space<vmem>>, vector<16xf32>,
      %parallel_loop3A_484 = vector.shape_cast %parallel_loop3A_483 : vector<16xf32> to vector<16xf32>
      %parallel_loop3A_485 = arith.constant 5216 : i32
      %parallel_loop3A_486 = arith.addi %parallel_loop3A_481, %parallel_loop3A_485 : i32
      %parallel_loop3A_487 = arith.index_cast %parallel_loop3A_486 : i32 to index
      %parallel_loop3A_488 = tpu.vector_load %arg10[%parallel_loop3A_487] {strides = array<i32>} : memref<15648xf32, #tpu.memory_space<vmem>>, vector<16xf32>,
      %parallel_loop3A_489 = vector.shape_cast %parallel_loop3A_488 : vector<16xf32> to vector<16xf32>
      %parallel_loop3A_490 = arith.addf %parallel_loop3A_484, %parallel_loop3A_489 : vector<16xf32>
      %parallel_loop3A_491 = arith.constant 10432 : i32
      %parallel_loop3A_492 = arith.addi %parallel_loop3A_481, %parallel_loop3A_491 : i32
      %parallel_loop3A_493 = arith.index_cast %parallel_loop3A_492 : i32 to index
      %parallel_loop3A_494 = tpu.vector_load %arg10[%parallel_loop3A_493] {strides = array<i32>} : memref<15648xf32, #tpu.memory_space<vmem>>, vector<16xf32>,
      %parallel_loop3A_495 = vector.shape_cast %parallel_loop3A_494 : vector<16xf32> to vector<16xf32>
      %parallel_loop3A_496 = arith.addf %parallel_loop3A_490, %parallel_loop3A_495 : vector<16xf32>
      %parallel_loop3A_497 = arith.constant 0.333333343 : f32
      %parallel_loop3A_498 = vector.broadcast %parallel_loop3A_497 : f32 to vector<16xf32>
      %parallel_loop3A_499 = arith.mulf %parallel_loop3A_496, %parallel_loop3A_498 : vector<16xf32>
      %parallel_loop3A_500 = arith.index_cast %parallel_loop3A_481 : i32 to index
      %parallel_loop3A_501 = tpu.vector_load %arg12[%parallel_loop3A_500] {strides = array<i32>} : memref<5216xf32, #tpu.memory_space<vmem>>, vector<16xf32>,
      %parallel_loop3A_502 = vector.shape_cast %parallel_loop3A_501 : vector<16xf32> to vector<16xf32>
      %parallel_loop3A_503 = vector.shape_cast %parallel_loop3A_499 : vector<16xf32> to vector<16xf32>
      tpu.vector_store %arg12[%parallel_loop3A_500], %parallel_loop3A_503 {strides = array<i32>} : memref<5216xf32, #tpu.memory_space<vmem>>, vector<16xf32>,
    } {sc.loop_unroll_factor = 8 : i64, sc.parallel_access}
    %add3A_398 = arith.constant 15648 : i32
    %add3A_399 = arith.addi %min3A_3, %add3A_398 : i32
    %dma_start3A_400 = tpu.memref_slice %arg4[%add3A_399] : memref<1000000xf32, #tpu.memory_space<hbm>> -> memref<5216xf32, #tpu.memory_space<hbm>>
    %dma_start3A_401 = tpu.memref_slice %arg4[%add3A_399] : memref<1000000xf32, #tpu.memory_space<hbm>> -> memref<5216xf32, #tpu.memory_space<hbm>>
    tpu.enqueue_dma source(%arg12 : memref<5216xf32, #tpu.memory_space<vmem>>) target(%dma_start3A_401 : memref<5216xf32, #tpu.memory_space<hbm>>) target_semaphore(%arg24 : memref<!tpu.dma_semaphore, #tpu.memory_space<semaphore_mem>>)
    %dma_wait3A_402 = arith.constant 0 : i32
    %dma_wait3A_403 = tpu.memref_slice %arg6[%dma_wait3A_402] : memref<15648xi32, #tpu.memory_space<vmem>> -> memref<5216xi32, #tpu.memory_space<vmem>>
    %dma_wait3A_404 = tpu.memref_slice %arg3[%add3A_358] : memref<3000000xi32, #tpu.memory_space<hbm>> -> memref<5216xi32, #tpu.memory_space<hbm>>
    %dma_wait3A_405 = arith.constant 0 : i32
    %dma_wait3A_406 = tpu.memref_slice %arg6[%dma_wait3A_405] : memref<15648xi32, #tpu.memory_space<vmem>> -> memref<5216xi32, #tpu.memory_space<vmem>>
    %dma_wait3A_407 = tpu.memref_slice %arg3[%add3A_358] : memref<3000000xi32, #tpu.memory_space<hbm>> -> memref<5216xi32, #tpu.memory_space<hbm>>
    tpu.wait_dma2 semaphore(%arg16 : memref<!tpu.dma_semaphore, #tpu.memory_space<semaphore_mem>>) src(%dma_wait3A_407 : memref<5216xi32, #tpu.memory_space<hbm>>) dst(%dma_wait3A_406 : memref<5216xi32, #tpu.memory_space<vmem>>)
    %dma_wait3A_408 = arith.constant 5216 : i32
    %dma_wait3A_409 = tpu.memref_slice %arg6[%dma_wait3A_408] : memref<15648xi32, #tpu.memory_space<vmem>> -> memref<5216xi32, #tpu.memory_space<vmem>>
    %dma_wait3A_410 = tpu.memref_slice %arg3[%add3A_366] : memref<3000000xi32, #tpu.memory_space<hbm>> -> memref<5216xi32, #tpu.memory_space<hbm>>
    %dma_wait3A_411 = arith.constant 5216 : i32
    %dma_wait3A_412 = tpu.memref_slice %arg6[%dma_wait3A_411] : memref<15648xi32, #tpu.memory_space<vmem>> -> memref<5216xi32, #tpu.memory_space<vmem>>
    %dma_wait3A_413 = tpu.memref_slice %arg3[%add3A_366] : memref<3000000xi32, #tpu.memory_space<hbm>> -> memref<5216xi32, #tpu.memory_space<hbm>>
    tpu.wait_dma2 semaphore(%arg17 : memref<!tpu.dma_semaphore, #tpu.memory_space<semaphore_mem>>) src(%dma_wait3A_413 : memref<5216xi32, #tpu.memory_space<hbm>>) dst(%dma_wait3A_412 : memref<5216xi32, #tpu.memory_space<vmem>>)
    %dma_wait3A_414 = arith.constant 10432 : i32
    %dma_wait3A_415 = tpu.memref_slice %arg6[%dma_wait3A_414] : memref<15648xi32, #tpu.memory_space<vmem>> -> memref<5216xi32, #tpu.memory_space<vmem>>
    %dma_wait3A_416 = tpu.memref_slice %arg3[%add3A_374] : memref<3000000xi32, #tpu.memory_space<hbm>> -> memref<5216xi32, #tpu.memory_space<hbm>>
    %dma_wait3A_417 = arith.constant 10432 : i32
    %dma_wait3A_418 = tpu.memref_slice %arg6[%dma_wait3A_417] : memref<15648xi32, #tpu.memory_space<vmem>> -> memref<5216xi32, #tpu.memory_space<vmem>>
    %dma_wait3A_419 = tpu.memref_slice %arg3[%add3A_374] : memref<3000000xi32, #tpu.memory_space<hbm>> -> memref<5216xi32, #tpu.memory_space<hbm>>
    tpu.wait_dma2 semaphore(%arg18 : memref<!tpu.dma_semaphore, #tpu.memory_space<semaphore_mem>>) src(%dma_wait3A_419 : memref<5216xi32, #tpu.memory_space<hbm>>) dst(%dma_wait3A_418 : memref<5216xi32, #tpu.memory_space<vmem>>)
    %parallel_loop3A_420 = arith.constant 0 : i32
    %parallel_loop3A_421 = arith.constant 5216 : i32
    %parallel_loop3A_422 = arith.constant 16 : i32
    scf.for %parallel_loop3A_481 = %parallel_loop3A_420 to %parallel_loop3A_421 step %parallel_loop3A_422  : i32 {
      %parallel_loop3A_482 = arith.index_cast %parallel_loop3A_481 : i32 to index
      %parallel_loop3A_483 = tpu.vector_load %arg6[%parallel_loop3A_482] {strides = array<i32>} : memref<15648xi32, #tpu.memory_space<vmem>>, vector<16xi32>,
      %parallel_loop3A_484 = vector.shape_cast %parallel_loop3A_483 : vector<16xi32> to vector<16xi32>
      %parallel_loop3A_485 = arith.constant 5216 : i32
      %parallel_loop3A_486 = arith.addi %parallel_loop3A_481, %parallel_loop3A_485 : i32
      %parallel_loop3A_487 = arith.index_cast %parallel_loop3A_486 : i32 to index
      %parallel_loop3A_488 = tpu.vector_load %arg6[%parallel_loop3A_487] {strides = array<i32>} : memref<15648xi32, #tpu.memory_space<vmem>>, vector<16xi32>,
      %parallel_loop3A_489 = vector.shape_cast %parallel_loop3A_488 : vector<16xi32> to vector<16xi32>
      %parallel_loop3A_490 = arith.constant 10432 : i32
      %parallel_loop3A_491 = arith.addi %parallel_loop3A_481, %parallel_loop3A_490 : i32
      %parallel_loop3A_492 = arith.index_cast %parallel_loop3A_491 : i32 to index
      %parallel_loop3A_493 = tpu.vector_load %arg6[%parallel_loop3A_492] {strides = array<i32>} : memref<15648xi32, #tpu.memory_space<vmem>>, vector<16xi32>,
      %parallel_loop3A_494 = vector.shape_cast %parallel_loop3A_493 : vector<16xi32> to vector<16xi32>
      %parallel_loop3A_495 = arith.constant 4096 : i32
      %parallel_loop3A_496 = vector.broadcast %parallel_loop3A_495 : i32 to vector<16xi32>
      %parallel_loop3A_497 = arith.muli %parallel_loop3A_484, %parallel_loop3A_496 : vector<16xi32>
      %parallel_loop3A_498 = arith.addi %parallel_loop3A_497, %parallel_loop3A_489 : vector<16xi32>
      %parallel_loop3A_499 = arith.index_cast %parallel_loop3A_481 : i32 to index
      %parallel_loop3A_500 = tpu.vector_load %arg8[%parallel_loop3A_499] {strides = array<i32>} : memref<15648xi32, #tpu.memory_space<vmem>>, vector<16xi32>,
      %parallel_loop3A_501 = vector.shape_cast %parallel_loop3A_500 : vector<16xi32> to vector<16xi32>
      %parallel_loop3A_502 = vector.shape_cast %parallel_loop3A_498 : vector<16xi32> to vector<16xi32>
      tpu.vector_store %arg8[%parallel_loop3A_499], %parallel_loop3A_502 {strides = array<i32>} : memref<15648xi32, #tpu.memory_space<vmem>>, vector<16xi32>,
      %parallel_loop3A_503 = arith.addi %parallel_loop3A_497, %parallel_loop3A_494 : vector<16xi32>
      %parallel_loop3A_504 = arith.constant 5216 : i32
      %parallel_loop3A_505 = arith.addi %parallel_loop3A_481, %parallel_loop3A_504 : i32
      %parallel_loop3A_506 = arith.index_cast %parallel_loop3A_505 : i32 to index
      %parallel_loop3A_507 = tpu.vector_load %arg8[%parallel_loop3A_506] {strides = array<i32>} : memref<15648xi32, #tpu.memory_space<vmem>>, vector<16xi32>,
      %parallel_loop3A_508 = vector.shape_cast %parallel_loop3A_507 : vector<16xi32> to vector<16xi32>
      %parallel_loop3A_509 = vector.shape_cast %parallel_loop3A_503 : vector<16xi32> to vector<16xi32>
      tpu.vector_store %arg8[%parallel_loop3A_506], %parallel_loop3A_509 {strides = array<i32>} : memref<15648xi32, #tpu.memory_space<vmem>>, vector<16xi32>,
      %parallel_loop3A_510 = arith.constant 4096 : i32
      %parallel_loop3A_511 = vector.broadcast %parallel_loop3A_510 : i32 to vector<16xi32>
      %parallel_loop3A_512 = arith.muli %parallel_loop3A_489, %parallel_loop3A_511 : vector<16xi32>
      %parallel_loop3A_513 = arith.addi %parallel_loop3A_512, %parallel_loop3A_494 : vector<16xi32>
      %parallel_loop3A_514 = arith.constant 10432 : i32
      %parallel_loop3A_515 = arith.addi %parallel_loop3A_481, %parallel_loop3A_514 : i32
      %parallel_loop3A_516 = arith.index_cast %parallel_loop3A_515 : i32 to index
      %parallel_loop3A_517 = tpu.vector_load %arg8[%parallel_loop3A_516] {strides = array<i32>} : memref<15648xi32, #tpu.memory_space<vmem>>, vector<16xi32>,
      %parallel_loop3A_518 = vector.shape_cast %parallel_loop3A_517 : vector<16xi32> to vector<16xi32>
      %parallel_loop3A_519 = vector.shape_cast %parallel_loop3A_513 : vector<16xi32> to vector<16xi32>
      tpu.vector_store %arg8[%parallel_loop3A_516], %parallel_loop3A_519 {strides = array<i32>} : memref<15648xi32, #tpu.memory_space<vmem>>, vector<16xi32>,
    } {sc.loop_unroll_factor = 8 : i64, sc.parallel_access}
    %dma_start3A_423 = arith.constant 0 : i32
    %dma_start3A_424 = tpu.memref_slice %arg10[%dma_start3A_423] : memref<15648xf32, #tpu.memory_space<vmem>> -> memref<7824xf32, #tpu.memory_space<vmem>>
    %dma_start3A_425 = arith.constant 0 : i32
    %dma_start3A_426 = tpu.memref_slice %arg8[%dma_start3A_425] : memref<15648xi32, #tpu.memory_space<vmem>> -> memref<7824xi32, #tpu.memory_space<vmem>>
    %dma_start3A_427 = arith.constant 0 : i32
    %dma_start3A_428 = tpu.memref_slice %arg2[%dma_start3A_427] : memref<16777216xf32, #tpu.memory_space<hbm>> -> memref<16777216xf32, #tpu.memory_space<hbm>>
    tpu.enqueue_indirect_dma source(%dma_start3A_428 : memref<16777216xf32, #tpu.memory_space<hbm>>) target(%dma_start3A_424 : memref<7824xf32, #tpu.memory_space<vmem>>) offsets(%dma_start3A_426 : memref<7824xi32, #tpu.memory_space<vmem>>) semaphore(%arg20 : memref<!tpu.dma_semaphore, #tpu.memory_space<semaphore_mem>>)
    %dma_start3A_429 = arith.constant 7824 : i32
    %dma_start3A_430 = tpu.memref_slice %arg10[%dma_start3A_429] : memref<15648xf32, #tpu.memory_space<vmem>> -> memref<7824xf32, #tpu.memory_space<vmem>>
    %dma_start3A_431 = arith.constant 7824 : i32
    %dma_start3A_432 = tpu.memref_slice %arg8[%dma_start3A_431] : memref<15648xi32, #tpu.memory_space<vmem>> -> memref<7824xi32, #tpu.memory_space<vmem>>
    %dma_start3A_433 = arith.constant 0 : i32
    %dma_start3A_434 = tpu.memref_slice %arg2[%dma_start3A_433] : memref<16777216xf32, #tpu.memory_space<hbm>> -> memref<16777216xf32, #tpu.memory_space<hbm>>
    tpu.enqueue_indirect_dma source(%dma_start3A_434 : memref<16777216xf32, #tpu.memory_space<hbm>>) target(%dma_start3A_430 : memref<7824xf32, #tpu.memory_space<vmem>>) offsets(%dma_start3A_432 : memref<7824xi32, #tpu.memory_space<vmem>>) semaphore(%arg22 : memref<!tpu.dma_semaphore, #tpu.memory_space<semaphore_mem>>)
    %dma_wait3A_435 = arith.constant 0 : i32
    %dma_wait3A_436 = tpu.memref_slice %arg9[%dma_wait3A_435] : memref<15648xf32, #tpu.memory_space<vmem>> -> memref<7824xf32, #tpu.memory_space<vmem>>
    %dma_wait3A_437 = arith.constant 0 : i32
    %dma_wait3A_438 = tpu.memref_slice %arg7[%dma_wait3A_437] : memref<15648xi32, #tpu.memory_space<vmem>> -> memref<7824xi32, #tpu.memory_space<vmem>>
    %dma_wait3A_439 = arith.constant 0 : i32
    %dma_wait3A_440 = tpu.memref_slice %arg2[%dma_wait3A_439] : memref<16777216xf32, #tpu.memory_space<hbm>> -> memref<16777216xf32, #tpu.memory_space<hbm>>
    tpu.wait_indirect_dma semaphore(%arg19 : memref<!tpu.dma_semaphore, #tpu.memory_space<semaphore_mem>>) src(%dma_wait3A_440 : memref<16777216xf32, #tpu.memory_space<hbm>>) dst(%dma_wait3A_436 : memref<7824xf32, #tpu.memory_space<vmem>>)
    %dma_wait3A_441 = arith.constant 7824 : i32
    %dma_wait3A_442 = tpu.memref_slice %arg9[%dma_wait3A_441] : memref<15648xf32, #tpu.memory_space<vmem>> -> memref<7824xf32, #tpu.memory_space<vmem>>
    %dma_wait3A_443 = arith.constant 7824 : i32
    %dma_wait3A_444 = tpu.memref_slice %arg7[%dma_wait3A_443] : memref<15648xi32, #tpu.memory_space<vmem>> -> memref<7824xi32, #tpu.memory_space<vmem>>
    %dma_wait3A_445 = arith.constant 0 : i32
    %dma_wait3A_446 = tpu.memref_slice %arg2[%dma_wait3A_445] : memref<16777216xf32, #tpu.memory_space<hbm>> -> memref<16777216xf32, #tpu.memory_space<hbm>>
    tpu.wait_indirect_dma semaphore(%arg21 : memref<!tpu.dma_semaphore, #tpu.memory_space<semaphore_mem>>) src(%dma_wait3A_446 : memref<16777216xf32, #tpu.memory_space<hbm>>) dst(%dma_wait3A_442 : memref<7824xf32, #tpu.memory_space<vmem>>)
    %dma_wait3A_447 = tpu.memref_slice %arg4[%add3A_319] : memref<1000000xf32, #tpu.memory_space<hbm>> -> memref<5216xf32, #tpu.memory_space<hbm>>
    %dma_wait3A_448 = tpu.memref_slice %arg4[%add3A_319] : memref<1000000xf32, #tpu.memory_space<hbm>> -> memref<5216xf32, #tpu.memory_space<hbm>>
    tpu.wait_dma2 semaphore(%arg23 : memref<!tpu.dma_semaphore, #tpu.memory_space<semaphore_mem>>) src(%arg11 : memref<5216xf32, #tpu.memory_space<vmem>>) dst(%dma_wait3A_448 : memref<5216xf32, #tpu.memory_space<hbm>>)
    %parallel_loop3A_449 = arith.constant 0 : i32
    %parallel_loop3A_450 = arith.constant 5216 : i32
    %parallel_loop3A_451 = arith.constant 16 : i32
    scf.for %parallel_loop3A_481 = %parallel_loop3A_449 to %parallel_loop3A_450 step %parallel_loop3A_451  : i32 {
      %parallel_loop3A_482 = arith.index_cast %parallel_loop3A_481 : i32 to index
      %parallel_loop3A_483 = tpu.vector_load %arg9[%parallel_loop3A_482] {strides = array<i32>} : memref<15648xf32, #tpu.memory_space<vmem>>, vector<16xf32>,
      %parallel_loop3A_484 = vector.shape_cast %parallel_loop3A_483 : vector<16xf32> to vector<16xf32>
      %parallel_loop3A_485 = arith.constant 5216 : i32
      %parallel_loop3A_486 = arith.addi %parallel_loop3A_481, %parallel_loop3A_485 : i32
      %parallel_loop3A_487 = arith.index_cast %parallel_loop3A_486 : i32 to index
      %parallel_loop3A_488 = tpu.vector_load %arg9[%parallel_loop3A_487] {strides = array<i32>} : memref<15648xf32, #tpu.memory_space<vmem>>, vector<16xf32>,
      %parallel_loop3A_489 = vector.shape_cast %parallel_loop3A_488 : vector<16xf32> to vector<16xf32>
      %parallel_loop3A_490 = arith.addf %parallel_loop3A_484, %parallel_loop3A_489 : vector<16xf32>
      %parallel_loop3A_491 = arith.constant 10432 : i32
      %parallel_loop3A_492 = arith.addi %parallel_loop3A_481, %parallel_loop3A_491 : i32
      %parallel_loop3A_493 = arith.index_cast %parallel_loop3A_492 : i32 to index
      %parallel_loop3A_494 = tpu.vector_load %arg9[%parallel_loop3A_493] {strides = array<i32>} : memref<15648xf32, #tpu.memory_space<vmem>>, vector<16xf32>,
      %parallel_loop3A_495 = vector.shape_cast %parallel_loop3A_494 : vector<16xf32> to vector<16xf32>
      %parallel_loop3A_496 = arith.addf %parallel_loop3A_490, %parallel_loop3A_495 : vector<16xf32>
      %parallel_loop3A_497 = arith.constant 0.333333343 : f32
      %parallel_loop3A_498 = vector.broadcast %parallel_loop3A_497 : f32 to vector<16xf32>
      %parallel_loop3A_499 = arith.mulf %parallel_loop3A_496, %parallel_loop3A_498 : vector<16xf32>
      %parallel_loop3A_500 = arith.index_cast %parallel_loop3A_481 : i32 to index
      %parallel_loop3A_501 = tpu.vector_load %arg11[%parallel_loop3A_500] {strides = array<i32>} : memref<5216xf32, #tpu.memory_space<vmem>>, vector<16xf32>,
      %parallel_loop3A_502 = vector.shape_cast %parallel_loop3A_501 : vector<16xf32> to vector<16xf32>
      %parallel_loop3A_503 = vector.shape_cast %parallel_loop3A_499 : vector<16xf32> to vector<16xf32>
      tpu.vector_store %arg11[%parallel_loop3A_500], %parallel_loop3A_503 {strides = array<i32>} : memref<5216xf32, #tpu.memory_space<vmem>>, vector<16xf32>,
    } {sc.loop_unroll_factor = 8 : i64, sc.parallel_access}
    %add3A_452 = arith.constant 20864 : i32
    %add3A_453 = arith.addi %min3A_3, %add3A_452 : i32
    %dma_start3A_454 = tpu.memref_slice %arg4[%add3A_453] : memref<1000000xf32, #tpu.memory_space<hbm>> -> memref<5216xf32, #tpu.memory_space<hbm>>
    %dma_start3A_455 = tpu.memref_slice %arg4[%add3A_453] : memref<1000000xf32, #tpu.memory_space<hbm>> -> memref<5216xf32, #tpu.memory_space<hbm>>
    tpu.enqueue_dma source(%arg11 : memref<5216xf32, #tpu.memory_space<vmem>>) target(%dma_start3A_455 : memref<5216xf32, #tpu.memory_space<hbm>>) target_semaphore(%arg23 : memref<!tpu.dma_semaphore, #tpu.memory_space<semaphore_mem>>)
    %dma_wait3A_456 = arith.constant 0 : i32
    %dma_wait3A_457 = tpu.memref_slice %arg10[%dma_wait3A_456] : memref<15648xf32, #tpu.memory_space<vmem>> -> memref<7824xf32, #tpu.memory_space<vmem>>
    %dma_wait3A_458 = arith.constant 0 : i32
    %dma_wait3A_459 = tpu.memref_slice %arg8[%dma_wait3A_458] : memref<15648xi32, #tpu.memory_space<vmem>> -> memref<7824xi32, #tpu.memory_space<vmem>>
    %dma_wait3A_460 = arith.constant 0 : i32
    %dma_wait3A_461 = tpu.memref_slice %arg2[%dma_wait3A_460] : memref<16777216xf32, #tpu.memory_space<hbm>> -> memref<16777216xf32, #tpu.memory_space<hbm>>
    tpu.wait_indirect_dma semaphore(%arg20 : memref<!tpu.dma_semaphore, #tpu.memory_space<semaphore_mem>>) src(%dma_wait3A_461 : memref<16777216xf32, #tpu.memory_space<hbm>>) dst(%dma_wait3A_457 : memref<7824xf32, #tpu.memory_space<vmem>>)
    %dma_wait3A_462 = arith.constant 7824 : i32
    %dma_wait3A_463 = tpu.memref_slice %arg10[%dma_wait3A_462] : memref<15648xf32, #tpu.memory_space<vmem>> -> memref<7824xf32, #tpu.memory_space<vmem>>
    %dma_wait3A_464 = arith.constant 7824 : i32
    %dma_wait3A_465 = tpu.memref_slice %arg8[%dma_wait3A_464] : memref<15648xi32, #tpu.memory_space<vmem>> -> memref<7824xi32, #tpu.memory_space<vmem>>
    %dma_wait3A_466 = arith.constant 0 : i32
    %dma_wait3A_467 = tpu.memref_slice %arg2[%dma_wait3A_466] : memref<16777216xf32, #tpu.memory_space<hbm>> -> memref<16777216xf32, #tpu.memory_space<hbm>>
    tpu.wait_indirect_dma semaphore(%arg22 : memref<!tpu.dma_semaphore, #tpu.memory_space<semaphore_mem>>) src(%dma_wait3A_467 : memref<16777216xf32, #tpu.memory_space<hbm>>) dst(%dma_wait3A_463 : memref<7824xf32, #tpu.memory_space<vmem>>)
    %dma_wait3A_468 = tpu.memref_slice %arg4[%add3A_399] : memref<1000000xf32, #tpu.memory_space<hbm>> -> memref<5216xf32, #tpu.memory_space<hbm>>
    %dma_wait3A_469 = tpu.memref_slice %arg4[%add3A_399] : memref<1000000xf32, #tpu.memory_space<hbm>> -> memref<5216xf32, #tpu.memory_space<hbm>>
    tpu.wait_dma2 semaphore(%arg24 : memref<!tpu.dma_semaphore, #tpu.memory_space<semaphore_mem>>) src(%arg12 : memref<5216xf32, #tpu.memory_space<vmem>>) dst(%dma_wait3A_469 : memref<5216xf32, #tpu.memory_space<hbm>>)
    %parallel_loop3A_470 = arith.constant 0 : i32
    %parallel_loop3A_471 = arith.constant 5216 : i32
    %parallel_loop3A_472 = arith.constant 16 : i32
    scf.for %parallel_loop3A_481 = %parallel_loop3A_470 to %parallel_loop3A_471 step %parallel_loop3A_472  : i32 {
      %parallel_loop3A_482 = arith.index_cast %parallel_loop3A_481 : i32 to index
      %parallel_loop3A_483 = tpu.vector_load %arg10[%parallel_loop3A_482] {strides = array<i32>} : memref<15648xf32, #tpu.memory_space<vmem>>, vector<16xf32>,
      %parallel_loop3A_484 = vector.shape_cast %parallel_loop3A_483 : vector<16xf32> to vector<16xf32>
      %parallel_loop3A_485 = arith.constant 5216 : i32
      %parallel_loop3A_486 = arith.addi %parallel_loop3A_481, %parallel_loop3A_485 : i32
      %parallel_loop3A_487 = arith.index_cast %parallel_loop3A_486 : i32 to index
      %parallel_loop3A_488 = tpu.vector_load %arg10[%parallel_loop3A_487] {strides = array<i32>} : memref<15648xf32, #tpu.memory_space<vmem>>, vector<16xf32>,
      %parallel_loop3A_489 = vector.shape_cast %parallel_loop3A_488 : vector<16xf32> to vector<16xf32>
      %parallel_loop3A_490 = arith.addf %parallel_loop3A_484, %parallel_loop3A_489 : vector<16xf32>
      %parallel_loop3A_491 = arith.constant 10432 : i32
      %parallel_loop3A_492 = arith.addi %parallel_loop3A_481, %parallel_loop3A_491 : i32
      %parallel_loop3A_493 = arith.index_cast %parallel_loop3A_492 : i32 to index
      %parallel_loop3A_494 = tpu.vector_load %arg10[%parallel_loop3A_493] {strides = array<i32>} : memref<15648xf32, #tpu.memory_space<vmem>>, vector<16xf32>,
      %parallel_loop3A_495 = vector.shape_cast %parallel_loop3A_494 : vector<16xf32> to vector<16xf32>
      %parallel_loop3A_496 = arith.addf %parallel_loop3A_490, %parallel_loop3A_495 : vector<16xf32>
      %parallel_loop3A_497 = arith.constant 0.333333343 : f32
      %parallel_loop3A_498 = vector.broadcast %parallel_loop3A_497 : f32 to vector<16xf32>
      %parallel_loop3A_499 = arith.mulf %parallel_loop3A_496, %parallel_loop3A_498 : vector<16xf32>
      %parallel_loop3A_500 = arith.index_cast %parallel_loop3A_481 : i32 to index
      %parallel_loop3A_501 = tpu.vector_load %arg12[%parallel_loop3A_500] {strides = array<i32>} : memref<5216xf32, #tpu.memory_space<vmem>>, vector<16xf32>,
      %parallel_loop3A_502 = vector.shape_cast %parallel_loop3A_501 : vector<16xf32> to vector<16xf32>
      %parallel_loop3A_503 = vector.shape_cast %parallel_loop3A_499 : vector<16xf32> to vector<16xf32>
      tpu.vector_store %arg12[%parallel_loop3A_500], %parallel_loop3A_503 {strides = array<i32>} : memref<5216xf32, #tpu.memory_space<vmem>>, vector<16xf32>,
    } {sc.loop_unroll_factor = 8 : i64, sc.parallel_access}
    %add3A_473 = arith.constant 26080 : i32
    %add3A_474 = arith.addi %min3A_3, %add3A_473 : i32
    %dma_start3A_475 = tpu.memref_slice %arg4[%add3A_474] : memref<1000000xf32, #tpu.memory_space<hbm>> -> memref<5216xf32, #tpu.memory_space<hbm>>
    %dma_start3A_476 = tpu.memref_slice %arg4[%add3A_474] : memref<1000000xf32, #tpu.memory_space<hbm>> -> memref<5216xf32, #tpu.memory_space<hbm>>
    tpu.enqueue_dma source(%arg12 : memref<5216xf32, #tpu.memory_space<vmem>>) target(%dma_start3A_476 : memref<5216xf32, #tpu.memory_space<hbm>>) target_semaphore(%arg24 : memref<!tpu.dma_semaphore, #tpu.memory_space<semaphore_mem>>)
    %dma_wait3A_477 = tpu.memref_slice %arg4[%add3A_453] : memref<1000000xf32, #tpu.memory_space<hbm>> -> memref<5216xf32, #tpu.memory_space<hbm>>
    %dma_wait3A_478 = tpu.memref_slice %arg4[%add3A_453] : memref<1000000xf32, #tpu.memory_space<hbm>> -> memref<5216xf32, #tpu.memory_space<hbm>>
    tpu.wait_dma2 semaphore(%arg23 : memref<!tpu.dma_semaphore, #tpu.memory_space<semaphore_mem>>) src(%arg11 : memref<5216xf32, #tpu.memory_space<vmem>>) dst(%dma_wait3A_478 : memref<5216xf32, #tpu.memory_space<hbm>>)
    %dma_wait3A_479 = tpu.memref_slice %arg4[%add3A_474] : memref<1000000xf32, #tpu.memory_space<hbm>> -> memref<5216xf32, #tpu.memory_space<hbm>>
    %dma_wait3A_480 = tpu.memref_slice %arg4[%add3A_474] : memref<1000000xf32, #tpu.memory_space<hbm>> -> memref<5216xf32, #tpu.memory_space<hbm>>
    tpu.wait_dma2 semaphore(%arg24 : memref<!tpu.dma_semaphore, #tpu.memory_space<semaphore_mem>>) src(%arg12 : memref<5216xf32, #tpu.memory_space<vmem>>) dst(%dma_wait3A_480 : memref<5216xf32, #tpu.memory_space<hbm>>)
    return
  }
}

</mosaic_0001>

<sc_bundles>
// kernel: kernel.3.cloned.1.call-start
scs
__scs_entry_jumppad:
0x0: {  	(pc) =	sbr.rel $0x88, $3  }
0x1: {  	(tag) =	ssettag $0x0;
	lr =	simm.s32 $0x1  }
0x2: {  	[smem:$0x3F9F] =	sst lr;
	_ =	strace $0xD0000000  }
0x3: {  	_ = 	snop  }
0x4: {  	_ = 	snop  }
0x5: {  	_ = 	snop  }
0x6: {  	_ = 	snop  }
0x7: {  	_ = 	snop  }
__scs_overlays_trampoline_lowered:
0x8: {  	[smem:$0x3FAE] =	sst s0  }
0x9: {  	[smem:$0x3FAF] =	sst s1  }
0xa: {  	[smem:$0x3FB0] =	sst s2  }
0xb: {  	[smem:$0x3FB1] =	sst s3  }
0xc: {  	[smem:$0x3FB2] =	sst s4  }
0xd: {  	[smem:$0x3FB3] =	sst s5  }
0xe: {  	[smem:$0x3FB4] =	sst s6  }
0xf: {  	[smem:$0x3FB5] =	sst s7  }
0x10: {  	[smem:$0x3FB6] =	sst s8  }
0x11: {  	[smem:$0x3FB7] =	sst s9;
	s0 =	simm.s32 @!p0 $0x0  }
0x12: {  	s1 =	sld [smem:$0x3F9D];
	s0 =	simm.s32 @p0 $0x1  }
0x13: {  	[smem:$0x3FB8] =	sst s0;
	s0 =	simm.s32 @!p1 $0x0  }
0x14: {  	s2 =	sld [smem:$0x3F9C];
	s0 =	simm.s32 @p1 $0x1  }
0x15: {  	[smem:$0x3FB9] =	sst s0;
	s0 =	simm.s32 @!p2 $0x0  }
0x16: {  	s3 =	sld [smem:$0x3FDB];
	s0 =	simm.s32 @p2 $0x1  }
0x17: {  	s4 =	simm.s32 $0x1BF5;
	[smem:$0x3FBB] =	sst s0  }
0x18: {  	s0 =	sld [smem:$0x3F9E];
	_ =	swait.ge [sflag:s4], $0x0  }
0x19: {  	s7 =	sld [smem:$0x3F9F]  }
0x1a: {  	s8 =	sadd.s32 $0xFFFFE003, lr  }
0x1b: {  	s9 =	sadd.s32 $0xFFFFFEF7, lr;
	s5 =	simm.s32 $0xFFFFFFFF;
	p2 =	slt.u32 s8, $0xFFFFF086  }
0x1c: {  	p1 =	slt.u32 s9, $0xF7A;
	s5 =	simm.s32 @!p2 $0x0  }
0x1d: {  	s5 =	simm.s32 @p1 $0x1;
	p0 =	seq.s32 s7, s2  }
0x1e: {  	s7 =	smul.u32 @!p0 $0xF7A, s2;
	p2 =	seq.s32 @!p0 s5, $0x0  }
0x1f: {  	s9 =	smul.u32 $0xF7A, s1;
	s8 =	simm.s32 @!p0 $0x1BF5;
	p2 =	por !p2, p0  }
0x20: {  	[sflag:s8] =	ssyncset.s32 @!p0 $0xFFFFF086;
	s6 =	sadd.s32 @!p0 s3, s7;
	s7 =	simm.s32 @!p0 $0x108  }
0x21: {  	s3 =	sadd.s32 s3, s9;
	s6 =	sadd.s32 @!p0 $0x88, s6;
	s7 =	simm.s32 @p2 $0x1082  }
0x22: {  	[simem:s7], [sflag:s8] =	dma.local @!p0 [hbm:s6], $0xF7A  }
0x23: {  	s9 =	sor.u32 $0xD0000000, s2;
	s6 =	simm.s32 $0x108;
	_ =	swait.ge @!p0 [sflag:s8], $0x0  }
0x24: {  	s3 =	sadd.s32 $0x88, s3;
	s6 =	simm.s32 @!p1 $0x1082;
	[sflag:s4] =	ssyncset.s32 $0xFFFFF086  }
0x25: {  	[simem:s6], [sflag:s4] =	dma.local [hbm:s3], $0xF7A  }
0x26: {  	[smem:$0x3F9F] =	sst s1;
	(tag) =	ssettag s2;
	_ =	strace s9  }
0x27: {  	s1 =	sld [smem:$0x3FAF]  }
0x28: {  	s2 =	sld [smem:$0x3FB0]  }
0x29: {  	s4 =	sld [smem:$0x3FB2]  }
0x2a: {  	p0 =	seq.s32 s5, $0x0;
	s5 =	sld [smem:$0x3FB3]  }
0x2b: {  	s6 =	sld [smem:$0x3FB4]  }
0x2c: {  	s7 =	sld [smem:$0x3FB5]  }
0x2d: {  	s3 =	simm.s32 $0x108;
	s8 =	sld [smem:$0x3FB6]  }
0x2e: {  	s3 =	simm.s32 @!p0 $0x1082;
	s9 =	sld [smem:$0x3FB7]  }
0x2f: {  	lr =	sadd.s32 s0, s3;
	s0 =	sld [smem:$0x3FAE]  }
0x30: {  	s3 =	sld [smem:$0x3FB1]  }
0x31: {  	[smem:$0x3FBA] =	sst s10  }
0x32: {  	s10 =	sld [smem:$0x3FB8];
	_ =	sdelay $0x3  }
0x33: {  	p0 =	seq.s32 s10, $0x1;
	s10 =	sld [smem:$0x3FBA];
	_ =	sdelay $0x3  }
0x34: {  	[smem:$0x3FBA] =	sst s10  }
0x35: {  	s10 =	sld [smem:$0x3FB9];
	_ =	sdelay $0x3  }
0x36: {  	p1 =	seq.s32 s10, $0x1;
	s10 =	sld [smem:$0x3FBA];
	_ =	sdelay $0x3  }
0x37: {  	[smem:$0x3FBA] =	sst s10  }
0x38: {  	s10 =	sld [smem:$0x3FBB]  }
0x39: {  	_ = 	snop;
	(pc) =	sbr.ind lr, $3  }
0x3a: {  	_ = 	snop  }
0x3b: {  	_ = 	snop  }
0x3c: {  	p2 =	seq.s32 s10, $0x1;
	s10 =	sld [smem:$0x3FBA]  }
0x3d: {  	_ =	shalt  }
0x3e: {  	_ =	shalt  }
0x3f: {  	_ =	shalt  }
0x40: {  	_ =	shalt  }
0x41: {  	_ =	shalt  }
0x42: {  	_ =	shalt  }
0x43: {  	_ =	shalt  }
0x44: {  	_ =	shalt  }
0x45: {  	_ =	shalt  }
0x46: {  	_ =	shalt  }
0x47: {  	_ =	shalt  }
0x48: {  	_ =	shalt  }
0x49: {  	_ =	shalt  }
0x4a: {  	_ =	shalt  }
0x4b: {  	_ =	shalt  }
0x4c: {  	_ =	shalt  }
0x4d: {  	_ =	shalt  }
0x4e: {  	_ =	shalt  }
0x4f: {  	_ =	shalt  }
0x50: {  	_ =	shalt  }
0x51: {  	_ =	shalt  }
0x52: {  	_ =	shalt  }
0x53: {  	_ =	shalt  }
0x54: {  	_ =	shalt  }
0x55: {  	_ =	shalt  }
0x56: {  	_ =	shalt  }
0x57: {  	_ =	shalt  }
0x58: {  	_ =	shalt  }
0x59: {  	_ =	shalt  }
0x5a: {  	_ =	shalt  }
0x5b: {  	_ =	shalt  }
0x5c: {  	_ =	shalt  }
0x5d: {  	_ =	shalt  }
0x5e: {  	_ =	shalt  }
0x5f: {  	_ =	shalt  }
0x60: {  	_ =	shalt  }
0x61: {  	_ =	shalt  }
0x62: {  	_ =	shalt  }
0x63: {  	_ =	shalt  }
0x64: {  	_ =	shalt  }
0x65: {  	_ =	shalt  }
0x66: {  	_ =	shalt  }
0x67: {  	_ =	shalt  }
0x68: {  	_ =	shalt  }
0x69: {  	_ =	shalt  }
0x6a: {  	_ =	shalt  }
0x6b: {  	_ =	shalt  }
0x6c: {  	_ =	shalt  }
0x6d: {  	_ =	shalt  }
0x6e: {  	_ =	shalt  }
0x6f: {  	_ =	shalt  }
0x70: {  	_ =	shalt  }
0x71: {  	_ =	shalt  }
0x72: {  	_ =	shalt  }
0x73: {  	_ =	shalt  }
0x74: {  	_ =	shalt  }
0x75: {  	_ =	shalt  }
0x76: {  	_ =	shalt  }
0x77: {  	_ =	shalt  }
0x78: {  	_ =	shalt  }
0x79: {  	_ =	shalt  }
0x7a: {  	_ =	shalt  }
0x7b: {  	_ =	shalt  }
0x7c: {  	_ =	shalt  }
0x7d: {  	_ =	shalt  }
0x7e: {  	_ =	shalt  }
0x7f: {  	_ =	shalt  }
0x80: {  	_ =	shalt  }
0x81: {  	_ =	shalt  }
0x82: {  	_ =	shalt  }
0x83: {  	_ =	shalt  }
0x84: {  	_ =	shalt  }
0x85: {  	_ =	shalt  }
0x86: {  	_ =	shalt  }
0x87: {  	_ =	shalt  }
.Lfunc_end0:
.L_simem_size_0:
called_computation.1_lowered:
.L_overlay_start_0:
0x88: {  	s2 =	sld [smem:$0x3FD9]  }
0x89: {  	s3 =	sld [smem:$0x3FFE];
	_ =	sdelay $0x1  }
0x8a: {  	s1 =	srdreg.scid  }
0x8b: {  	s0 =	sand.u32 $0x1, s1  }
0x8c: {  	s17 =	sshll.u32 s0, $0xA;
	s2 =	sadd.s32 s3, s2  }
0x8d: {  	s2 =	sadd.s32 s2, s17  }
0x8e: {  	[smem:$0x3FC6] =	sst s2  }
0x8f: {  	_ = 	snop  }
0x90: {  	s2 =	sld [smem:$0x3FD0];
	(tm) =	ssettm $0x1  }
0x91: {  	s18 =	sld [smem:$0x3FFB];
	_ =	sdelay $0x3  }
0x92: {  	_ =	strace s18  }
0x93: {  	s3 =	sld [smem:$0x3FFC];
	_ =	sdelay $0x3  }
0x94: {  	_ =	strace s3  }
0x95: {  	s3 =	sld [smem:$0x3FFD];
	_ =	sdelay $0x3  }
0x96: {  	_ =	strace s3  }
0x97: {  	_ =	strace $0x8FFFFFFF  }
0x98: {  	s19 =	sld [smem:$0x3FDB];
	_ =	sdelay $0x1  }
0x99: {  	s4 =	simm.s32 $_scs_section_size  }
0x9a: {  	s5 =	simm.s32 $_size__tile_overlayer_lowered;
	s6 =	simm.s32 $_tile_overlayer_lowered  }
0x9b: {  	s22 =	simm.s32 $0x1BFF;
	s21 =	sshll.u32 s6, $0x1;
	s3 =	sadd.s32 s4, s19  }
0x9c: {  	s7 =	simm.s32 $0x0;
	s20 =	sshll.u32 s5, $0x1;
	s5 =	sadd.s32 s21, s3  }
0x9d: {  	[timem:s7], [sflag:s22] =	dma.local [hbm:s5], s20  }
0x9e: {  	_ =	swait.ge [sflag:s22], s20  }
0x9f: {  	s4 =	ssub.s32 $0x0, s20;
	[sflag:s22] =	ssyncset.done $0x0  }
0xa0: {  	[sflag:s22] =	ssyncadd.s32 s4;
	_ =	sdelay $0x1  }
0xa1: {  	s23 =	simm.s32 $0x1B8B  }
0xa2: {  	_ =	swait.ge [sflag:s23], $0x1  }
0xa3: {  	[sflag:s23] =	ssyncset.done $0x0  }
0xa4: {  	s25 =	simm.s32 $0x1B8E;
	s24 =	sld [smem:$0x3FFE];
	[sflag:s23] =	ssyncadd.s32 $0xFFFFFFFF  }
0xa5: {  	s26 =	simm.s32 $execute0_lowered;
	[smem:$0x3FD2] =	sst s25  }
0xa6: {  	s5 =	sshll.u32 s26, $0x1;
	_ =	strace $0x80000049;
	[dreg:$0x1] =	wrdreg $0xFFFFFFFF  }
0xa7: {  	s28 =	simm.s32 $_size_execute0_lowered;
	s3 =	sadd.s32 s3, s5;
	[dreg:$0x0] =	wrdreg $0x0  }
0xa8: {  	s5 =	sshll.u32 s28, $0x1;
	[dreg:$0x2] =	wrdreg s3  }
0xa9: {  	[dreg:$0x3] =	wrdreg s5  }
0xaa: {  	[dreg:$0x4] =	wrdreg $0xC0  }
0xab: {  	_ =	task [dreg:s7], $0x5FFFF  }
0xac: {  	[dreg:$0x1] =	wrdreg $0xFFFFFFFF  }
0xad: {  	[dreg:$0x0] =	wrdreg $0x60  }
0xae: {  	[dreg:$0x2] =	wrdreg s24  }
0xaf: {  	[dreg:$0x3] =	wrdreg s2  }
0xb0: {  	[dreg:$0x4] =	wrdreg $0x9  }
0xb1: {  	_ =	task.clear_ibuf [dreg:s7], $0x5FFFF;
	_ =	strace $0x90000049  }
0xb2: {  	s29 =	simm.s32 $0x9;
	_ =	strace $0x8000004B  }
0xb3: {  	_ =	swait.ge [sflag:s29], $0x1  }
0xb4: {  	[sflag:s29] =	ssyncadd.s32 $0xFFFFFFFF  }
0xb5: {  	_ =	strace $0x9000004B  }
0xb6: {  	_ =	sfence  }
0xb7: {  	s30 =	sld [smem:$0x0];
	_ =	sdelay $0x2  }
0xb8: {  	s31 =	sshll.u32 s1, $0xD;
	s1 =	sshrl.u32 s1, $0x2  }
0xb9: {  	s3 =	sand.u32 $0x4000, s31;
	s1 =	sadd.s32 s1, s30  }
0xba: {  	s0 =	sor.u32 s3, s0;
	s1 =	sshll.u32 s1, $0x11  }
0xbb: {  	s0 =	sor.u32 s1, s0  }
0xbc: {  	s0 =	sadd.s32 $0x8F2B, s0  }
0xbd: {  	[sflag:s0] =	ssyncadd.remote.s32 $0x1  }
0xbe: {  	_ =	sfence.sel $0xFFFF  }
0xbf: {  	[dreg:$0x0] =	wrdreg $0xFFFFFFFF;
	(pc) =	sbr.abs _section_cstart, $3  }
0xc0: {  	[dreg:$0x1] =	wrdreg $0xFFFFFFFF  }
0xc1: {  	_ =	task.clear_ibuf [dreg:s7], $0x2FFFF;
	_ =	strace $0x9FFFFFFF  }
0xc2: {  	(tm) =	ssettm $0x7FFFFFFF  }
0xc3: {  	_ =	shalt  }
tec
execute0_lowered:
.L_overlay_start_1:
0x0: {  	(tag) =	ssettag $0x1  }
0x1: {  	s1 =	srdreg.scid;
	s2 =	stileid.u32  }
0x2: {  	s0 =	rddreg [dreg:$0x0];
	s1 =	sand.u32 $0x1, s1;
	s3 =	sshll.u32 s2, $0x1  }
0x3: {  	s4 =	rddreg [dreg:$0x1];
	s3 =	sor.u32 s1, s3  }
0x4: {  	s2 =	simm.s32 $0x0;
	s1 =	ssub.s32 $0x2, s1;
	s5 =	smul.u32 $0x7A18, s3  }
0x5: {  	[smem:$0x7FF] =	sst s2;
	s6 =	sshrl.u32 s1, $0x1  }
0x6: {  	_ =	strace $0x8000004A;
	s1 =	ssub.s32 s1, s6;
	s5 =	smin.u32 s5, $0xEC800  }
0x7: {  	s3 =	sadd.s32 $0xA00, s0;
	s25 =	smax.u32 s1, $0x1;
	s5 =	sshrl.u32 s5, $0x3  }
0x8: {  	s0 =	sadd.s32 $0x200A00, s0;
	[dreg:$0x18] =	wrdreg s25;
	s14 =	sadd.s32 s4, s5  }
0x9: {  	s10 =	sadd.s32 s0, s5;
	[dreg:$0xc] =	wrdreg s14  }
0xa: {  	s7 =	sadd.s32 $0x1E848, s10;
	[dreg:$0x3] =	wrdreg s10  }
0xb: {  	s26 =	sadd.s32 $0x28C, s5;
	s30 =	sadd.s32 $0x3D090, s10;
	[dreg:$0x4] =	wrdreg s7  }
0xc: {  	s31 =	sadd.s32 s0, s26;
	[dreg:$0x5] =	wrdreg s30  }
0xd: {  	s8 =	sadd.s32 $0x1EAD4, s10;
	[dreg:$0x6] =	wrdreg s31  }
0xe: {  	s28 =	simm.s32 $0xB;
	s9 =	sadd.s32 $0x3D31C, s10;
	[dreg:$0x7] =	wrdreg s8  }
0xf: {  	s13 =	sadd.s32 $0x7A4, s5;
	s12 =	sadd.s32 $0x1ED60, s10;
	[dreg:$0x8] =	wrdreg s9  }
0x10: {  	s29 =	simm.s32 $0xC;
	s15 =	sadd.s32 s0, s13;
	[dreg:$0xa] =	wrdreg s12  }
0x11: {  	s25 =	simm.s32 $0xA;
	s16 =	sadd.s32 $0x1EFEC, s10;
	[dreg:$0xd] =	wrdreg s15  }
0x12: {  	s11 =	sadd.s32 $0x518, s5;
	s17 =	sadd.s32 $0x3D834, s10;
	[dreg:$0xe] =	wrdreg s16  }
0x13: {  	s18 =	sadd.s32 $0xA30, s5;
	s6 =	sadd.s32 s4, s26;
	[dreg:$0xf] =	wrdreg s17  }
0x14: {  	s5 =	sadd.s32 $0xCBC, s5;
	s19 =	sadd.s32 s0, s18;
	[dreg:$0x10] =	wrdreg s6  }
0x15: {  	s20 =	sadd.s32 s4, s11;
	s21 =	sadd.s32 s4, s13;
	[dreg:$0x11] =	wrdreg s19  }
0x16: {  	s22 =	sadd.s32 s4, s18;
	s23 =	sadd.s32 s4, s5;
	[dreg:$0x12] =	wrdreg s20  }
0x17: {  	s24 =	sadd.s32 $0x1F278, s10;
	s26 =	sadd.s32 $0x3DAC0, s10;
	[dreg:$0x14] =	wrdreg s21  }
0x18: {  	s13 =	simm.s32 $0x11490;
	s14 =	simm.s32 $0x4;
	[dreg:$0x15] =	wrdreg s22  }
0x19: {  	s18 =	simm.s32 $0x13380;
	s4 =	simm.s32 $0x0;
	[dreg:$0x16] =	wrdreg s23  }
0x1a: {  	s8 =	sadd.s32 s0, s11;
	s9 =	sadd.s32 $0x3D5A8, s10;
	[dreg:$0x17] =	wrdreg s24  }
0x1b: {  	s0 =	sadd.s32 s0, s5;
	[dreg:$0x19] =	wrdreg s26;
	s30 =	sadd.s32 $0x1F504, s10  }
0x1c: {  	s31 =	sadd.s32 $0x3DD4C, s10;
	s6 =	simm.s32 $0x1;
	s7 =	simm.s32 $0x2  }
0x1d: {  	s12 =	simm.s32 $0x9990;
	s15 =	simm.s32 $0x5;
	s16 =	simm.s32 $0x6  }
0x1e: {  	s17 =	simm.s32 $0xB880;
	s19 =	simm.s32 $0xD710;
	[dreg:$0x9] =	wrdreg s8  }
0x1f: {  	s20 =	simm.s32 $0x15210;
	s21 =	simm.s32 $0x7;
	[dreg:$0xb] =	wrdreg s9  }
0x20: {  	s22 =	simm.s32 $0x9;
	s23 =	simm.s32 $0x17100;
	[dreg:$0x13] =	wrdreg s0  }
0x21: {  	s24 =	simm.s32 $0x8;
	s26 =	simm.s32 $0x18580;
	[dreg:$0x1a] =	wrdreg s30  }
0x22: {  	[dreg:$0x1b] =	wrdreg s31;
	s8 =	simm.s32 $0x3;
	s9 =	simm.s32 $0x1E90  }
.LBB2_1:
0x23: {  	s0 =	rddreg [dreg:$0x3]  }
0x24: {  	[tilespmem:s2], [sflag:$0x1] =	stream.linear.gather [hbm4b:s0+s2], $0x1460, $0x38;
	[tilespmem:$0x19A00] =	vst v63  }
0x25: {  	s11 =	rddreg [dreg:$0x4];
	s1 =	simm.s32 $0x1460  }
0x26: {  	[tilespmem:s1], [sflag:$0x2] =	stream.linear.gather [hbm4b:s11+s2], $0x1460, $0x38;
	[tilespmem:$0x19A00] =	vst v63  }
0x27: {  	s5 =	simm.s32 $0x28C0;
	s1 =	rddreg [dreg:$0x5]  }
0x28: {  	[tilespmem:s5], [sflag:$0x3] =	stream.linear.gather [hbm4b:s1+s2], $0x1460, $0x38;
	[tilespmem:$0x19A00] =	vst v63  }
0x29: {  	s10 =	rddreg [dreg:$0x6];
	s11 =	simm.s32 $0x3D80  }
0x2a: {  	[tilespmem:s11], [sflag:$0x4] =	stream.linear.gather [hbm4b:s10+s2], $0x1460, $0x38;
	[tilespmem:$0x19A00] =	vst v63  }
0x2b: {  	s1 =	rddreg [dreg:$0x7];
	s5 =	simm.s32 $0x51E0  }
0x2c: {  	[tilespmem:s5], [sflag:$0x5] =	stream.linear.gather [hbm4b:s1+s2], $0x1460, $0x38;
	[tilespmem:$0x19A00] =	vst v63  }
0x2d: {  	s10 =	rddreg [dreg:$0x8];
	s11 =	simm.s32 $0x6640  }
0x2e: {  	[tilespmem:s11], [sflag:$0x6] =	stream.linear.gather [hbm4b:s10+s2], $0x1460, $0x38;
	[tilespmem:$0x19A00] =	vst v63  }
0x2f: {  	_ =	swait.ge [sflag:s6], $0x1460  }
0x30: {  	[sflag:s6] =	ssyncset.done $0x0  }
0x31: {  	[sflag:s6] =	ssyncadd.s32 $0xFFFFEBA0  }
0x32: {  	_ =	swait.ge [sflag:s7], $0x1460  }
0x33: {  	[sflag:s7] =	ssyncset.done $0x0  }
0x34: {  	[sflag:s7] =	ssyncadd.s32 $0xFFFFEBA0  }
0x35: {  	_ =	swait.ge [sflag:s8], $0x1460  }
0x36: {  	[sflag:s8] =	ssyncset.done $0x0  }
0x37: {  	s5 =	simm.s32 $0x14A0;
	[sflag:s8] =	ssyncadd.s32 $0xFFFFEBA0  }
0x38: {  	v0 =	vld [tilespmem:s5+$0x30]  }
0x39: {  	v2 =	vld [tilespmem:s5+$0x1490]  }
0x3a: {  	v15 =	vld [tilespmem:s5+$0xFFFFFFC0]  }
0x3b: {  	v1 =	vld [tilespmem:s5+$0xFFFFEB70]  }
0x3c: {  	v3 =	vld [tilespmem:s5+$0xFFFFFFD0]  }
0x3d: {  	v4 =	vld [tilespmem:s5+$0xFFFFEB80]  }
0x3e: {  	v5 =	vld [tilespmem:s5+$0xFFFFFFE0]  }
0x3f: {  	v6 =	vld [tilespmem:s5+$0xFFFFEBD0]  }
0x40: {  	v7 =	vld [tilespmem:s5+$0xFFFFEB90]  }
0x41: {  	v8 =	vld [tilespmem:s5+$0xFFFFFFF0]  }
0x42: {  	v9 =	vld [tilespmem:s5+$0xFFFFEBA0]  }
0x43: {  	v19 =	vld [tilespmem:s5+$0xFFFFEB60]  }
0x44: {  	v10 =	vld [tilespmem:s5+$0x0]  }
0x45: {  	v11 =	vld [tilespmem:s5+$0xFFFFEBB0];
	v12 =	vshll.u32 v0, $0xC  }
0x46: {  	s30 =	simm.s32 $0x8FA0;
	v20 =	vld [tilespmem:s5+$0x1420];
	v6 =	vshll.u32 v6, $0xC;
	v12 =	vadd.s32 v2, v12  }
0x47: {  	v14 =	vld [tilespmem:s5+$0x10];
	v17 =	vshll.u32 v15, $0xC;
	v18 =	vshll.u32 v1, $0xC;
	v0 =	vadd.s32 v0, v6;
	[tilespmem:s30+$0x1490] =	vst v12  }
0x48: {  	v13 =	vld [tilespmem:s5+$0xFFFFEBC0];
	v1 =	vshll.u32 v4, $0xC;
	v19 =	vshll.u32 v19, $0xC;
	v4 =	vadd.s32 v6, v2;
	[tilespmem:s30+$0xFFFFEBD0] =	vst v0  }
0x49: {  	v22 =	vld [tilespmem:s5+$0x1430];
	v21 =	vshll.u32 v3, $0xC;
	v2 =	vshll.u32 v7, $0xC;
	v15 =	vadd.s32 v15, v19;
	[tilespmem:s30+$0x30] =	vst v4  }
0x4a: {  	v16 =	vld [tilespmem:s5+$0x20];
	v6 =	vshll.u32 v11, $0xC;
	v7 =	vshll.u32 v10, $0xC;
	v12 =	vadd.s32 v3, v18;
	[tilespmem:s30+$0xFFFFEB60] =	vst v15  }
0x4b: {  	v19 =	vadd.s32 v19, v20;
	v17 =	vadd.s32 v20, v17;
	v0 =	vadd.s32 v5, v1;
	[tilespmem:s30+$0xFFFFEB70] =	vst v12;
	v12 =	vld [tilespmem:s5+$0x1440]  }
0x4c: {  	v11 =	vld [tilespmem:s5+$0x1450];
	v3 =	vshll.u32 v5, $0xC;
	v23 =	vadd.s32 v8, v2;
	v4 =	vshll.u32 v9, $0xC;
	[tilespmem:s30+$0xFFFFEB80] =	vst v0  }
0x4d: {  	v5 =	vshll.u32 v8, $0xC;
	v25 =	vadd.s32 v14, v6;
	v8 =	vshll.u32 v13, $0xC;
	v13 =	vld [tilespmem:s5+$0x1460];
	[tilespmem:s30+$0xFFFFEB90] =	vst v23  }
0x4e: {  	s31 =	simm.s32 $0x13F0;
	s0 =	simm.s32 $0x2860;
	s1 =	simm.s32 $0xA360;
	v9 =	vshll.u32 v14, $0xC;
	v14 =	vld [tilespmem:s5+$0x1470];
	v18 =	vadd.s32 v18, v22;
	v24 =	vadd.s32 v10, v4;
	[tilespmem:s30+$0xFFFFEBB0] =	vst v25  }
0x4f: {  	s10 =	simm.s32 $0x0;
	s11 =	simm.s32 $0x1520;
	v15 =	vld [tilespmem:s5+$0x1480];
	v0 =	vadd.s32 v16, v8;
	v10 =	vshll.u32 v16, $0xC;
	v16 =	vadd.s32 v22, v21;
	s5 =	simm.s32 $0x8FA0;
	[tilespmem:s30+$0xFFFFEBA0] =	vst v24  }
.LBB2_2:
0x50: {  	v20 =	vld [tilespmem:s11+$0x30];
	s10 =	sadd.s32 $0x80, s10;
	[tilespmem:s30+$0xFFFFFFC0] =	vst v19;
	v1 =	vadd.s32 v1, v12;
	v3 =	vadd.s32 v12, v3  }
0x51: {  	v12 =	vld [tilespmem:s11+$0x1490];
	p0 =	slt.u32 s10, $0x1380;
	[tilespmem:s30+$0x1420] =	vst v17;
	v2 =	vadd.s32 v2, v11;
	v5 =	vadd.s32 v11, v5  }
0x52: {  	v17 =	vld [tilespmem:s11+$0xFFFFFFC0];
	[tilespmem:s30+$0xFFFFFFD0] =	vst v18;
	v4 =	vadd.s32 v4, v13;
	v7 =	vadd.s32 v13, v7  }
0x53: {  	v11 =	vld [tilespmem:s11+$0xFFFFEB70];
	[tilespmem:s30+$0x1430] =	vst v16;
	v6 =	vadd.s32 v6, v14;
	v9 =	vadd.s32 v14, v9  }
0x54: {  	v13 =	vld [tilespmem:s11+$0xFFFFFFD0];
	[tilespmem:s30+$0xFFFFFFE0] =	vst v1;
	v8 =	vadd.s32 v8, v15;
	v10 =	vadd.s32 v15, v10  }
0x55: {  	v1 =	vld [tilespmem:s11+$0xFFFFEB80];
	v14 =	vshll.u32 v20, $0xC;
	[tilespmem:s30+$0x1440] =	vst v3  }
0x56: {  	s30 =	sadd.s32 $0x80, s30;
	v3 =	vld [tilespmem:s11+$0xFFFFFFE0];
	v14 =	vadd.s32 v12, v14;
	[tilespmem:s5+$0xFFFFFFF0] =	vst v2  }
0x57: {  	v15 =	vshll.u32 v17, $0xC;
	v2 =	vld [tilespmem:s11+$0xFFFFEBD0];
	[tilespmem:s30+$0x1490] =	vst v14  }
0x58: {  	v16 =	vshll.u32 v11, $0xC;
	v11 =	vld [tilespmem:s11+$0xFFFFEB90];
	[tilespmem:s5+$0x1450] =	vst v5  }
0x59: {  	v14 =	vadd.s32 v13, v16;
	v21 =	vshll.u32 v13, $0xC;
	v5 =	vld [tilespmem:s11+$0xFFFFFFF0];
	[tilespmem:s5+$0x0] =	vst v4  }
0x5a: {  	v1 =	vshll.u32 v1, $0xC;
	v4 =	vld [tilespmem:s11+$0xFFFFEBA0];
	[tilespmem:s5+$0x1460] =	vst v7  }
0x5b: {  	v13 =	vadd.s32 v3, v1;
	v3 =	vshll.u32 v3, $0xC;
	v7 =	vld [tilespmem:s11+$0x0];
	[tilespmem:s5+$0x10] =	vst v6  }
0x5c: {  	v6 =	vld [tilespmem:s11+$0xFFFFEBB0];
	v18 =	vshll.u32 v2, $0xC;
	[tilespmem:s5+$0x1470] =	vst v9  }
0x5d: {  	v2 =	vshll.u32 v11, $0xC;
	v9 =	vld [tilespmem:s11+$0x10];
	v11 =	vadd.s32 v20, v18;
	v12 =	vadd.s32 v18, v12;
	[tilespmem:s5+$0xFFFFEBC0] =	vst v0  }
0x5e: {  	v0 =	vadd.s32 v5, v2;
	v5 =	vshll.u32 v5, $0xC;
	v18 =	vld [tilespmem:s11+$0xFFFFEBC0];
	[tilespmem:s5+$0x20] =	vst v8  }
0x5f: {  	v4 =	vshll.u32 v4, $0xC;
	v19 =	vld [tilespmem:s11+$0x20];
	[tilespmem:s5+$0x1480] =	vst v10;
	s5 =	smov.u32 s30  }
0x60: {  	v20 =	vld [tilespmem:s11+$0xFFFFEB60];
	v22 =	vadd.s32 v7, v4;
	v7 =	vshll.u32 v7, $0xC;
	[tilespmem:s30+$0xFFFFEBD0] =	vst v11  }
0x61: {  	v23 =	vld [tilespmem:s11+$0x1420];
	v6 =	vshll.u32 v6, $0xC;
	[tilespmem:s30+$0x30] =	vst v12  }
0x62: {  	v24 =	vld [tilespmem:s11+$0x1430];
	[tilespmem:s30+$0xFFFFEB70] =	vst v14;
	v25 =	vadd.s32 v9, v6;
	v9 =	vshll.u32 v9, $0xC  }
.Ltmp0:
0x63: {  	v12 =	vld [tilespmem:s11+$0x1440];
	[tilespmem:s30+$0xFFFFEB80] =	vst v13;
	v8 =	vshll.u32 v18, $0xC;
	(pc) =	sbr.rel @p0 .LBB2_2-.Ltmp0, $4  }
0x64: {  	v11 =	vld [tilespmem:s11+$0x1450];
	[tilespmem:s30+$0xFFFFEB90] =	vst v0;
	v0 =	vadd.s32 v19, v8;
	v10 =	vshll.u32 v19, $0xC  }
0x65: {  	v14 =	vshll.u32 v20, $0xC;
	v13 =	vld [tilespmem:s11+$0x1460];
	[tilespmem:s30+$0xFFFFEBA0] =	vst v22  }
0x66: {  	v18 =	vadd.s32 v17, v14;
	v19 =	vadd.s32 v14, v23;
	v17 =	vadd.s32 v23, v15;
	v14 =	vld [tilespmem:s11+$0x1470];
	[tilespmem:s30+$0xFFFFEBB0] =	vst v25  }
0x67: {  	[tilespmem:s30+$0xFFFFEB60] =	vst v18;
	v18 =	vadd.s32 v16, v24;
	v16 =	vadd.s32 v24, v21;
	v15 =	vld [tilespmem:s11+$0x1480];
	s11 =	sadd.s32 $0x80, s11  }
0x68: {  	[tilespmem:s30+$0xFFFFFFC0] =	vst v19  }
0x69: {  	[tilespmem:s30+$0x1420] =	vst v17  }
0x6a: {  	[tilespmem:s30+$0xFFFFFFD0] =	vst v18  }
0x6b: {  	[tilespmem:s30+$0x1430] =	vst v16  }
0x6c: {  	v1 =	vadd.s32 v1, v12;
	[tilespmem:s5+$0xFFFFEBC0] =	vst v0  }
0x6d: {  	v3 =	vadd.s32 v12, v3;
	[tilespmem:s30+$0xFFFFFFE0] =	vst v1  }
0x6e: {  	v56 =	vadd.s32 v2, v11;
	[tilespmem:s30+$0x1440] =	vst v3  }
0x6f: {  	v57 =	vadd.s32 v11, v5;
	[tilespmem:s5+$0xFFFFFFF0] =	vst v56  }
0x70: {  	v58 =	vadd.s32 v4, v13;
	[tilespmem:s5+$0x1450] =	vst v57  }
0x71: {  	v59 =	vadd.s32 v13, v7;
	[tilespmem:s5+$0x0] =	vst v58  }
0x72: {  	v60 =	vadd.s32 v6, v14;
	[tilespmem:s5+$0x1460] =	vst v59  }
0x73: {  	v61 =	vadd.s32 v14, v9;
	[tilespmem:s5+$0x10] =	vst v60  }
0x74: {  	[tilespmem:s5+$0x1470] =	vst v61;
	v62 =	vadd.s32 v8, v15  }
0x75: {  	v63 =	vadd.s32 v15, v10;
	[tilespmem:s5+$0x20] =	vst v62  }
0x76: {  	[tilespmem:s5+$0x1480] =	vst v63  }
.LBB2_4:
0x77: {  	v0 =	vld [tilespmem:s0+$0xFFFFEBA0]  }
0x78: {  	v1 =	vld [tilespmem:s0+$0x0]  }
0x79: {  	v2 =	vld [tilespmem:s0+$0x1460]  }
0x7a: {  	s31 =	sadd.s32 $0x10, s31  }
0x7b: {  	p0 =	slt.u32 s31, $0x1450  }
.Ltmp1:
0x7c: {  	v0 =	vshll.u32 v0, $0xC;
	(pc) =	sbr.rel @p0 .LBB2_4-.Ltmp1, $4  }
0x7d: {  	v3 =	vadd.s32 v1, v0  }
0x7e: {  	v0 =	vadd.s32 v0, v2;
	v1 =	vshll.u32 v1, $0xC;
	[tilespmem:s1+$0xFFFFEBA0] =	vst v3  }
0x7f: {  	[tilespmem:s1+$0x0] =	vst v0;
	v63 =	vadd.s32 v2, v1  }
0x80: {  	s0 =	sadd.s32 $0x10, s0;
	[tilespmem:s1+$0x1460] =	vst v63;
	s1 =	sadd.s32 $0x10, s1  }
0x81: {  	s0 =	simm.s32 $0x7B00;
	s1 =	simm.s32 $0xF600  }
0x82: {  	[tilespmem:s1], [sflag:$0x7] =	stream.indirect.gather [hbm4b:s3+s9], $0x1, s0, s9, $0xb8;
	[tilespmem:$0x19A00] =	vst v63  }
0x83: {  	_ = 	snop  }
0x84: {  	[tilespmem:s13], [sflag:$0x9] =	stream.indirect.gather [hbm4b:s3+s9], $0x1, s12, s9, $0xb8;
	[tilespmem:$0x19A00] =	vst v63  }
0x85: {  	_ =	swait.ge [sflag:s14], $0x1460  }
0x86: {  	[sflag:s14] =	ssyncset.done $0x0  }
0x87: {  	[sflag:s14] =	ssyncadd.s32 $0xFFFFEBA0  }
0x88: {  	_ =	swait.ge [sflag:s15], $0x1460  }
0x89: {  	[sflag:s15] =	ssyncset.done $0x0  }
0x8a: {  	[sflag:s15] =	ssyncadd.s32 $0xFFFFEBA0  }
0x8b: {  	_ =	swait.ge [sflag:s16], $0x1460  }
0x8c: {  	[sflag:s16] =	ssyncset.done $0x0  }
0x8d: {  	s11 =	simm.s32 $0x5220;
	[sflag:s16] =	ssyncadd.s32 $0xFFFFEBA0  }
0x8e: {  	v0 =	vld [tilespmem:s11+$0x30]  }
0x8f: {  	v2 =	vld [tilespmem:s11+$0x1490]  }
0x90: {  	v15 =	vld [tilespmem:s11+$0xFFFFFFC0]  }
0x91: {  	v1 =	vld [tilespmem:s11+$0xFFFFEB70]  }
0x92: {  	v3 =	vld [tilespmem:s11+$0xFFFFFFD0]  }
0x93: {  	v4 =	vld [tilespmem:s11+$0xFFFFEB80]  }
0x94: {  	v5 =	vld [tilespmem:s11+$0xFFFFFFE0]  }
0x95: {  	v6 =	vld [tilespmem:s11+$0xFFFFEBD0]  }
0x96: {  	v7 =	vld [tilespmem:s11+$0xFFFFEB90]  }
0x97: {  	v8 =	vld [tilespmem:s11+$0xFFFFFFF0]  }
0x98: {  	v9 =	vld [tilespmem:s11+$0xFFFFEBA0]  }
0x99: {  	v19 =	vld [tilespmem:s11+$0xFFFFEB60]  }
0x9a: {  	v10 =	vld [tilespmem:s11+$0x0]  }
0x9b: {  	v11 =	vld [tilespmem:s11+$0xFFFFEBB0];
	v12 =	vshll.u32 v0, $0xC  }
0x9c: {  	s30 =	simm.s32 $0xCD20;
	v20 =	vld [tilespmem:s11+$0x1420];
	v6 =	vshll.u32 v6, $0xC;
	v12 =	vadd.s32 v2, v12  }
0x9d: {  	v14 =	vld [tilespmem:s11+$0x10];
	v17 =	vshll.u32 v15, $0xC;
	v18 =	vshll.u32 v1, $0xC;
	v0 =	vadd.s32 v0, v6;
	[tilespmem:s30+$0x1490] =	vst v12  }
0x9e: {  	v13 =	vld [tilespmem:s11+$0xFFFFEBC0];
	v1 =	vshll.u32 v4, $0xC;
	v19 =	vshll.u32 v19, $0xC;
	v4 =	vadd.s32 v6, v2;
	[tilespmem:s30+$0xFFFFEBD0] =	vst v0  }
0x9f: {  	v22 =	vld [tilespmem:s11+$0x1430];
	v21 =	vshll.u32 v3, $0xC;
	v2 =	vshll.u32 v7, $0xC;
	v15 =	vadd.s32 v15, v19;
	[tilespmem:s30+$0x30] =	vst v4  }
0xa0: {  	v16 =	vld [tilespmem:s11+$0x20];
	v6 =	vshll.u32 v11, $0xC;
	v7 =	vshll.u32 v10, $0xC;
	v12 =	vadd.s32 v3, v18;
	[tilespmem:s30+$0xFFFFEB60] =	vst v15  }
0xa1: {  	v19 =	vadd.s32 v19, v20;
	v17 =	vadd.s32 v20, v17;
	v0 =	vadd.s32 v5, v1;
	[tilespmem:s30+$0xFFFFEB70] =	vst v12;
	v12 =	vld [tilespmem:s11+$0x1440]  }
0xa2: {  	v11 =	vld [tilespmem:s11+$0x1450];
	v3 =	vshll.u32 v5, $0xC;
	v23 =	vadd.s32 v8, v2;
	v4 =	vshll.u32 v9, $0xC;
	[tilespmem:s30+$0xFFFFEB80] =	vst v0  }
0xa3: {  	v5 =	vshll.u32 v8, $0xC;
	v25 =	vadd.s32 v14, v6;
	v8 =	vshll.u32 v13, $0xC;
	v13 =	vld [tilespmem:s11+$0x1460];
	[tilespmem:s30+$0xFFFFEB90] =	vst v23  }
0xa4: {  	s5 =	simm.s32 $0x0;
	s31 =	simm.s32 $0xE0E0;
	v9 =	vshll.u32 v14, $0xC;
	v14 =	vld [tilespmem:s11+$0x1470];
	v18 =	vadd.s32 v18, v22;
	v24 =	vadd.s32 v10, v4;
	[tilespmem:s30+$0xFFFFEBB0] =	vst v25  }
0xa5: {  	s1 =	simm.s32 $0x65E0;
	s0 =	simm.s32 $0xCD20;
	v15 =	vld [tilespmem:s11+$0x1480];
	v0 =	vadd.s32 v16, v8;
	v10 =	vshll.u32 v16, $0xC;
	v16 =	vadd.s32 v22, v21;
	s11 =	simm.s32 $0x52A0;
	[tilespmem:s30+$0xFFFFEBA0] =	vst v24  }
.LBB2_6:
0xa6: {  	v20 =	vld [tilespmem:s11+$0x30];
	s5 =	sadd.s32 $0x80, s5;
	[tilespmem:s30+$0xFFFFFFC0] =	vst v19;
	v1 =	vadd.s32 v1, v12;
	v3 =	vadd.s32 v12, v3  }
0xa7: {  	v12 =	vld [tilespmem:s11+$0x1490];
	p0 =	slt.u32 s5, $0x1380;
	[tilespmem:s30+$0x1420] =	vst v17;
	v2 =	vadd.s32 v2, v11;
	v5 =	vadd.s32 v11, v5  }
0xa8: {  	v17 =	vld [tilespmem:s11+$0xFFFFFFC0];
	[tilespmem:s30+$0xFFFFFFD0] =	vst v18;
	v4 =	vadd.s32 v4, v13;
	v7 =	vadd.s32 v13, v7  }
0xa9: {  	v11 =	vld [tilespmem:s11+$0xFFFFEB70];
	[tilespmem:s30+$0x1430] =	vst v16;
	v6 =	vadd.s32 v6, v14;
	v9 =	vadd.s32 v14, v9  }
0xaa: {  	v13 =	vld [tilespmem:s11+$0xFFFFFFD0];
	[tilespmem:s30+$0xFFFFFFE0] =	vst v1;
	v8 =	vadd.s32 v8, v15;
	v10 =	vadd.s32 v15, v10  }
0xab: {  	v1 =	vld [tilespmem:s11+$0xFFFFEB80];
	v14 =	vshll.u32 v20, $0xC;
	[tilespmem:s30+$0x1440] =	vst v3  }
0xac: {  	s30 =	sadd.s32 $0x80, s30;
	v3 =	vld [tilespmem:s11+$0xFFFFFFE0];
	v14 =	vadd.s32 v12, v14;
	[tilespmem:s0+$0xFFFFFFF0] =	vst v2  }
0xad: {  	s10 =	simm.s32 $0x13F0;
	v15 =	vshll.u32 v17, $0xC;
	v2 =	vld [tilespmem:s11+$0xFFFFEBD0];
	[tilespmem:s30+$0x1490] =	vst v14  }
0xae: {  	v16 =	vshll.u32 v11, $0xC;
	v11 =	vld [tilespmem:s11+$0xFFFFEB90];
	[tilespmem:s0+$0x1450] =	vst v5  }
0xaf: {  	v14 =	vadd.s32 v13, v16;
	v21 =	vshll.u32 v13, $0xC;
	v5 =	vld [tilespmem:s11+$0xFFFFFFF0];
	[tilespmem:s0+$0x0] =	vst v4  }
0xb0: {  	v1 =	vshll.u32 v1, $0xC;
	v4 =	vld [tilespmem:s11+$0xFFFFEBA0];
	[tilespmem:s0+$0x1460] =	vst v7  }
0xb1: {  	v13 =	vadd.s32 v3, v1;
	v3 =	vshll.u32 v3, $0xC;
	v7 =	vld [tilespmem:s11+$0x0];
	[tilespmem:s0+$0x10] =	vst v6  }
0xb2: {  	v6 =	vld [tilespmem:s11+$0xFFFFEBB0];
	v18 =	vshll.u32 v2, $0xC;
	[tilespmem:s0+$0x1470] =	vst v9  }
0xb3: {  	v2 =	vshll.u32 v11, $0xC;
	v9 =	vld [tilespmem:s11+$0x10];
	v11 =	vadd.s32 v20, v18;
	v12 =	vadd.s32 v18, v12;
	[tilespmem:s0+$0xFFFFEBC0] =	vst v0  }
0xb4: {  	v0 =	vadd.s32 v5, v2;
	v5 =	vshll.u32 v5, $0xC;
	v18 =	vld [tilespmem:s11+$0xFFFFEBC0];
	[tilespmem:s0+$0x20] =	vst v8  }
0xb5: {  	v4 =	vshll.u32 v4, $0xC;
	v19 =	vld [tilespmem:s11+$0x20];
	[tilespmem:s0+$0x1480] =	vst v10;
	s0 =	smov.u32 s30  }
0xb6: {  	v20 =	vld [tilespmem:s11+$0xFFFFEB60];
	v22 =	vadd.s32 v7, v4;
	v7 =	vshll.u32 v7, $0xC;
	[tilespmem:s30+$0xFFFFEBD0] =	vst v11  }
0xb7: {  	v23 =	vld [tilespmem:s11+$0x1420];
	v6 =	vshll.u32 v6, $0xC;
	[tilespmem:s30+$0x30] =	vst v12  }
0xb8: {  	v24 =	vld [tilespmem:s11+$0x1430];
	[tilespmem:s30+$0xFFFFEB70] =	vst v14;
	v25 =	vadd.s32 v9, v6;
	v9 =	vshll.u32 v9, $0xC  }
.Ltmp2:
0xb9: {  	v12 =	vld [tilespmem:s11+$0x1440];
	[tilespmem:s30+$0xFFFFEB80] =	vst v13;
	v8 =	vshll.u32 v18, $0xC;
	(pc) =	sbr.rel @p0 .LBB2_6-.Ltmp2, $4  }
0xba: {  	v11 =	vld [tilespmem:s11+$0x1450];
	[tilespmem:s30+$0xFFFFEB90] =	vst v0;
	v0 =	vadd.s32 v19, v8;
	v10 =	vshll.u32 v19, $0xC  }
0xbb: {  	v14 =	vshll.u32 v20, $0xC;
	v13 =	vld [tilespmem:s11+$0x1460];
	[tilespmem:s30+$0xFFFFEBA0] =	vst v22  }
0xbc: {  	v18 =	vadd.s32 v17, v14;
	v19 =	vadd.s32 v14, v23;
	v17 =	vadd.s32 v23, v15;
	v14 =	vld [tilespmem:s11+$0x1470];
	[tilespmem:s30+$0xFFFFEBB0] =	vst v25  }
0xbd: {  	[tilespmem:s30+$0xFFFFEB60] =	vst v18;
	v18 =	vadd.s32 v16, v24;
	v16 =	vadd.s32 v24, v21;
	v15 =	vld [tilespmem:s11+$0x1480];
	s11 =	sadd.s32 $0x80, s11  }
0xbe: {  	[tilespmem:s30+$0xFFFFFFC0] =	vst v19  }
0xbf: {  	[tilespmem:s30+$0x1420] =	vst v17  }
0xc0: {  	[tilespmem:s30+$0xFFFFFFD0] =	vst v18  }
0xc1: {  	[tilespmem:s30+$0x1430] =	vst v16  }
0xc2: {  	v1 =	vadd.s32 v1, v12;
	[tilespmem:s0+$0xFFFFEBC0] =	vst v0  }
0xc3: {  	v3 =	vadd.s32 v12, v3;
	[tilespmem:s30+$0xFFFFFFE0] =	vst v1  }
0xc4: {  	v56 =	vadd.s32 v2, v11;
	[tilespmem:s30+$0x1440] =	vst v3  }
0xc5: {  	v57 =	vadd.s32 v11, v5;
	[tilespmem:s0+$0xFFFFFFF0] =	vst v56  }
0xc6: {  	v58 =	vadd.s32 v4, v13;
	[tilespmem:s0+$0x1450] =	vst v57  }
0xc7: {  	v59 =	vadd.s32 v13, v7;
	[tilespmem:s0+$0x0] =	vst v58  }
0xc8: {  	v60 =	vadd.s32 v6, v14;
	[tilespmem:s0+$0x1460] =	vst v59  }
0xc9: {  	v61 =	vadd.s32 v14, v9;
	[tilespmem:s0+$0x10] =	vst v60  }
0xca: {  	[tilespmem:s0+$0x1470] =	vst v61;
	v62 =	vadd.s32 v8, v15  }
0xcb: {  	v63 =	vadd.s32 v15, v10;
	[tilespmem:s0+$0x20] =	vst v62  }
0xcc: {  	[tilespmem:s0+$0x1480] =	vst v63  }
.LBB2_8:
0xcd: {  	v0 =	vld [tilespmem:s1+$0xFFFFEBA0]  }
0xce: {  	v1 =	vld [tilespmem:s1+$0x0]  }
0xcf: {  	v2 =	vld [tilespmem:s1+$0x1460]  }
0xd0: {  	s10 =	sadd.s32 $0x10, s10  }
0xd1: {  	p0 =	slt.u32 s10, $0x1450  }
.Ltmp3:
0xd2: {  	v0 =	vshll.u32 v0, $0xC;
	(pc) =	sbr.rel @p0 .LBB2_8-.Ltmp3, $4  }
0xd3: {  	v3 =	vadd.s32 v1, v0  }
0xd4: {  	v0 =	vadd.s32 v0, v2;
	v1 =	vshll.u32 v1, $0xC;
	[tilespmem:s31+$0xFFFFEBA0] =	vst v3  }
0xd5: {  	[tilespmem:s31+$0x0] =	vst v0;
	v63 =	vadd.s32 v2, v1  }
0xd6: {  	s1 =	sadd.s32 $0x10, s1;
	[tilespmem:s31+$0x1460] =	vst v63;
	s31 =	sadd.s32 $0x10, s31  }
0xd7: {  	[tilespmem:s18], [sflag:$0x8] =	stream.indirect.gather [hbm4b:s3+s9], $0x1, s17, s9, $0xb8;
	[tilespmem:$0x19A00] =	vst v63  }
0xd8: {  	_ = 	snop  }
0xd9: {  	[tilespmem:s20], [sflag:$0xA] =	stream.indirect.gather [hbm4b:s3+s9], $0x1, s19, s9, $0xb8;
	[tilespmem:$0x19A00] =	vst v63  }
0xda: {  	s0 =	rddreg [dreg:$0x9]  }
0xdb: {  	[tilespmem:s2], [sflag:$0x1] =	stream.linear.gather [hbm4b:s0+s2], $0x1460, $0x38;
	[tilespmem:$0x19A00] =	vst v63  }
0xdc: {  	s11 =	rddreg [dreg:$0xa];
	s1 =	simm.s32 $0x1460  }
0xdd: {  	[tilespmem:s1], [sflag:$0x2] =	stream.linear.gather [hbm4b:s11+s2], $0x1460, $0x38;
	[tilespmem:$0x19A00] =	vst v63  }
0xde: {  	s30 =	rddreg [dreg:$0xb];
	s31 =	simm.s32 $0x28C0  }
0xdf: {  	[tilespmem:s31], [sflag:$0x3] =	stream.linear.gather [hbm4b:s30+s2], $0x1460, $0x38;
	[tilespmem:$0x19A00] =	vst v63  }
0xe0: {  	_ =	swait.ge [sflag:s21], $0x1E90  }
0xe1: {  	[sflag:s21] =	ssyncset.done $0x0  }
0xe2: {  	[sflag:s21] =	ssyncadd.s32 $0xFFFFE170  }
0xe3: {  	_ =	swait.ge [sflag:s22], $0x1E90  }
0xe4: {  	[sflag:s22] =	ssyncset.done $0x0  }
0xe5: {  	s11 =	simm.s32 $0x10AA0;
	[sflag:s22] =	ssyncadd.s32 $0xFFFFE170  }
0xe6: {  	v0 =	vld [tilespmem:s11+$0xFFFFEBD0]  }
0xe7: {  	v1 =	vld [tilespmem:s11+$0x30]  }
0xe8: {  	v3 =	vld [tilespmem:s11+$0xFFFFFFC0]  }
0xe9: {  	v2 =	vld [tilespmem:s11+$0x1490]  }
0xea: {  	v4 =	vld [tilespmem:s11+$0xFFFFEB70]  }
0xeb: {  	v5 =	vld [tilespmem:s11+$0xFFFFFFD0]  }
0xec: {  	v6 =	vld [tilespmem:s11+$0xFFFFEB80]  }
0xed: {  	v7 =	vld [tilespmem:s11+$0xFFFFFFE0]  }
0xee: {  	v8 =	vld [tilespmem:s11+$0xFFFFEB90]  }
0xef: {  	v10 =	vld [tilespmem:s11+$0xFFFFFFF0]  }
0xf0: {  	v11 =	vld [tilespmem:s11+$0xFFFFEBA0]  }
0xf1: {  	v12 =	vld [tilespmem:s11+$0x0]  }
0xf2: {  	v13 =	vld [tilespmem:s11+$0xFFFFEBB0]  }
0xf3: {  	v14 =	vld [tilespmem:s11+$0x10]  }
0xf4: {  	v15 =	vld [tilespmem:s11+$0xFFFFEBC0]  }
0xf5: {  	v16 =	vld [tilespmem:s11+$0x20]  }
0xf6: {  	v17 =	vld [tilespmem:s11+$0xFFFFEB60]  }
0xf7: {  	v18 =	vld [tilespmem:s11+$0x1420];
	v0 =	vadd.f32 v1, v0  }
0xf8: {  	v19 =	vld [tilespmem:s11+$0x1430]  }
0xf9: {  	v9 =	vld [tilespmem:s11+$0x1440];
	v21 =	vadd.f32 v5, v4;
	v20 =	vadd.f32 v2, v0  }
0xfa: {  	v1 =	vadd.f32 v7, v6;
	v5 =	vld [tilespmem:s11+$0x1450];
	v4 =	vadd.f32 v16, v15  }
0xfb: {  	v7 =	vld [tilespmem:s11+$0x1460];
	v0 =	vadd.f32 v10, v8;
	v10 =	vadd.f32 v3, v17;
	v8 =	vmul.f32 $3.333333430e-01, v20  }
0xfc: {  	s5 =	simm.s32 $0x17140;
	s10 =	simm.s32 $0x0;
	v6 =	vld [tilespmem:s11+$0x1470];
	v2 =	vadd.f32 v12, v11;
	v3 =	vadd.f32 v14, v13  }
0xfd: {  	s0 =	simm.s32 $0x18500;
	s1 =	simm.s32 $0x11E60;
	v11 =	vadd.f32 v19, v21;
	v10 =	vadd.f32 v18, v10;
	[tilespmem:s5+$0x30] =	vst v8;
	v8 =	vld [tilespmem:s11+$0x1480];
	s11 =	simm.s32 $0x10B20  }
.LBB2_10:
0xfe: {  	v12 =	vld [tilespmem:s11+$0xFFFFEBD0];
	v1 =	vadd.f32 v9, v1  }
0xff: {  	s10 =	sadd.s32 $0x80, s10;
	v9 =	vld [tilespmem:s11+$0x30];
	v10 =	vmul.f32 $3.333333430e-01, v10;
	v11 =	vmul.f32 $3.333333430e-01, v11;
	v0 =	vadd.f32 v5, v0  }
0x100: {  	p0 =	slt.u32 s10, $0x1380;
	v13 =	vld [tilespmem:s11+$0xFFFFFFC0];
	v1 =	vmul.f32 $3.333333430e-01, v1;
	v2 =	vadd.f32 v7, v2  }
0x101: {  	v5 =	vld [tilespmem:s11+$0x1490];
	[tilespmem:s5+$0xFFFFFFC0] =	vst v10;
	v0 =	vmul.f32 $3.333333430e-01, v0;
	v3 =	vadd.f32 v6, v3  }
0x102: {  	v6 =	vld [tilespmem:s11+$0xFFFFEB70];
	[tilespmem:s5+$0xFFFFFFD0] =	vst v11;
	v2 =	vmul.f32 $3.333333430e-01, v2;
	v4 =	vadd.f32 v8, v4  }
0x103: {  	v7 =	vld [tilespmem:s11+$0xFFFFFFD0];
	[tilespmem:s5+$0xFFFFFFE0] =	vst v1;
	v1 =	vmul.f32 $3.333333430e-01, v3  }
0x104: {  	v3 =	vld [tilespmem:s11+$0xFFFFEB80];
	v8 =	vadd.f32 v9, v12;
	[tilespmem:s5+$0xFFFFFFF0] =	vst v0;
	v0 =	vmul.f32 $3.333333430e-01, v4  }
0x105: {  	v4 =	vld [tilespmem:s11+$0xFFFFFFE0];
	[tilespmem:s5+$0x0] =	vst v2  }
0x106: {  	v2 =	vld [tilespmem:s11+$0xFFFFEB90];
	v5 =	vadd.f32 v5, v8;
	[tilespmem:s5+$0x10] =	vst v1  }
0x107: {  	v8 =	vld [tilespmem:s11+$0xFFFFFFF0];
	[tilespmem:s5+$0x20] =	vst v0  }
0x108: {  	v11 =	vadd.f32 v7, v6;
	v6 =	vld [tilespmem:s11+$0xFFFFEBA0];
	v0 =	vmul.f32 $3.333333430e-01, v5  }
0x109: {  	s5 =	sadd.s32 $0x80, s5;
	v5 =	vld [tilespmem:s11+$0x0]  }
0x10a: {  	s30 =	simm.s32 $0x13F0;
	v1 =	vadd.f32 v4, v3;
	v3 =	vld [tilespmem:s11+$0xFFFFEBB0];
	[tilespmem:s5+$0x30] =	vst v0  }
0x10b: {  	v4 =	vld [tilespmem:s11+$0x10]  }
0x10c: {  	v0 =	vadd.f32 v8, v2;
	v7 =	vld [tilespmem:s11+$0xFFFFEBC0]  }
0x10d: {  	v8 =	vld [tilespmem:s11+$0x20]  }
0x10e: {  	v10 =	vld [tilespmem:s11+$0xFFFFEB60];
	v2 =	vadd.f32 v5, v6  }
0x10f: {  	v12 =	vld [tilespmem:s11+$0x1420]  }
0x110: {  	v14 =	vld [tilespmem:s11+$0x1430];
	v3 =	vadd.f32 v4, v3  }
.Ltmp4:
0x111: {  	v9 =	vld [tilespmem:s11+$0x1440];
	(pc) =	sbr.rel @p0 .LBB2_10-.Ltmp4, $4  }
0x112: {  	v5 =	vld [tilespmem:s11+$0x1450];
	v4 =	vadd.f32 v8, v7  }
0x113: {  	v8 =	vadd.f32 v13, v10;
	v7 =	vld [tilespmem:s11+$0x1460]  }
0x114: {  	v6 =	vld [tilespmem:s11+$0x1470]  }
0x115: {  	v10 =	vadd.f32 v12, v8;
	v11 =	vadd.f32 v14, v11;
	v8 =	vld [tilespmem:s11+$0x1480];
	s11 =	sadd.s32 $0x80, s11  }
0x116: {  	_ = 	snop  }
0x117: {  	v1 =	vadd.f32 v9, v1;
	v60 =	vmul.f32 $3.333333430e-01, v10  }
0x118: {  	v61 =	vmul.f32 $3.333333430e-01, v11;
	v0 =	vadd.f32 v5, v0  }
0x119: {  	v1 =	vmul.f32 $3.333333430e-01, v1;
	v2 =	vadd.f32 v7, v2;
	[tilespmem:s5+$0xFFFFFFC0] =	vst v60  }
0x11a: {  	v0 =	vmul.f32 $3.333333430e-01, v0;
	v3 =	vadd.f32 v6, v3;
	[tilespmem:s5+$0xFFFFFFD0] =	vst v61  }
0x11b: {  	v2 =	vmul.f32 $3.333333430e-01, v2;
	v4 =	vadd.f32 v8, v4;
	[tilespmem:s5+$0xFFFFFFE0] =	vst v1  }
0x11c: {  	v62 =	vmul.f32 $3.333333430e-01, v3;
	[tilespmem:s5+$0xFFFFFFF0] =	vst v0  }
0x11d: {  	v63 =	vmul.f32 $3.333333430e-01, v4;
	[tilespmem:s5+$0x0] =	vst v2  }
0x11e: {  	[tilespmem:s5+$0x10] =	vst v62  }
0x11f: {  	[tilespmem:s5+$0x20] =	vst v63  }
.LBB2_12:
0x120: {  	v0 =	vld [tilespmem:s1+$0xFFFFEBA0]  }
0x121: {  	v1 =	vld [tilespmem:s1+$0x0];
	_ =	sdelay $0x1  }
0x122: {  	v2 =	vld [tilespmem:s1+$0x1460];
	_ =	sdelay $0x2  }
0x123: {  	s30 =	sadd.s32 $0x10, s30;
	v0 =	vadd.f32 v1, v0  }
0x124: {  	p0 =	slt.u32 s30, $0x1450  }
.Ltmp5:
0x125: {  	v0 =	vadd.f32 v2, v0;
	(pc) =	sbr.rel @p0 .LBB2_12-.Ltmp5, $3  }
0x126: {  	_ = 	snop  }
0x127: {  	v0 =	vmul.f32 $3.333333430e-01, v0;
	_ =	sdelay $0x1  }
0x128: {  	s1 =	sadd.s32 $0x10, s1;
	[tilespmem:s0+$0x0] =	vst v0;
	s0 =	sadd.s32 $0x10, s0  }
0x129: {  	s0 =	rddreg [dreg:$0xc]  }
0x12a: {  	[hbm4b:s0+s2] =	stream.linear.scatter [tilespmem:s23], [sflag:$0xB], $0x1460, $0x38;
	[tilespmem:$0x19A00] =	vst v63  }
0x12b: {  	_ =	swait.ge [sflag:s6], $0x1460  }
0x12c: {  	[sflag:s6] =	ssyncset.done $0x0  }
0x12d: {  	[sflag:s6] =	ssyncadd.s32 $0xFFFFEBA0  }
0x12e: {  	_ =	swait.ge [sflag:s7], $0x1460  }
0x12f: {  	[sflag:s7] =	ssyncset.done $0x0  }
0x130: {  	[sflag:s7] =	ssyncadd.s32 $0xFFFFEBA0  }
0x131: {  	_ =	swait.ge [sflag:s8], $0x1460  }
0x132: {  	[sflag:s8] =	ssyncset.done $0x0  }
0x133: {  	s11 =	simm.s32 $0x14A0;
	[sflag:s8] =	ssyncadd.s32 $0xFFFFEBA0  }
0x134: {  	v0 =	vld [tilespmem:s11+$0x30]  }
0x135: {  	v2 =	vld [tilespmem:s11+$0x1490]  }
0x136: {  	v15 =	vld [tilespmem:s11+$0xFFFFFFC0]  }
0x137: {  	v1 =	vld [tilespmem:s11+$0xFFFFEB70]  }
0x138: {  	v3 =	vld [tilespmem:s11+$0xFFFFFFD0]  }
0x139: {  	v4 =	vld [tilespmem:s11+$0xFFFFEB80]  }
0x13a: {  	v5 =	vld [tilespmem:s11+$0xFFFFFFE0]  }
0x13b: {  	v6 =	vld [tilespmem:s11+$0xFFFFEBD0]  }
0x13c: {  	v7 =	vld [tilespmem:s11+$0xFFFFEB90]  }
0x13d: {  	v8 =	vld [tilespmem:s11+$0xFFFFFFF0]  }
0x13e: {  	v9 =	vld [tilespmem:s11+$0xFFFFEBA0]  }
0x13f: {  	v19 =	vld [tilespmem:s11+$0xFFFFEB60]  }
0x140: {  	v10 =	vld [tilespmem:s11+$0x0]  }
0x141: {  	v11 =	vld [tilespmem:s11+$0xFFFFEBB0];
	v12 =	vshll.u32 v0, $0xC  }
0x142: {  	s30 =	simm.s32 $0x8FA0;
	v20 =	vld [tilespmem:s11+$0x1420];
	v6 =	vshll.u32 v6, $0xC;
	v12 =	vadd.s32 v2, v12  }
0x143: {  	v14 =	vld [tilespmem:s11+$0x10];
	v17 =	vshll.u32 v15, $0xC;
	v18 =	vshll.u32 v1, $0xC;
	v0 =	vadd.s32 v0, v6;
	[tilespmem:s30+$0x1490] =	vst v12  }
0x144: {  	v13 =	vld [tilespmem:s11+$0xFFFFEBC0];
	v1 =	vshll.u32 v4, $0xC;
	v19 =	vshll.u32 v19, $0xC;
	v4 =	vadd.s32 v6, v2;
	[tilespmem:s30+$0xFFFFEBD0] =	vst v0  }
0x145: {  	v22 =	vld [tilespmem:s11+$0x1430];
	v21 =	vshll.u32 v3, $0xC;
	v2 =	vshll.u32 v7, $0xC;
	v15 =	vadd.s32 v15, v19;
	[tilespmem:s30+$0x30] =	vst v4  }
0x146: {  	v16 =	vld [tilespmem:s11+$0x20];
	v6 =	vshll.u32 v11, $0xC;
	v7 =	vshll.u32 v10, $0xC;
	v12 =	vadd.s32 v3, v18;
	[tilespmem:s30+$0xFFFFEB60] =	vst v15  }
0x147: {  	v19 =	vadd.s32 v19, v20;
	v17 =	vadd.s32 v20, v17;
	v0 =	vadd.s32 v5, v1;
	[tilespmem:s30+$0xFFFFEB70] =	vst v12;
	v12 =	vld [tilespmem:s11+$0x1440]  }
0x148: {  	v11 =	vld [tilespmem:s11+$0x1450];
	v3 =	vshll.u32 v5, $0xC;
	v23 =	vadd.s32 v8, v2;
	v4 =	vshll.u32 v9, $0xC;
	[tilespmem:s30+$0xFFFFEB80] =	vst v0  }
0x149: {  	v5 =	vshll.u32 v8, $0xC;
	v25 =	vadd.s32 v14, v6;
	v8 =	vshll.u32 v13, $0xC;
	v13 =	vld [tilespmem:s11+$0x1460];
	[tilespmem:s30+$0xFFFFEB90] =	vst v23  }
0x14a: {  	v9 =	vshll.u32 v14, $0xC;
	v14 =	vld [tilespmem:s11+$0x1470];
	v18 =	vadd.s32 v18, v22;
	v24 =	vadd.s32 v10, v4;
	[tilespmem:s30+$0xFFFFEBB0] =	vst v25  }
0x14b: {  	s1 =	simm.s32 $0x0;
	s31 =	simm.s32 $0x1520;
	s0 =	simm.s32 $0x8FA0;
	v15 =	vld [tilespmem:s11+$0x1480];
	v0 =	vadd.s32 v16, v8;
	v10 =	vshll.u32 v16, $0xC;
	v16 =	vadd.s32 v22, v21;
	[tilespmem:s30+$0xFFFFEBA0] =	vst v24  }
.LBB2_14:
0x14c: {  	v20 =	vld [tilespmem:s31+$0x30];
	s1 =	sadd.s32 $0x80, s1;
	[tilespmem:s30+$0xFFFFFFC0] =	vst v19;
	v1 =	vadd.s32 v1, v12;
	v3 =	vadd.s32 v12, v3  }
0x14d: {  	v12 =	vld [tilespmem:s31+$0x1490];
	p0 =	slt.u32 s1, $0x1380;
	[tilespmem:s30+$0x1420] =	vst v17;
	v2 =	vadd.s32 v2, v11;
	v5 =	vadd.s32 v11, v5  }
0x14e: {  	v17 =	vld [tilespmem:s31+$0xFFFFFFC0];
	[tilespmem:s30+$0xFFFFFFD0] =	vst v18;
	v4 =	vadd.s32 v4, v13;
	v7 =	vadd.s32 v13, v7  }
0x14f: {  	v11 =	vld [tilespmem:s31+$0xFFFFEB70];
	[tilespmem:s30+$0x1430] =	vst v16;
	v6 =	vadd.s32 v6, v14;
	v9 =	vadd.s32 v14, v9  }
0x150: {  	v13 =	vld [tilespmem:s31+$0xFFFFFFD0];
	[tilespmem:s30+$0xFFFFFFE0] =	vst v1;
	v8 =	vadd.s32 v8, v15;
	v10 =	vadd.s32 v15, v10  }
0x151: {  	v1 =	vld [tilespmem:s31+$0xFFFFEB80];
	v14 =	vshll.u32 v20, $0xC;
	[tilespmem:s30+$0x1440] =	vst v3  }
0x152: {  	s30 =	sadd.s32 $0x80, s30;
	v3 =	vld [tilespmem:s31+$0xFFFFFFE0];
	v14 =	vadd.s32 v12, v14;
	[tilespmem:s0+$0xFFFFFFF0] =	vst v2  }
0x153: {  	s5 =	simm.s32 $0x13F0;
	s10 =	simm.s32 $0xA360;
	s11 =	simm.s32 $0x2860;
	v15 =	vshll.u32 v17, $0xC;
	v2 =	vld [tilespmem:s31+$0xFFFFEBD0];
	[tilespmem:s30+$0x1490] =	vst v14  }
0x154: {  	v16 =	vshll.u32 v11, $0xC;
	v11 =	vld [tilespmem:s31+$0xFFFFEB90];
	[tilespmem:s0+$0x1450] =	vst v5  }
0x155: {  	v14 =	vadd.s32 v13, v16;
	v21 =	vshll.u32 v13, $0xC;
	v5 =	vld [tilespmem:s31+$0xFFFFFFF0];
	[tilespmem:s0+$0x0] =	vst v4  }
0x156: {  	v1 =	vshll.u32 v1, $0xC;
	v4 =	vld [tilespmem:s31+$0xFFFFEBA0];
	[tilespmem:s0+$0x1460] =	vst v7  }
0x157: {  	v13 =	vadd.s32 v3, v1;
	v3 =	vshll.u32 v3, $0xC;
	v7 =	vld [tilespmem:s31+$0x0];
	[tilespmem:s0+$0x10] =	vst v6  }
0x158: {  	v6 =	vld [tilespmem:s31+$0xFFFFEBB0];
	v18 =	vshll.u32 v2, $0xC;
	[tilespmem:s0+$0x1470] =	vst v9  }
0x159: {  	v2 =	vshll.u32 v11, $0xC;
	v9 =	vld [tilespmem:s31+$0x10];
	v11 =	vadd.s32 v20, v18;
	v12 =	vadd.s32 v18, v12;
	[tilespmem:s0+$0xFFFFEBC0] =	vst v0  }
0x15a: {  	v0 =	vadd.s32 v5, v2;
	v5 =	vshll.u32 v5, $0xC;
	v18 =	vld [tilespmem:s31+$0xFFFFEBC0];
	[tilespmem:s0+$0x20] =	vst v8  }
0x15b: {  	v4 =	vshll.u32 v4, $0xC;
	v19 =	vld [tilespmem:s31+$0x20];
	[tilespmem:s0+$0x1480] =	vst v10;
	s0 =	smov.u32 s30  }
0x15c: {  	v20 =	vld [tilespmem:s31+$0xFFFFEB60];
	v22 =	vadd.s32 v7, v4;
	v7 =	vshll.u32 v7, $0xC;
	[tilespmem:s30+$0xFFFFEBD0] =	vst v11  }
0x15d: {  	v23 =	vld [tilespmem:s31+$0x1420];
	v6 =	vshll.u32 v6, $0xC;
	[tilespmem:s30+$0x30] =	vst v12  }
0x15e: {  	v24 =	vld [tilespmem:s31+$0x1430];
	[tilespmem:s30+$0xFFFFEB70] =	vst v14;
	v25 =	vadd.s32 v9, v6;
	v9 =	vshll.u32 v9, $0xC  }
.Ltmp6:
0x15f: {  	v12 =	vld [tilespmem:s31+$0x1440];
	[tilespmem:s30+$0xFFFFEB80] =	vst v13;
	v8 =	vshll.u32 v18, $0xC;
	(pc) =	sbr.rel @p0 .LBB2_14-.Ltmp6, $4  }
0x160: {  	v11 =	vld [tilespmem:s31+$0x1450];
	[tilespmem:s30+$0xFFFFEB90] =	vst v0;
	v0 =	vadd.s32 v19, v8;
	v10 =	vshll.u32 v19, $0xC  }
0x161: {  	v14 =	vshll.u32 v20, $0xC;
	v13 =	vld [tilespmem:s31+$0x1460];
	[tilespmem:s30+$0xFFFFEBA0] =	vst v22  }
0x162: {  	v18 =	vadd.s32 v17, v14;
	v19 =	vadd.s32 v14, v23;
	v17 =	vadd.s32 v23, v15;
	v14 =	vld [tilespmem:s31+$0x1470];
	[tilespmem:s30+$0xFFFFEBB0] =	vst v25  }
0x163: {  	[tilespmem:s30+$0xFFFFEB60] =	vst v18;
	v18 =	vadd.s32 v16, v24;
	v16 =	vadd.s32 v24, v21;
	v15 =	vld [tilespmem:s31+$0x1480];
	s31 =	sadd.s32 $0x80, s31  }
0x164: {  	[tilespmem:s30+$0xFFFFFFC0] =	vst v19  }
0x165: {  	[tilespmem:s30+$0x1420] =	vst v17  }
0x166: {  	[tilespmem:s30+$0xFFFFFFD0] =	vst v18  }
0x167: {  	[tilespmem:s30+$0x1430] =	vst v16  }
0x168: {  	v1 =	vadd.s32 v1, v12;
	[tilespmem:s0+$0xFFFFEBC0] =	vst v0  }
0x169: {  	v3 =	vadd.s32 v12, v3;
	[tilespmem:s30+$0xFFFFFFE0] =	vst v1  }
0x16a: {  	v56 =	vadd.s32 v2, v11;
	[tilespmem:s30+$0x1440] =	vst v3  }
0x16b: {  	v57 =	vadd.s32 v11, v5;
	[tilespmem:s0+$0xFFFFFFF0] =	vst v56  }
0x16c: {  	v58 =	vadd.s32 v4, v13;
	[tilespmem:s0+$0x1450] =	vst v57  }
0x16d: {  	v59 =	vadd.s32 v13, v7;
	[tilespmem:s0+$0x0] =	vst v58  }
0x16e: {  	v60 =	vadd.s32 v6, v14;
	[tilespmem:s0+$0x1460] =	vst v59  }
0x16f: {  	v61 =	vadd.s32 v14, v9;
	[tilespmem:s0+$0x10] =	vst v60  }
0x170: {  	[tilespmem:s0+$0x1470] =	vst v61;
	v62 =	vadd.s32 v8, v15  }
0x171: {  	v63 =	vadd.s32 v15, v10;
	[tilespmem:s0+$0x20] =	vst v62  }
0x172: {  	[tilespmem:s0+$0x1480] =	vst v63  }
.LBB2_16:
0x173: {  	v0 =	vld [tilespmem:s11+$0xFFFFEBA0]  }
0x174: {  	v1 =	vld [tilespmem:s11+$0x0]  }
0x175: {  	v2 =	vld [tilespmem:s11+$0x1460]  }
0x176: {  	s5 =	sadd.s32 $0x10, s5  }
0x177: {  	p0 =	slt.u32 s5, $0x1450  }
.Ltmp7:
0x178: {  	v0 =	vshll.u32 v0, $0xC;
	(pc) =	sbr.rel @p0 .LBB2_16-.Ltmp7, $4  }
0x179: {  	v3 =	vadd.s32 v1, v0  }
0x17a: {  	v0 =	vadd.s32 v0, v2;
	v1 =	vshll.u32 v1, $0xC;
	[tilespmem:s10+$0xFFFFEBA0] =	vst v3  }
0x17b: {  	[tilespmem:s10+$0x0] =	vst v0;
	v63 =	vadd.s32 v2, v1  }
0x17c: {  	s11 =	sadd.s32 $0x10, s11;
	[tilespmem:s10+$0x1460] =	vst v63;
	s10 =	sadd.s32 $0x10, s10  }
0x17d: {  	s0 =	simm.s32 $0x7B00;
	s1 =	simm.s32 $0xF600  }
0x17e: {  	[tilespmem:s1], [sflag:$0x7] =	stream.indirect.gather [hbm4b:s3+s9], $0x1, s0, s9, $0xb8;
	[tilespmem:$0x19A00] =	vst v63  }
0x17f: {  	_ = 	snop  }
0x180: {  	[tilespmem:s13], [sflag:$0x9] =	stream.indirect.gather [hbm4b:s3+s9], $0x1, s12, s9, $0xb8;
	[tilespmem:$0x19A00] =	vst v63  }
0x181: {  	s5 =	simm.s32 $0x3D80;
	s1 =	rddreg [dreg:$0xd]  }
0x182: {  	[tilespmem:s5], [sflag:$0x4] =	stream.linear.gather [hbm4b:s1+s2], $0x1460, $0x38;
	[tilespmem:$0x19A00] =	vst v63  }
0x183: {  	s10 =	rddreg [dreg:$0xe];
	s11 =	simm.s32 $0x51E0  }
0x184: {  	[tilespmem:s11], [sflag:$0x5] =	stream.linear.gather [hbm4b:s10+s2], $0x1460, $0x38;
	[tilespmem:$0x19A00] =	vst v63  }
0x185: {  	s30 =	rddreg [dreg:$0xf];
	s31 =	simm.s32 $0x6640  }
0x186: {  	[tilespmem:s31], [sflag:$0x6] =	stream.linear.gather [hbm4b:s30+s2], $0x1460, $0x38;
	[tilespmem:$0x19A00] =	vst v63  }
0x187: {  	_ =	swait.ge [sflag:s24], $0x1E90  }
0x188: {  	[sflag:s24] =	ssyncset.done $0x0  }
0x189: {  	[sflag:s24] =	ssyncadd.s32 $0xFFFFE170  }
0x18a: {  	_ =	swait.ge [sflag:s25], $0x1E90  }
0x18b: {  	[sflag:s25] =	ssyncset.done $0x0  }
0x18c: {  	s11 =	simm.s32 $0x14820;
	[sflag:s25] =	ssyncadd.s32 $0xFFFFE170  }
0x18d: {  	v0 =	vld [tilespmem:s11+$0xFFFFEBD0]  }
0x18e: {  	v1 =	vld [tilespmem:s11+$0x30]  }
0x18f: {  	v3 =	vld [tilespmem:s11+$0xFFFFFFC0]  }
0x190: {  	v2 =	vld [tilespmem:s11+$0x1490]  }
0x191: {  	v4 =	vld [tilespmem:s11+$0xFFFFEB70]  }
0x192: {  	v5 =	vld [tilespmem:s11+$0xFFFFFFD0]  }
0x193: {  	v6 =	vld [tilespmem:s11+$0xFFFFEB80]  }
0x194: {  	v7 =	vld [tilespmem:s11+$0xFFFFFFE0]  }
0x195: {  	v8 =	vld [tilespmem:s11+$0xFFFFEB90]  }
0x196: {  	v10 =	vld [tilespmem:s11+$0xFFFFFFF0]  }
0x197: {  	v11 =	vld [tilespmem:s11+$0xFFFFEBA0]  }
0x198: {  	v12 =	vld [tilespmem:s11+$0x0]  }
0x199: {  	v13 =	vld [tilespmem:s11+$0xFFFFEBB0]  }
0x19a: {  	v14 =	vld [tilespmem:s11+$0x10]  }
0x19b: {  	v15 =	vld [tilespmem:s11+$0xFFFFEBC0]  }
0x19c: {  	v16 =	vld [tilespmem:s11+$0x20]  }
0x19d: {  	v17 =	vld [tilespmem:s11+$0xFFFFEB60]  }
0x19e: {  	v18 =	vld [tilespmem:s11+$0x1420];
	v0 =	vadd.f32 v1, v0  }
0x19f: {  	v19 =	vld [tilespmem:s11+$0x1430]  }
0x1a0: {  	v9 =	vld [tilespmem:s11+$0x1440];
	v21 =	vadd.f32 v5, v4;
	v20 =	vadd.f32 v2, v0  }
0x1a1: {  	v1 =	vadd.f32 v7, v6;
	v5 =	vld [tilespmem:s11+$0x1450];
	v4 =	vadd.f32 v16, v15  }
0x1a2: {  	v7 =	vld [tilespmem:s11+$0x1460];
	v0 =	vadd.f32 v10, v8;
	v10 =	vadd.f32 v3, v17;
	v8 =	vmul.f32 $3.333333430e-01, v20  }
0x1a3: {  	s0 =	simm.s32 $0x19980;
	s5 =	simm.s32 $0x185C0;
	v6 =	vld [tilespmem:s11+$0x1470];
	v2 =	vadd.f32 v12, v11;
	v3 =	vadd.f32 v14, v13  }
0x1a4: {  	s1 =	simm.s32 $0x15BE0;
	s10 =	simm.s32 $0x0;
	v11 =	vadd.f32 v19, v21;
	v10 =	vadd.f32 v18, v10;
	[tilespmem:s5+$0x30] =	vst v8;
	v8 =	vld [tilespmem:s11+$0x1480];
	s11 =	simm.s32 $0x148A0  }
.LBB2_18:
0x1a5: {  	v12 =	vld [tilespmem:s11+$0xFFFFEBD0];
	v1 =	vadd.f32 v9, v1  }
0x1a6: {  	s10 =	sadd.s32 $0x80, s10;
	v9 =	vld [tilespmem:s11+$0x30];
	v10 =	vmul.f32 $3.333333430e-01, v10;
	v11 =	vmul.f32 $3.333333430e-01, v11;
	v0 =	vadd.f32 v5, v0  }
0x1a7: {  	p0 =	slt.u32 s10, $0x1380;
	v13 =	vld [tilespmem:s11+$0xFFFFFFC0];
	v1 =	vmul.f32 $3.333333430e-01, v1;
	v2 =	vadd.f32 v7, v2  }
0x1a8: {  	v5 =	vld [tilespmem:s11+$0x1490];
	[tilespmem:s5+$0xFFFFFFC0] =	vst v10;
	v0 =	vmul.f32 $3.333333430e-01, v0;
	v3 =	vadd.f32 v6, v3  }
0x1a9: {  	v6 =	vld [tilespmem:s11+$0xFFFFEB70];
	[tilespmem:s5+$0xFFFFFFD0] =	vst v11;
	v2 =	vmul.f32 $3.333333430e-01, v2;
	v4 =	vadd.f32 v8, v4  }
0x1aa: {  	v7 =	vld [tilespmem:s11+$0xFFFFFFD0];
	[tilespmem:s5+$0xFFFFFFE0] =	vst v1;
	v1 =	vmul.f32 $3.333333430e-01, v3  }
0x1ab: {  	v3 =	vld [tilespmem:s11+$0xFFFFEB80];
	v8 =	vadd.f32 v9, v12;
	[tilespmem:s5+$0xFFFFFFF0] =	vst v0;
	v0 =	vmul.f32 $3.333333430e-01, v4  }
0x1ac: {  	v4 =	vld [tilespmem:s11+$0xFFFFFFE0];
	[tilespmem:s5+$0x0] =	vst v2  }
0x1ad: {  	v2 =	vld [tilespmem:s11+$0xFFFFEB90];
	v5 =	vadd.f32 v5, v8;
	[tilespmem:s5+$0x10] =	vst v1  }
0x1ae: {  	v8 =	vld [tilespmem:s11+$0xFFFFFFF0];
	[tilespmem:s5+$0x20] =	vst v0  }
0x1af: {  	v11 =	vadd.f32 v7, v6;
	v6 =	vld [tilespmem:s11+$0xFFFFEBA0];
	v0 =	vmul.f32 $3.333333430e-01, v5  }
0x1b0: {  	s5 =	sadd.s32 $0x80, s5;
	v5 =	vld [tilespmem:s11+$0x0]  }
0x1b1: {  	s30 =	simm.s32 $0x13F0;
	v1 =	vadd.f32 v4, v3;
	v3 =	vld [tilespmem:s11+$0xFFFFEBB0];
	[tilespmem:s5+$0x30] =	vst v0  }
0x1b2: {  	v4 =	vld [tilespmem:s11+$0x10]  }
0x1b3: {  	v0 =	vadd.f32 v8, v2;
	v7 =	vld [tilespmem:s11+$0xFFFFEBC0]  }
0x1b4: {  	v8 =	vld [tilespmem:s11+$0x20]  }
0x1b5: {  	v10 =	vld [tilespmem:s11+$0xFFFFEB60];
	v2 =	vadd.f32 v5, v6  }
0x1b6: {  	v12 =	vld [tilespmem:s11+$0x1420]  }
0x1b7: {  	v14 =	vld [tilespmem:s11+$0x1430];
	v3 =	vadd.f32 v4, v3  }
.Ltmp8:
0x1b8: {  	v9 =	vld [tilespmem:s11+$0x1440];
	(pc) =	sbr.rel @p0 .LBB2_18-.Ltmp8, $4  }
0x1b9: {  	v5 =	vld [tilespmem:s11+$0x1450];
	v4 =	vadd.f32 v8, v7  }
0x1ba: {  	v8 =	vadd.f32 v13, v10;
	v7 =	vld [tilespmem:s11+$0x1460]  }
0x1bb: {  	v6 =	vld [tilespmem:s11+$0x1470]  }
0x1bc: {  	v10 =	vadd.f32 v12, v8;
	v11 =	vadd.f32 v14, v11;
	v8 =	vld [tilespmem:s11+$0x1480];
	s11 =	sadd.s32 $0x80, s11  }
0x1bd: {  	_ = 	snop  }
0x1be: {  	v1 =	vadd.f32 v9, v1;
	v60 =	vmul.f32 $3.333333430e-01, v10  }
0x1bf: {  	v61 =	vmul.f32 $3.333333430e-01, v11;
	v0 =	vadd.f32 v5, v0  }
0x1c0: {  	v1 =	vmul.f32 $3.333333430e-01, v1;
	v2 =	vadd.f32 v7, v2;
	[tilespmem:s5+$0xFFFFFFC0] =	vst v60  }
0x1c1: {  	v0 =	vmul.f32 $3.333333430e-01, v0;
	v3 =	vadd.f32 v6, v3;
	[tilespmem:s5+$0xFFFFFFD0] =	vst v61  }
0x1c2: {  	v2 =	vmul.f32 $3.333333430e-01, v2;
	v4 =	vadd.f32 v8, v4;
	[tilespmem:s5+$0xFFFFFFE0] =	vst v1  }
0x1c3: {  	v62 =	vmul.f32 $3.333333430e-01, v3;
	[tilespmem:s5+$0xFFFFFFF0] =	vst v0  }
0x1c4: {  	v63 =	vmul.f32 $3.333333430e-01, v4;
	[tilespmem:s5+$0x0] =	vst v2  }
0x1c5: {  	[tilespmem:s5+$0x10] =	vst v62  }
0x1c6: {  	[tilespmem:s5+$0x20] =	vst v63  }
.LBB2_20:
0x1c7: {  	v0 =	vld [tilespmem:s1+$0xFFFFEBA0]  }
0x1c8: {  	v1 =	vld [tilespmem:s1+$0x0];
	_ =	sdelay $0x1  }
0x1c9: {  	v2 =	vld [tilespmem:s1+$0x1460];
	_ =	sdelay $0x2  }
0x1ca: {  	s30 =	sadd.s32 $0x10, s30;
	v0 =	vadd.f32 v1, v0  }
0x1cb: {  	p0 =	slt.u32 s30, $0x1450  }
.Ltmp9:
0x1cc: {  	v0 =	vadd.f32 v2, v0;
	(pc) =	sbr.rel @p0 .LBB2_20-.Ltmp9, $3  }
0x1cd: {  	_ = 	snop  }
0x1ce: {  	v0 =	vmul.f32 $3.333333430e-01, v0;
	_ =	sdelay $0x1  }
0x1cf: {  	s1 =	sadd.s32 $0x10, s1;
	[tilespmem:s0+$0x0] =	vst v0;
	s0 =	sadd.s32 $0x10, s0  }
0x1d0: {  	s0 =	rddreg [dreg:$0x10]  }
0x1d1: {  	[hbm4b:s0+s2] =	stream.linear.scatter [tilespmem:s26], [sflag:$0xC], $0x1460, $0x38;
	[tilespmem:$0x19A00] =	vst v63  }
0x1d2: {  	_ =	swait.ge [sflag:s14], $0x1460  }
0x1d3: {  	[sflag:s14] =	ssyncset.done $0x0  }
0x1d4: {  	[sflag:s14] =	ssyncadd.s32 $0xFFFFEBA0  }
0x1d5: {  	_ =	swait.ge [sflag:s15], $0x1460  }
0x1d6: {  	[sflag:s15] =	ssyncset.done $0x0  }
0x1d7: {  	[sflag:s15] =	ssyncadd.s32 $0xFFFFEBA0  }
0x1d8: {  	_ =	swait.ge [sflag:s16], $0x1460  }
0x1d9: {  	[sflag:s16] =	ssyncset.done $0x0  }
0x1da: {  	s31 =	simm.s32 $0x5220;
	[sflag:s16] =	ssyncadd.s32 $0xFFFFEBA0  }
0x1db: {  	v0 =	vld [tilespmem:s31+$0x30]  }
0x1dc: {  	v2 =	vld [tilespmem:s31+$0x1490]  }
0x1dd: {  	v15 =	vld [tilespmem:s31+$0xFFFFFFC0]  }
0x1de: {  	v1 =	vld [tilespmem:s31+$0xFFFFEB70]  }
0x1df: {  	v3 =	vld [tilespmem:s31+$0xFFFFFFD0]  }
0x1e0: {  	v4 =	vld [tilespmem:s31+$0xFFFFEB80]  }
0x1e1: {  	v5 =	vld [tilespmem:s31+$0xFFFFFFE0]  }
0x1e2: {  	v6 =	vld [tilespmem:s31+$0xFFFFEBD0]  }
0x1e3: {  	v7 =	vld [tilespmem:s31+$0xFFFFEB90]  }
0x1e4: {  	v8 =	vld [tilespmem:s31+$0xFFFFFFF0]  }
0x1e5: {  	v9 =	vld [tilespmem:s31+$0xFFFFEBA0]  }
0x1e6: {  	v19 =	vld [tilespmem:s31+$0xFFFFEB60]  }
0x1e7: {  	v10 =	vld [tilespmem:s31+$0x0]  }
0x1e8: {  	v11 =	vld [tilespmem:s31+$0xFFFFEBB0];
	v12 =	vshll.u32 v0, $0xC  }
0x1e9: {  	s30 =	simm.s32 $0xCD20;
	v20 =	vld [tilespmem:s31+$0x1420];
	v6 =	vshll.u32 v6, $0xC;
	v12 =	vadd.s32 v2, v12  }
0x1ea: {  	v14 =	vld [tilespmem:s31+$0x10];
	v17 =	vshll.u32 v15, $0xC;
	v18 =	vshll.u32 v1, $0xC;
	v0 =	vadd.s32 v0, v6;
	[tilespmem:s30+$0x1490] =	vst v12  }
0x1eb: {  	v13 =	vld [tilespmem:s31+$0xFFFFEBC0];
	v1 =	vshll.u32 v4, $0xC;
	v19 =	vshll.u32 v19, $0xC;
	v4 =	vadd.s32 v6, v2;
	[tilespmem:s30+$0xFFFFEBD0] =	vst v0  }
0x1ec: {  	v22 =	vld [tilespmem:s31+$0x1430];
	v21 =	vshll.u32 v3, $0xC;
	v2 =	vshll.u32 v7, $0xC;
	v15 =	vadd.s32 v15, v19;
	[tilespmem:s30+$0x30] =	vst v4  }
0x1ed: {  	v16 =	vld [tilespmem:s31+$0x20];
	v6 =	vshll.u32 v11, $0xC;
	v7 =	vshll.u32 v10, $0xC;
	v12 =	vadd.s32 v3, v18;
	[tilespmem:s30+$0xFFFFEB60] =	vst v15  }
0x1ee: {  	v19 =	vadd.s32 v19, v20;
	v17 =	vadd.s32 v20, v17;
	v0 =	vadd.s32 v5, v1;
	[tilespmem:s30+$0xFFFFEB70] =	vst v12;
	v12 =	vld [tilespmem:s31+$0x1440]  }
0x1ef: {  	v11 =	vld [tilespmem:s31+$0x1450];
	v3 =	vshll.u32 v5, $0xC;
	v23 =	vadd.s32 v8, v2;
	v4 =	vshll.u32 v9, $0xC;
	[tilespmem:s30+$0xFFFFEB80] =	vst v0  }
0x1f0: {  	v5 =	vshll.u32 v8, $0xC;
	v25 =	vadd.s32 v14, v6;
	v8 =	vshll.u32 v13, $0xC;
	v13 =	vld [tilespmem:s31+$0x1460];
	[tilespmem:s30+$0xFFFFEB90] =	vst v23  }
0x1f1: {  	v9 =	vshll.u32 v14, $0xC;
	v14 =	vld [tilespmem:s31+$0x1470];
	v18 =	vadd.s32 v18, v22;
	v24 =	vadd.s32 v10, v4;
	[tilespmem:s30+$0xFFFFEBB0] =	vst v25  }
0x1f2: {  	s1 =	simm.s32 $0x0;
	s11 =	simm.s32 $0x52A0;
	s0 =	simm.s32 $0xCD20;
	v15 =	vld [tilespmem:s31+$0x1480];
	v0 =	vadd.s32 v16, v8;
	v10 =	vshll.u32 v16, $0xC;
	v16 =	vadd.s32 v22, v21;
	[tilespmem:s30+$0xFFFFEBA0] =	vst v24  }
.LBB2_22:
0x1f3: {  	v20 =	vld [tilespmem:s11+$0x30];
	s1 =	sadd.s32 $0x80, s1;
	[tilespmem:s30+$0xFFFFFFC0] =	vst v19;
	v1 =	vadd.s32 v1, v12;
	v3 =	vadd.s32 v12, v3  }
0x1f4: {  	v12 =	vld [tilespmem:s11+$0x1490];
	p0 =	slt.u32 s1, $0x1380;
	[tilespmem:s30+$0x1420] =	vst v17;
	v2 =	vadd.s32 v2, v11;
	v5 =	vadd.s32 v11, v5  }
0x1f5: {  	v17 =	vld [tilespmem:s11+$0xFFFFFFC0];
	[tilespmem:s30+$0xFFFFFFD0] =	vst v18;
	v4 =	vadd.s32 v4, v13;
	v7 =	vadd.s32 v13, v7  }
0x1f6: {  	v11 =	vld [tilespmem:s11+$0xFFFFEB70];
	[tilespmem:s30+$0x1430] =	vst v16;
	v6 =	vadd.s32 v6, v14;
	v9 =	vadd.s32 v14, v9  }
0x1f7: {  	v13 =	vld [tilespmem:s11+$0xFFFFFFD0];
	[tilespmem:s30+$0xFFFFFFE0] =	vst v1;
	v8 =	vadd.s32 v8, v15;
	v10 =	vadd.s32 v15, v10  }
0x1f8: {  	v1 =	vld [tilespmem:s11+$0xFFFFEB80];
	v14 =	vshll.u32 v20, $0xC;
	[tilespmem:s30+$0x1440] =	vst v3  }
0x1f9: {  	s30 =	sadd.s32 $0x80, s30;
	v3 =	vld [tilespmem:s11+$0xFFFFFFE0];
	v14 =	vadd.s32 v12, v14;
	[tilespmem:s0+$0xFFFFFFF0] =	vst v2  }
0x1fa: {  	s5 =	simm.s32 $0x13F0;
	s10 =	simm.s32 $0xE0E0;
	s31 =	simm.s32 $0x65E0;
	v15 =	vshll.u32 v17, $0xC;
	v2 =	vld [tilespmem:s11+$0xFFFFEBD0];
	[tilespmem:s30+$0x1490] =	vst v14  }
0x1fb: {  	v16 =	vshll.u32 v11, $0xC;
	v11 =	vld [tilespmem:s11+$0xFFFFEB90];
	[tilespmem:s0+$0x1450] =	vst v5  }
0x1fc: {  	v14 =	vadd.s32 v13, v16;
	v21 =	vshll.u32 v13, $0xC;
	v5 =	vld [tilespmem:s11+$0xFFFFFFF0];
	[tilespmem:s0+$0x0] =	vst v4  }
0x1fd: {  	v1 =	vshll.u32 v1, $0xC;
	v4 =	vld [tilespmem:s11+$0xFFFFEBA0];
	[tilespmem:s0+$0x1460] =	vst v7  }
0x1fe: {  	v13 =	vadd.s32 v3, v1;
	v3 =	vshll.u32 v3, $0xC;
	v7 =	vld [tilespmem:s11+$0x0];
	[tilespmem:s0+$0x10] =	vst v6  }
0x1ff: {  	v6 =	vld [tilespmem:s11+$0xFFFFEBB0];
	v18 =	vshll.u32 v2, $0xC;
	[tilespmem:s0+$0x1470] =	vst v9  }
0x200: {  	v2 =	vshll.u32 v11, $0xC;
	v9 =	vld [tilespmem:s11+$0x10];
	v11 =	vadd.s32 v20, v18;
	v12 =	vadd.s32 v18, v12;
	[tilespmem:s0+$0xFFFFEBC0] =	vst v0  }
0x201: {  	v0 =	vadd.s32 v5, v2;
	v5 =	vshll.u32 v5, $0xC;
	v18 =	vld [tilespmem:s11+$0xFFFFEBC0];
	[tilespmem:s0+$0x20] =	vst v8  }
0x202: {  	v4 =	vshll.u32 v4, $0xC;
	v19 =	vld [tilespmem:s11+$0x20];
	[tilespmem:s0+$0x1480] =	vst v10;
	s0 =	smov.u32 s30  }
0x203: {  	v20 =	vld [tilespmem:s11+$0xFFFFEB60];
	v22 =	vadd.s32 v7, v4;
	v7 =	vshll.u32 v7, $0xC;
	[tilespmem:s30+$0xFFFFEBD0] =	vst v11  }
0x204: {  	v23 =	vld [tilespmem:s11+$0x1420];
	v6 =	vshll.u32 v6, $0xC;
	[tilespmem:s30+$0x30] =	vst v12  }
0x205: {  	v24 =	vld [tilespmem:s11+$0x1430];
	[tilespmem:s30+$0xFFFFEB70] =	vst v14;
	v25 =	vadd.s32 v9, v6;
	v9 =	vshll.u32 v9, $0xC  }
.Ltmp10:
0x206: {  	v12 =	vld [tilespmem:s11+$0x1440];
	[tilespmem:s30+$0xFFFFEB80] =	vst v13;
	v8 =	vshll.u32 v18, $0xC;
	(pc) =	sbr.rel @p0 .LBB2_22-.Ltmp10, $4  }
0x207: {  	v11 =	vld [tilespmem:s11+$0x1450];
	[tilespmem:s30+$0xFFFFEB90] =	vst v0;
	v0 =	vadd.s32 v19, v8;
	v10 =	vshll.u32 v19, $0xC  }
0x208: {  	v14 =	vshll.u32 v20, $0xC;
	v13 =	vld [tilespmem:s11+$0x1460];
	[tilespmem:s30+$0xFFFFEBA0] =	vst v22  }
0x209: {  	v18 =	vadd.s32 v17, v14;
	v19 =	vadd.s32 v14, v23;
	v17 =	vadd.s32 v23, v15;
	v14 =	vld [tilespmem:s11+$0x1470];
	[tilespmem:s30+$0xFFFFEBB0] =	vst v25  }
0x20a: {  	[tilespmem:s30+$0xFFFFEB60] =	vst v18;
	v18 =	vadd.s32 v16, v24;
	v16 =	vadd.s32 v24, v21;
	v15 =	vld [tilespmem:s11+$0x1480];
	s11 =	sadd.s32 $0x80, s11  }
0x20b: {  	[tilespmem:s30+$0xFFFFFFC0] =	vst v19  }
0x20c: {  	[tilespmem:s30+$0x1420] =	vst v17  }
0x20d: {  	[tilespmem:s30+$0xFFFFFFD0] =	vst v18  }
0x20e: {  	[tilespmem:s30+$0x1430] =	vst v16  }
0x20f: {  	v1 =	vadd.s32 v1, v12;
	[tilespmem:s0+$0xFFFFEBC0] =	vst v0  }
0x210: {  	v3 =	vadd.s32 v12, v3;
	[tilespmem:s30+$0xFFFFFFE0] =	vst v1  }
0x211: {  	v56 =	vadd.s32 v2, v11;
	[tilespmem:s30+$0x1440] =	vst v3  }
0x212: {  	v57 =	vadd.s32 v11, v5;
	[tilespmem:s0+$0xFFFFFFF0] =	vst v56  }
0x213: {  	v58 =	vadd.s32 v4, v13;
	[tilespmem:s0+$0x1450] =	vst v57  }
0x214: {  	v59 =	vadd.s32 v13, v7;
	[tilespmem:s0+$0x0] =	vst v58  }
0x215: {  	v60 =	vadd.s32 v6, v14;
	[tilespmem:s0+$0x1460] =	vst v59  }
0x216: {  	v61 =	vadd.s32 v14, v9;
	[tilespmem:s0+$0x10] =	vst v60  }
0x217: {  	[tilespmem:s0+$0x1470] =	vst v61;
	v62 =	vadd.s32 v8, v15  }
0x218: {  	v63 =	vadd.s32 v15, v10;
	[tilespmem:s0+$0x20] =	vst v62  }
0x219: {  	[tilespmem:s0+$0x1480] =	vst v63  }
.LBB2_24:
0x21a: {  	v0 =	vld [tilespmem:s31+$0xFFFFEBA0]  }
0x21b: {  	v1 =	vld [tilespmem:s31+$0x0]  }
0x21c: {  	v2 =	vld [tilespmem:s31+$0x1460]  }
0x21d: {  	s5 =	sadd.s32 $0x10, s5  }
0x21e: {  	p0 =	slt.u32 s5, $0x1450  }
.Ltmp11:
0x21f: {  	v0 =	vshll.u32 v0, $0xC;
	(pc) =	sbr.rel @p0 .LBB2_24-.Ltmp11, $4  }
0x220: {  	v3 =	vadd.s32 v1, v0  }
0x221: {  	v0 =	vadd.s32 v0, v2;
	v1 =	vshll.u32 v1, $0xC;
	[tilespmem:s10+$0xFFFFEBA0] =	vst v3  }
0x222: {  	[tilespmem:s10+$0x0] =	vst v0;
	v63 =	vadd.s32 v2, v1  }
0x223: {  	s31 =	sadd.s32 $0x10, s31;
	[tilespmem:s10+$0x1460] =	vst v63;
	s10 =	sadd.s32 $0x10, s10  }
0x224: {  	[tilespmem:s18], [sflag:$0x8] =	stream.indirect.gather [hbm4b:s3+s9], $0x1, s17, s9, $0xb8;
	[tilespmem:$0x19A00] =	vst v63  }
0x225: {  	_ = 	snop  }
0x226: {  	[tilespmem:s20], [sflag:$0xA] =	stream.indirect.gather [hbm4b:s3+s9], $0x1, s19, s9, $0xb8;
	[tilespmem:$0x19A00] =	vst v63  }
0x227: {  	s0 =	rddreg [dreg:$0x11]  }
0x228: {  	[tilespmem:s2], [sflag:$0x1] =	stream.linear.gather [hbm4b:s0+s2], $0x1460, $0x38;
	[tilespmem:$0x19A00] =	vst v63  }
0x229: {  	s11 =	rddreg [dreg:$0x17];
	s1 =	simm.s32 $0x1460  }
0x22a: {  	[tilespmem:s1], [sflag:$0x2] =	stream.linear.gather [hbm4b:s11+s2], $0x1460, $0x38;
	[tilespmem:$0x19A00] =	vst v63  }
0x22b: {  	s30 =	rddreg [dreg:$0x19];
	s31 =	simm.s32 $0x28C0  }
0x22c: {  	[tilespmem:s31], [sflag:$0x3] =	stream.linear.gather [hbm4b:s30+s2], $0x1460, $0x38;
	[tilespmem:$0x19A00] =	vst v63  }
0x22d: {  	_ =	swait.ge [sflag:s21], $0x1E90  }
0x22e: {  	[sflag:s21] =	ssyncset.done $0x0  }
0x22f: {  	[sflag:s21] =	ssyncadd.s32 $0xFFFFE170  }
0x230: {  	_ =	swait.ge [sflag:s22], $0x1E90  }
0x231: {  	[sflag:s22] =	ssyncset.done $0x0  }
0x232: {  	[sflag:s22] =	ssyncadd.s32 $0xFFFFE170  }
0x233: {  	_ =	swait.ge [sflag:s28], $0x1460  }
0x234: {  	[sflag:s28] =	ssyncset.done $0x0  }
0x235: {  	s5 =	simm.s32 $0x10AA0;
	[sflag:s28] =	ssyncadd.s32 $0xFFFFEBA0  }
0x236: {  	v0 =	vld [tilespmem:s5+$0xFFFFEBD0]  }
0x237: {  	v1 =	vld [tilespmem:s5+$0x30]  }
0x238: {  	v3 =	vld [tilespmem:s5+$0xFFFFFFC0]  }
0x239: {  	v2 =	vld [tilespmem:s5+$0x1490]  }
0x23a: {  	v4 =	vld [tilespmem:s5+$0xFFFFEB70]  }
0x23b: {  	v5 =	vld [tilespmem:s5+$0xFFFFFFD0]  }
0x23c: {  	v6 =	vld [tilespmem:s5+$0xFFFFEB80]  }
0x23d: {  	v7 =	vld [tilespmem:s5+$0xFFFFFFE0]  }
0x23e: {  	v8 =	vld [tilespmem:s5+$0xFFFFEB90]  }
0x23f: {  	v10 =	vld [tilespmem:s5+$0xFFFFFFF0]  }
0x240: {  	v11 =	vld [tilespmem:s5+$0xFFFFEBA0]  }
0x241: {  	v12 =	vld [tilespmem:s5+$0x0]  }
0x242: {  	v13 =	vld [tilespmem:s5+$0xFFFFEBB0]  }
0x243: {  	v14 =	vld [tilespmem:s5+$0x10]  }
0x244: {  	v15 =	vld [tilespmem:s5+$0xFFFFEBC0]  }
0x245: {  	v16 =	vld [tilespmem:s5+$0x20]  }
0x246: {  	v17 =	vld [tilespmem:s5+$0xFFFFEB60]  }
0x247: {  	v18 =	vld [tilespmem:s5+$0x1420];
	v0 =	vadd.f32 v1, v0  }
0x248: {  	v19 =	vld [tilespmem:s5+$0x1430]  }
0x249: {  	v9 =	vld [tilespmem:s5+$0x1440];
	v21 =	vadd.f32 v5, v4;
	v20 =	vadd.f32 v2, v0  }
0x24a: {  	v1 =	vadd.f32 v10, v8;
	v0 =	vadd.f32 v7, v6;
	v6 =	vld [tilespmem:s5+$0x1450]  }
0x24b: {  	v10 =	vadd.f32 v3, v17;
	v8 =	vld [tilespmem:s5+$0x1460];
	v4 =	vadd.f32 v14, v13;
	v7 =	vmul.f32 $3.333333430e-01, v20  }
0x24c: {  	s0 =	simm.s32 $0x17140;
	v3 =	vadd.f32 v16, v15;
	v5 =	vld [tilespmem:s5+$0x1470];
	v2 =	vadd.f32 v12, v11  }
0x24d: {  	s1 =	simm.s32 $0x0;
	v10 =	vadd.f32 v18, v10;
	v11 =	vadd.f32 v19, v21;
	[tilespmem:s0+$0x30] =	vst v7;
	v7 =	vld [tilespmem:s5+$0x1480];
	s5 =	simm.s32 $0x10B20  }
.LBB2_26:
0x24e: {  	v12 =	vld [tilespmem:s5+$0xFFFFEBD0];
	v0 =	vadd.f32 v9, v0  }
0x24f: {  	s1 =	sadd.s32 $0x80, s1;
	v9 =	vld [tilespmem:s5+$0x30];
	v10 =	vmul.f32 $3.333333430e-01, v10;
	v11 =	vmul.f32 $3.333333430e-01, v11;
	v1 =	vadd.f32 v6, v1  }
0x250: {  	p0 =	slt.u32 s1, $0x1380;
	v13 =	vld [tilespmem:s5+$0xFFFFFFC0];
	v0 =	vmul.f32 $3.333333430e-01, v0;
	v2 =	vadd.f32 v8, v2  }
0x251: {  	v6 =	vld [tilespmem:s5+$0x1490];
	[tilespmem:s0+$0xFFFFFFC0] =	vst v10;
	v1 =	vmul.f32 $3.333333430e-01, v1;
	v4 =	vadd.f32 v5, v4  }
0x252: {  	v5 =	vld [tilespmem:s5+$0xFFFFEB70];
	[tilespmem:s0+$0xFFFFFFD0] =	vst v11;
	v2 =	vmul.f32 $3.333333430e-01, v2;
	v3 =	vadd.f32 v7, v3  }
0x253: {  	v7 =	vld [tilespmem:s5+$0xFFFFFFD0];
	[tilespmem:s0+$0xFFFFFFE0] =	vst v0;
	v0 =	vmul.f32 $3.333333430e-01, v4  }
0x254: {  	v4 =	vld [tilespmem:s5+$0xFFFFEB80];
	v8 =	vadd.f32 v9, v12;
	[tilespmem:s0+$0xFFFFFFF0] =	vst v1;
	v1 =	vmul.f32 $3.333333430e-01, v3  }
0x255: {  	v3 =	vld [tilespmem:s5+$0xFFFFFFE0];
	[tilespmem:s0+$0x0] =	vst v2  }
0x256: {  	v2 =	vld [tilespmem:s5+$0xFFFFEB90];
	v6 =	vadd.f32 v6, v8;
	[tilespmem:s0+$0x10] =	vst v0  }
0x257: {  	v8 =	vld [tilespmem:s5+$0xFFFFFFF0];
	[tilespmem:s0+$0x20] =	vst v1  }
0x258: {  	v7 =	vadd.f32 v7, v5;
	v5 =	vld [tilespmem:s5+$0xFFFFEBA0];
	v1 =	vmul.f32 $3.333333430e-01, v6  }
0x259: {  	s0 =	sadd.s32 $0x80, s0;
	v6 =	vld [tilespmem:s5+$0x0]  }
0x25a: {  	s10 =	simm.s32 $0x13F0;
	s11 =	simm.s32 $0x18500;
	s30 =	simm.s32 $0x11E60;
	v0 =	vadd.f32 v3, v4;
	v3 =	vld [tilespmem:s5+$0xFFFFEBB0];
	[tilespmem:s0+$0x30] =	vst v1  }
0x25b: {  	v4 =	vld [tilespmem:s5+$0x10]  }
0x25c: {  	v1 =	vadd.f32 v8, v2;
	v8 =	vld [tilespmem:s5+$0xFFFFEBC0]  }
0x25d: {  	v10 =	vld [tilespmem:s5+$0x20]  }
0x25e: {  	v11 =	vld [tilespmem:s5+$0xFFFFEB60];
	v2 =	vadd.f32 v6, v5  }
0x25f: {  	v12 =	vld [tilespmem:s5+$0x1420]  }
0x260: {  	v14 =	vld [tilespmem:s5+$0x1430];
	v4 =	vadd.f32 v4, v3  }
.Ltmp12:
0x261: {  	v9 =	vld [tilespmem:s5+$0x1440];
	(pc) =	sbr.rel @p0 .LBB2_26-.Ltmp12, $4  }
0x262: {  	v6 =	vld [tilespmem:s5+$0x1450];
	v3 =	vadd.f32 v10, v8  }
0x263: {  	v10 =	vadd.f32 v13, v11;
	v8 =	vld [tilespmem:s5+$0x1460]  }
0x264: {  	v5 =	vld [tilespmem:s5+$0x1470]  }
0x265: {  	v10 =	vadd.f32 v12, v10;
	v11 =	vadd.f32 v14, v7;
	v7 =	vld [tilespmem:s5+$0x1480];
	s5 =	sadd.s32 $0x80, s5  }
0x266: {  	_ = 	snop  }
0x267: {  	v0 =	vadd.f32 v9, v0;
	v60 =	vmul.f32 $3.333333430e-01, v10  }
0x268: {  	v61 =	vmul.f32 $3.333333430e-01, v11;
	v1 =	vadd.f32 v6, v1  }
0x269: {  	v0 =	vmul.f32 $3.333333430e-01, v0;
	v2 =	vadd.f32 v8, v2;
	[tilespmem:s0+$0xFFFFFFC0] =	vst v60  }
0x26a: {  	v1 =	vmul.f32 $3.333333430e-01, v1;
	v4 =	vadd.f32 v5, v4;
	[tilespmem:s0+$0xFFFFFFD0] =	vst v61  }
0x26b: {  	v2 =	vmul.f32 $3.333333430e-01, v2;
	v3 =	vadd.f32 v7, v3;
	[tilespmem:s0+$0xFFFFFFE0] =	vst v0  }
0x26c: {  	v62 =	vmul.f32 $3.333333430e-01, v4;
	[tilespmem:s0+$0xFFFFFFF0] =	vst v1  }
0x26d: {  	v63 =	vmul.f32 $3.333333430e-01, v3;
	[tilespmem:s0+$0x0] =	vst v2  }
0x26e: {  	[tilespmem:s0+$0x10] =	vst v62  }
0x26f: {  	[tilespmem:s0+$0x20] =	vst v63  }
.LBB2_28:
0x270: {  	v0 =	vld [tilespmem:s30+$0xFFFFEBA0]  }
0x271: {  	v1 =	vld [tilespmem:s30+$0x0];
	_ =	sdelay $0x1  }
0x272: {  	v2 =	vld [tilespmem:s30+$0x1460];
	_ =	sdelay $0x2  }
0x273: {  	s10 =	sadd.s32 $0x10, s10;
	v0 =	vadd.f32 v1, v0  }
0x274: {  	p0 =	slt.u32 s10, $0x1450  }
.Ltmp13:
0x275: {  	v0 =	vadd.f32 v2, v0;
	(pc) =	sbr.rel @p0 .LBB2_28-.Ltmp13, $3  }
0x276: {  	_ = 	snop  }
0x277: {  	v0 =	vmul.f32 $3.333333430e-01, v0;
	_ =	sdelay $0x1  }
0x278: {  	s30 =	sadd.s32 $0x10, s30;
	[tilespmem:s11+$0x0] =	vst v0;
	s11 =	sadd.s32 $0x10, s11  }
0x279: {  	s0 =	rddreg [dreg:$0x12]  }
0x27a: {  	[hbm4b:s0+s2] =	stream.linear.scatter [tilespmem:s23], [sflag:$0xB], $0x1460, $0x38;
	[tilespmem:$0x19A00] =	vst v63  }
0x27b: {  	_ =	swait.ge [sflag:s6], $0x1460  }
0x27c: {  	[sflag:s6] =	ssyncset.done $0x0  }
0x27d: {  	[sflag:s6] =	ssyncadd.s32 $0xFFFFEBA0  }
0x27e: {  	_ =	swait.ge [sflag:s7], $0x1460  }
0x27f: {  	[sflag:s7] =	ssyncset.done $0x0  }
0x280: {  	[sflag:s7] =	ssyncadd.s32 $0xFFFFEBA0  }
0x281: {  	_ =	swait.ge [sflag:s8], $0x1460  }
0x282: {  	[sflag:s8] =	ssyncset.done $0x0  }
0x283: {  	s31 =	simm.s32 $0x14A0;
	[sflag:s8] =	ssyncadd.s32 $0xFFFFEBA0  }
0x284: {  	v0 =	vld [tilespmem:s31+$0x30]  }
0x285: {  	v2 =	vld [tilespmem:s31+$0x1490]  }
0x286: {  	v15 =	vld [tilespmem:s31+$0xFFFFFFC0]  }
0x287: {  	v1 =	vld [tilespmem:s31+$0xFFFFEB70]  }
0x288: {  	v3 =	vld [tilespmem:s31+$0xFFFFFFD0]  }
0x289: {  	v4 =	vld [tilespmem:s31+$0xFFFFEB80]  }
0x28a: {  	v5 =	vld [tilespmem:s31+$0xFFFFFFE0]  }
0x28b: {  	v6 =	vld [tilespmem:s31+$0xFFFFEBD0]  }
0x28c: {  	v7 =	vld [tilespmem:s31+$0xFFFFEB90]  }
0x28d: {  	v8 =	vld [tilespmem:s31+$0xFFFFFFF0]  }
0x28e: {  	v9 =	vld [tilespmem:s31+$0xFFFFEBA0]  }
0x28f: {  	v19 =	vld [tilespmem:s31+$0xFFFFEB60]  }
0x290: {  	v10 =	vld [tilespmem:s31+$0x0]  }
0x291: {  	v11 =	vld [tilespmem:s31+$0xFFFFEBB0];
	v12 =	vshll.u32 v0, $0xC  }
0x292: {  	s30 =	simm.s32 $0x8FA0;
	v20 =	vld [tilespmem:s31+$0x1420];
	v6 =	vshll.u32 v6, $0xC;
	v12 =	vadd.s32 v2, v12  }
0x293: {  	v14 =	vld [tilespmem:s31+$0x10];
	v17 =	vshll.u32 v15, $0xC;
	v18 =	vshll.u32 v1, $0xC;
	v0 =	vadd.s32 v0, v6;
	[tilespmem:s30+$0x1490] =	vst v12  }
0x294: {  	v13 =	vld [tilespmem:s31+$0xFFFFEBC0];
	v1 =	vshll.u32 v4, $0xC;
	v19 =	vshll.u32 v19, $0xC;
	v4 =	vadd.s32 v6, v2;
	[tilespmem:s30+$0xFFFFEBD0] =	vst v0  }
0x295: {  	v22 =	vld [tilespmem:s31+$0x1430];
	v21 =	vshll.u32 v3, $0xC;
	v2 =	vshll.u32 v7, $0xC;
	v15 =	vadd.s32 v15, v19;
	[tilespmem:s30+$0x30] =	vst v4  }
0x296: {  	v16 =	vld [tilespmem:s31+$0x20];
	v6 =	vshll.u32 v11, $0xC;
	v7 =	vshll.u32 v10, $0xC;
	v12 =	vadd.s32 v3, v18;
	[tilespmem:s30+$0xFFFFEB60] =	vst v15  }
0x297: {  	v19 =	vadd.s32 v19, v20;
	v17 =	vadd.s32 v20, v17;
	v0 =	vadd.s32 v5, v1;
	[tilespmem:s30+$0xFFFFEB70] =	vst v12;
	v12 =	vld [tilespmem:s31+$0x1440]  }
0x298: {  	v11 =	vld [tilespmem:s31+$0x1450];
	v3 =	vshll.u32 v5, $0xC;
	v23 =	vadd.s32 v8, v2;
	v4 =	vshll.u32 v9, $0xC;
	[tilespmem:s30+$0xFFFFEB80] =	vst v0  }
0x299: {  	v5 =	vshll.u32 v8, $0xC;
	v25 =	vadd.s32 v14, v6;
	v8 =	vshll.u32 v13, $0xC;
	v13 =	vld [tilespmem:s31+$0x1460];
	[tilespmem:s30+$0xFFFFEB90] =	vst v23  }
0x29a: {  	v9 =	vshll.u32 v14, $0xC;
	v14 =	vld [tilespmem:s31+$0x1470];
	v18 =	vadd.s32 v18, v22;
	v24 =	vadd.s32 v10, v4;
	[tilespmem:s30+$0xFFFFEBB0] =	vst v25  }
0x29b: {  	s1 =	simm.s32 $0x0;
	s11 =	simm.s32 $0x1520;
	s0 =	simm.s32 $0x8FA0;
	v15 =	vld [tilespmem:s31+$0x1480];
	v0 =	vadd.s32 v16, v8;
	v10 =	vshll.u32 v16, $0xC;
	v16 =	vadd.s32 v22, v21;
	[tilespmem:s30+$0xFFFFEBA0] =	vst v24  }
.LBB2_30:
0x29c: {  	v20 =	vld [tilespmem:s11+$0x30];
	s1 =	sadd.s32 $0x80, s1;
	[tilespmem:s30+$0xFFFFFFC0] =	vst v19;
	v1 =	vadd.s32 v1, v12;
	v3 =	vadd.s32 v12, v3  }
0x29d: {  	v12 =	vld [tilespmem:s11+$0x1490];
	p0 =	slt.u32 s1, $0x1380;
	[tilespmem:s30+$0x1420] =	vst v17;
	v2 =	vadd.s32 v2, v11;
	v5 =	vadd.s32 v11, v5  }
0x29e: {  	v17 =	vld [tilespmem:s11+$0xFFFFFFC0];
	[tilespmem:s30+$0xFFFFFFD0] =	vst v18;
	v4 =	vadd.s32 v4, v13;
	v7 =	vadd.s32 v13, v7  }
0x29f: {  	v11 =	vld [tilespmem:s11+$0xFFFFEB70];
	[tilespmem:s30+$0x1430] =	vst v16;
	v6 =	vadd.s32 v6, v14;
	v9 =	vadd.s32 v14, v9  }
0x2a0: {  	v13 =	vld [tilespmem:s11+$0xFFFFFFD0];
	[tilespmem:s30+$0xFFFFFFE0] =	vst v1;
	v8 =	vadd.s32 v8, v15;
	v10 =	vadd.s32 v15, v10  }
0x2a1: {  	v1 =	vld [tilespmem:s11+$0xFFFFEB80];
	v14 =	vshll.u32 v20, $0xC;
	[tilespmem:s30+$0x1440] =	vst v3  }
0x2a2: {  	s30 =	sadd.s32 $0x80, s30;
	v3 =	vld [tilespmem:s11+$0xFFFFFFE0];
	v14 =	vadd.s32 v12, v14;
	[tilespmem:s0+$0xFFFFFFF0] =	vst v2  }
0x2a3: {  	s5 =	simm.s32 $0x13F0;
	s10 =	simm.s32 $0xA360;
	s31 =	simm.s32 $0x2860;
	v15 =	vshll.u32 v17, $0xC;
	v2 =	vld [tilespmem:s11+$0xFFFFEBD0];
	[tilespmem:s30+$0x1490] =	vst v14  }
0x2a4: {  	v16 =	vshll.u32 v11, $0xC;
	v11 =	vld [tilespmem:s11+$0xFFFFEB90];
	[tilespmem:s0+$0x1450] =	vst v5  }
0x2a5: {  	v14 =	vadd.s32 v13, v16;
	v21 =	vshll.u32 v13, $0xC;
	v5 =	vld [tilespmem:s11+$0xFFFFFFF0];
	[tilespmem:s0+$0x0] =	vst v4  }
0x2a6: {  	v1 =	vshll.u32 v1, $0xC;
	v4 =	vld [tilespmem:s11+$0xFFFFEBA0];
	[tilespmem:s0+$0x1460] =	vst v7  }
0x2a7: {  	v13 =	vadd.s32 v3, v1;
	v3 =	vshll.u32 v3, $0xC;
	v7 =	vld [tilespmem:s11+$0x0];
	[tilespmem:s0+$0x10] =	vst v6  }
0x2a8: {  	v6 =	vld [tilespmem:s11+$0xFFFFEBB0];
	v18 =	vshll.u32 v2, $0xC;
	[tilespmem:s0+$0x1470] =	vst v9  }
0x2a9: {  	v2 =	vshll.u32 v11, $0xC;
	v9 =	vld [tilespmem:s11+$0x10];
	v11 =	vadd.s32 v20, v18;
	v12 =	vadd.s32 v18, v12;
	[tilespmem:s0+$0xFFFFEBC0] =	vst v0  }
0x2aa: {  	v0 =	vadd.s32 v5, v2;
	v5 =	vshll.u32 v5, $0xC;
	v18 =	vld [tilespmem:s11+$0xFFFFEBC0];
	[tilespmem:s0+$0x20] =	vst v8  }
0x2ab: {  	v4 =	vshll.u32 v4, $0xC;
	v19 =	vld [tilespmem:s11+$0x20];
	[tilespmem:s0+$0x1480] =	vst v10;
	s0 =	smov.u32 s30  }
0x2ac: {  	v20 =	vld [tilespmem:s11+$0xFFFFEB60];
	v22 =	vadd.s32 v7, v4;
	v7 =	vshll.u32 v7, $0xC;
	[tilespmem:s30+$0xFFFFEBD0] =	vst v11  }
0x2ad: {  	v23 =	vld [tilespmem:s11+$0x1420];
	v6 =	vshll.u32 v6, $0xC;
	[tilespmem:s30+$0x30] =	vst v12  }
0x2ae: {  	v24 =	vld [tilespmem:s11+$0x1430];
	[tilespmem:s30+$0xFFFFEB70] =	vst v14;
	v25 =	vadd.s32 v9, v6;
	v9 =	vshll.u32 v9, $0xC  }
.Ltmp14:
0x2af: {  	v12 =	vld [tilespmem:s11+$0x1440];
	[tilespmem:s30+$0xFFFFEB80] =	vst v13;
	v8 =	vshll.u32 v18, $0xC;
	(pc) =	sbr.rel @p0 .LBB2_30-.Ltmp14, $4  }
0x2b0: {  	v11 =	vld [tilespmem:s11+$0x1450];
	[tilespmem:s30+$0xFFFFEB90] =	vst v0;
	v0 =	vadd.s32 v19, v8;
	v10 =	vshll.u32 v19, $0xC  }
0x2b1: {  	v14 =	vshll.u32 v20, $0xC;
	v13 =	vld [tilespmem:s11+$0x1460];
	[tilespmem:s30+$0xFFFFEBA0] =	vst v22  }
0x2b2: {  	v18 =	vadd.s32 v17, v14;
	v19 =	vadd.s32 v14, v23;
	v17 =	vadd.s32 v23, v15;
	v14 =	vld [tilespmem:s11+$0x1470];
	[tilespmem:s30+$0xFFFFEBB0] =	vst v25  }
0x2b3: {  	[tilespmem:s30+$0xFFFFEB60] =	vst v18;
	v18 =	vadd.s32 v16, v24;
	v16 =	vadd.s32 v24, v21;
	v15 =	vld [tilespmem:s11+$0x1480];
	s11 =	sadd.s32 $0x80, s11  }
0x2b4: {  	[tilespmem:s30+$0xFFFFFFC0] =	vst v19  }
0x2b5: {  	[tilespmem:s30+$0x1420] =	vst v17  }
0x2b6: {  	[tilespmem:s30+$0xFFFFFFD0] =	vst v18  }
0x2b7: {  	[tilespmem:s30+$0x1430] =	vst v16  }
0x2b8: {  	v1 =	vadd.s32 v1, v12;
	[tilespmem:s0+$0xFFFFEBC0] =	vst v0  }
0x2b9: {  	v3 =	vadd.s32 v12, v3;
	[tilespmem:s30+$0xFFFFFFE0] =	vst v1  }
0x2ba: {  	v56 =	vadd.s32 v2, v11;
	[tilespmem:s30+$0x1440] =	vst v3  }
0x2bb: {  	v57 =	vadd.s32 v11, v5;
	[tilespmem:s0+$0xFFFFFFF0] =	vst v56  }
0x2bc: {  	v58 =	vadd.s32 v4, v13;
	[tilespmem:s0+$0x1450] =	vst v57  }
0x2bd: {  	v59 =	vadd.s32 v13, v7;
	[tilespmem:s0+$0x0] =	vst v58  }
0x2be: {  	v60 =	vadd.s32 v6, v14;
	[tilespmem:s0+$0x1460] =	vst v59  }
0x2bf: {  	v61 =	vadd.s32 v14, v9;
	[tilespmem:s0+$0x10] =	vst v60  }
0x2c0: {  	[tilespmem:s0+$0x1470] =	vst v61;
	v62 =	vadd.s32 v8, v15  }
0x2c1: {  	v63 =	vadd.s32 v15, v10;
	[tilespmem:s0+$0x20] =	vst v62  }
0x2c2: {  	[tilespmem:s0+$0x1480] =	vst v63  }
.LBB2_32:
0x2c3: {  	v0 =	vld [tilespmem:s31+$0xFFFFEBA0]  }
0x2c4: {  	v1 =	vld [tilespmem:s31+$0x0]  }
0x2c5: {  	v2 =	vld [tilespmem:s31+$0x1460]  }
0x2c6: {  	s5 =	sadd.s32 $0x10, s5  }
0x2c7: {  	p0 =	slt.u32 s5, $0x1450  }
.Ltmp15:
0x2c8: {  	v0 =	vshll.u32 v0, $0xC;
	(pc) =	sbr.rel @p0 .LBB2_32-.Ltmp15, $4  }
0x2c9: {  	v3 =	vadd.s32 v1, v0  }
0x2ca: {  	v0 =	vadd.s32 v0, v2;
	v1 =	vshll.u32 v1, $0xC;
	[tilespmem:s10+$0xFFFFEBA0] =	vst v3  }
0x2cb: {  	[tilespmem:s10+$0x0] =	vst v0;
	v63 =	vadd.s32 v2, v1  }
0x2cc: {  	s31 =	sadd.s32 $0x10, s31;
	[tilespmem:s10+$0x1460] =	vst v63;
	s10 =	sadd.s32 $0x10, s10  }
0x2cd: {  	s0 =	simm.s32 $0x7B00;
	s1 =	simm.s32 $0xF600  }
0x2ce: {  	[tilespmem:s1], [sflag:$0x7] =	stream.indirect.gather [hbm4b:s3+s9], $0x1, s0, s9, $0xb8;
	[tilespmem:$0x19A00] =	vst v63  }
0x2cf: {  	_ = 	snop  }
0x2d0: {  	[tilespmem:s13], [sflag:$0x9] =	stream.indirect.gather [hbm4b:s3+s9], $0x1, s12, s9, $0xb8;
	[tilespmem:$0x19A00] =	vst v63  }
0x2d1: {  	s5 =	simm.s32 $0x3D80;
	s1 =	rddreg [dreg:$0x13]  }
0x2d2: {  	[tilespmem:s5], [sflag:$0x4] =	stream.linear.gather [hbm4b:s1+s2], $0x1460, $0x38;
	[tilespmem:$0x19A00] =	vst v63  }
0x2d3: {  	s10 =	rddreg [dreg:$0x1a];
	s11 =	simm.s32 $0x51E0  }
0x2d4: {  	[tilespmem:s11], [sflag:$0x5] =	stream.linear.gather [hbm4b:s10+s2], $0x1460, $0x38;
	[tilespmem:$0x19A00] =	vst v63  }
0x2d5: {  	s30 =	rddreg [dreg:$0x1b];
	s31 =	simm.s32 $0x6640  }
0x2d6: {  	[tilespmem:s31], [sflag:$0x6] =	stream.linear.gather [hbm4b:s30+s2], $0x1460, $0x38;
	[tilespmem:$0x19A00] =	vst v63  }
0x2d7: {  	_ =	swait.ge [sflag:s24], $0x1E90  }
0x2d8: {  	[sflag:s24] =	ssyncset.done $0x0  }
0x2d9: {  	[sflag:s24] =	ssyncadd.s32 $0xFFFFE170  }
0x2da: {  	_ =	swait.ge [sflag:s25], $0x1E90  }
0x2db: {  	[sflag:s25] =	ssyncset.done $0x0  }
0x2dc: {  	[sflag:s25] =	ssyncadd.s32 $0xFFFFE170  }
0x2dd: {  	_ =	swait.ge [sflag:s29], $0x1460  }
0x2de: {  	[sflag:s29] =	ssyncset.done $0x0  }
0x2df: {  	s5 =	simm.s32 $0x14820;
	[sflag:s29] =	ssyncadd.s32 $0xFFFFEBA0  }
0x2e0: {  	v0 =	vld [tilespmem:s5+$0xFFFFEBD0]  }
0x2e1: {  	v1 =	vld [tilespmem:s5+$0x30]  }
0x2e2: {  	v3 =	vld [tilespmem:s5+$0xFFFFFFC0]  }
0x2e3: {  	v2 =	vld [tilespmem:s5+$0x1490]  }
0x2e4: {  	v4 =	vld [tilespmem:s5+$0xFFFFEB70]  }
0x2e5: {  	v5 =	vld [tilespmem:s5+$0xFFFFFFD0]  }
0x2e6: {  	v6 =	vld [tilespmem:s5+$0xFFFFEB80]  }
0x2e7: {  	v7 =	vld [tilespmem:s5+$0xFFFFFFE0]  }
0x2e8: {  	v8 =	vld [tilespmem:s5+$0xFFFFEB90]  }
0x2e9: {  	v10 =	vld [tilespmem:s5+$0xFFFFFFF0]  }
0x2ea: {  	v11 =	vld [tilespmem:s5+$0xFFFFEBA0]  }
0x2eb: {  	v12 =	vld [tilespmem:s5+$0x0]  }
0x2ec: {  	v13 =	vld [tilespmem:s5+$0xFFFFEBB0]  }
0x2ed: {  	v14 =	vld [tilespmem:s5+$0x10]  }
0x2ee: {  	v15 =	vld [tilespmem:s5+$0xFFFFEBC0]  }
0x2ef: {  	v16 =	vld [tilespmem:s5+$0x20]  }
0x2f0: {  	v17 =	vld [tilespmem:s5+$0xFFFFEB60]  }
0x2f1: {  	v18 =	vld [tilespmem:s5+$0x1420];
	v0 =	vadd.f32 v1, v0  }
0x2f2: {  	v19 =	vld [tilespmem:s5+$0x1430]  }
0x2f3: {  	v9 =	vld [tilespmem:s5+$0x1440];
	v21 =	vadd.f32 v5, v4;
	v20 =	vadd.f32 v2, v0  }
0x2f4: {  	v1 =	vadd.f32 v10, v8;
	v0 =	vadd.f32 v7, v6;
	v6 =	vld [tilespmem:s5+$0x1450]  }
0x2f5: {  	v10 =	vadd.f32 v3, v17;
	v8 =	vld [tilespmem:s5+$0x1460];
	v4 =	vadd.f32 v14, v13;
	v7 =	vmul.f32 $3.333333430e-01, v20  }
0x2f6: {  	s0 =	simm.s32 $0x185C0;
	v3 =	vadd.f32 v16, v15;
	v5 =	vld [tilespmem:s5+$0x1470];
	v2 =	vadd.f32 v12, v11  }
0x2f7: {  	s1 =	simm.s32 $0x0;
	v10 =	vadd.f32 v18, v10;
	v11 =	vadd.f32 v19, v21;
	[tilespmem:s0+$0x30] =	vst v7;
	v7 =	vld [tilespmem:s5+$0x1480];
	s5 =	simm.s32 $0x148A0  }
.LBB2_34:
0x2f8: {  	v12 =	vld [tilespmem:s5+$0xFFFFEBD0];
	v0 =	vadd.f32 v9, v0  }
0x2f9: {  	s1 =	sadd.s32 $0x80, s1;
	v9 =	vld [tilespmem:s5+$0x30];
	v10 =	vmul.f32 $3.333333430e-01, v10;
	v11 =	vmul.f32 $3.333333430e-01, v11;
	v1 =	vadd.f32 v6, v1  }
0x2fa: {  	p0 =	slt.u32 s1, $0x1380;
	v13 =	vld [tilespmem:s5+$0xFFFFFFC0];
	v0 =	vmul.f32 $3.333333430e-01, v0;
	v2 =	vadd.f32 v8, v2  }
0x2fb: {  	v6 =	vld [tilespmem:s5+$0x1490];
	[tilespmem:s0+$0xFFFFFFC0] =	vst v10;
	v1 =	vmul.f32 $3.333333430e-01, v1;
	v4 =	vadd.f32 v5, v4  }
0x2fc: {  	v5 =	vld [tilespmem:s5+$0xFFFFEB70];
	[tilespmem:s0+$0xFFFFFFD0] =	vst v11;
	v2 =	vmul.f32 $3.333333430e-01, v2;
	v3 =	vadd.f32 v7, v3  }
0x2fd: {  	v7 =	vld [tilespmem:s5+$0xFFFFFFD0];
	[tilespmem:s0+$0xFFFFFFE0] =	vst v0;
	v0 =	vmul.f32 $3.333333430e-01, v4  }
0x2fe: {  	v4 =	vld [tilespmem:s5+$0xFFFFEB80];
	v8 =	vadd.f32 v9, v12;
	[tilespmem:s0+$0xFFFFFFF0] =	vst v1;
	v1 =	vmul.f32 $3.333333430e-01, v3  }
0x2ff: {  	v3 =	vld [tilespmem:s5+$0xFFFFFFE0];
	[tilespmem:s0+$0x0] =	vst v2  }
0x300: {  	v2 =	vld [tilespmem:s5+$0xFFFFEB90];
	v6 =	vadd.f32 v6, v8;
	[tilespmem:s0+$0x10] =	vst v0  }
0x301: {  	v8 =	vld [tilespmem:s5+$0xFFFFFFF0];
	[tilespmem:s0+$0x20] =	vst v1  }
0x302: {  	v7 =	vadd.f32 v7, v5;
	v5 =	vld [tilespmem:s5+$0xFFFFEBA0];
	v1 =	vmul.f32 $3.333333430e-01, v6  }
0x303: {  	s0 =	sadd.s32 $0x80, s0;
	v6 =	vld [tilespmem:s5+$0x0]  }
0x304: {  	s10 =	simm.s32 $0x13F0;
	s11 =	simm.s32 $0x19980;
	s30 =	simm.s32 $0x15BE0;
	v0 =	vadd.f32 v3, v4;
	v3 =	vld [tilespmem:s5+$0xFFFFEBB0];
	[tilespmem:s0+$0x30] =	vst v1  }
0x305: {  	v4 =	vld [tilespmem:s5+$0x10]  }
0x306: {  	v1 =	vadd.f32 v8, v2;
	v8 =	vld [tilespmem:s5+$0xFFFFEBC0]  }
0x307: {  	v10 =	vld [tilespmem:s5+$0x20]  }
0x308: {  	v11 =	vld [tilespmem:s5+$0xFFFFEB60];
	v2 =	vadd.f32 v6, v5  }
0x309: {  	v12 =	vld [tilespmem:s5+$0x1420]  }
0x30a: {  	v14 =	vld [tilespmem:s5+$0x1430];
	v4 =	vadd.f32 v4, v3  }
.Ltmp16:
0x30b: {  	v9 =	vld [tilespmem:s5+$0x1440];
	(pc) =	sbr.rel @p0 .LBB2_34-.Ltmp16, $4  }
0x30c: {  	v6 =	vld [tilespmem:s5+$0x1450];
	v3 =	vadd.f32 v10, v8  }
0x30d: {  	v10 =	vadd.f32 v13, v11;
	v8 =	vld [tilespmem:s5+$0x1460]  }
0x30e: {  	v5 =	vld [tilespmem:s5+$0x1470]  }
0x30f: {  	v10 =	vadd.f32 v12, v10;
	v11 =	vadd.f32 v14, v7;
	v7 =	vld [tilespmem:s5+$0x1480];
	s5 =	sadd.s32 $0x80, s5  }
0x310: {  	_ = 	snop  }
0x311: {  	v0 =	vadd.f32 v9, v0;
	v60 =	vmul.f32 $3.333333430e-01, v10  }
0x312: {  	v61 =	vmul.f32 $3.333333430e-01, v11;
	v1 =	vadd.f32 v6, v1  }
0x313: {  	v0 =	vmul.f32 $3.333333430e-01, v0;
	v2 =	vadd.f32 v8, v2;
	[tilespmem:s0+$0xFFFFFFC0] =	vst v60  }
0x314: {  	v1 =	vmul.f32 $3.333333430e-01, v1;
	v4 =	vadd.f32 v5, v4;
	[tilespmem:s0+$0xFFFFFFD0] =	vst v61  }
0x315: {  	v2 =	vmul.f32 $3.333333430e-01, v2;
	v3 =	vadd.f32 v7, v3;
	[tilespmem:s0+$0xFFFFFFE0] =	vst v0  }
0x316: {  	v62 =	vmul.f32 $3.333333430e-01, v4;
	[tilespmem:s0+$0xFFFFFFF0] =	vst v1  }
0x317: {  	v63 =	vmul.f32 $3.333333430e-01, v3;
	[tilespmem:s0+$0x0] =	vst v2  }
0x318: {  	[tilespmem:s0+$0x10] =	vst v62  }
0x319: {  	[tilespmem:s0+$0x20] =	vst v63  }
.LBB2_36:
0x31a: {  	v0 =	vld [tilespmem:s30+$0xFFFFEBA0]  }
0x31b: {  	v1 =	vld [tilespmem:s30+$0x0];
	_ =	sdelay $0x1  }
0x31c: {  	v2 =	vld [tilespmem:s30+$0x1460];
	_ =	sdelay $0x2  }
0x31d: {  	s10 =	sadd.s32 $0x10, s10;
	v0 =	vadd.f32 v1, v0  }
0x31e: {  	p0 =	slt.u32 s10, $0x1450  }
.Ltmp17:
0x31f: {  	v0 =	vadd.f32 v2, v0;
	(pc) =	sbr.rel @p0 .LBB2_36-.Ltmp17, $3  }
0x320: {  	_ = 	snop  }
0x321: {  	v0 =	vmul.f32 $3.333333430e-01, v0;
	_ =	sdelay $0x1  }
0x322: {  	s30 =	sadd.s32 $0x10, s30;
	[tilespmem:s11+$0x0] =	vst v0;
	s11 =	sadd.s32 $0x10, s11  }
0x323: {  	s0 =	rddreg [dreg:$0x14]  }
0x324: {  	[hbm4b:s0+s2] =	stream.linear.scatter [tilespmem:s26], [sflag:$0xC], $0x1460, $0x38;
	[tilespmem:$0x19A00] =	vst v63  }
0x325: {  	_ =	swait.ge [sflag:s14], $0x1460  }
0x326: {  	[sflag:s14] =	ssyncset.done $0x0  }
0x327: {  	[sflag:s14] =	ssyncadd.s32 $0xFFFFEBA0  }
0x328: {  	_ =	swait.ge [sflag:s15], $0x1460  }
0x329: {  	[sflag:s15] =	ssyncset.done $0x0  }
0x32a: {  	[sflag:s15] =	ssyncadd.s32 $0xFFFFEBA0  }
0x32b: {  	_ =	swait.ge [sflag:s16], $0x1460  }
0x32c: {  	[sflag:s16] =	ssyncset.done $0x0  }
0x32d: {  	s31 =	simm.s32 $0x5220;
	[sflag:s16] =	ssyncadd.s32 $0xFFFFEBA0  }
0x32e: {  	v0 =	vld [tilespmem:s31+$0x30]  }
0x32f: {  	v2 =	vld [tilespmem:s31+$0x1490]  }
0x330: {  	v15 =	vld [tilespmem:s31+$0xFFFFFFC0]  }
0x331: {  	v1 =	vld [tilespmem:s31+$0xFFFFEB70]  }
0x332: {  	v3 =	vld [tilespmem:s31+$0xFFFFFFD0]  }
0x333: {  	v4 =	vld [tilespmem:s31+$0xFFFFEB80]  }
0x334: {  	v5 =	vld [tilespmem:s31+$0xFFFFFFE0]  }
0x335: {  	v6 =	vld [tilespmem:s31+$0xFFFFEBD0]  }
0x336: {  	v7 =	vld [tilespmem:s31+$0xFFFFEB90]  }
0x337: {  	v8 =	vld [tilespmem:s31+$0xFFFFFFF0]  }
0x338: {  	v9 =	vld [tilespmem:s31+$0xFFFFEBA0]  }
0x339: {  	v19 =	vld [tilespmem:s31+$0xFFFFEB60]  }
0x33a: {  	v10 =	vld [tilespmem:s31+$0x0]  }
0x33b: {  	v11 =	vld [tilespmem:s31+$0xFFFFEBB0];
	v12 =	vshll.u32 v0, $0xC  }
0x33c: {  	s30 =	simm.s32 $0xCD20;
	v20 =	vld [tilespmem:s31+$0x1420];
	v6 =	vshll.u32 v6, $0xC;
	v12 =	vadd.s32 v2, v12  }
0x33d: {  	v14 =	vld [tilespmem:s31+$0x10];
	v17 =	vshll.u32 v15, $0xC;
	v18 =	vshll.u32 v1, $0xC;
	v0 =	vadd.s32 v0, v6;
	[tilespmem:s30+$0x1490] =	vst v12  }
0x33e: {  	v13 =	vld [tilespmem:s31+$0xFFFFEBC0];
	v1 =	vshll.u32 v4, $0xC;
	v19 =	vshll.u32 v19, $0xC;
	v4 =	vadd.s32 v6, v2;
	[tilespmem:s30+$0xFFFFEBD0] =	vst v0  }
0x33f: {  	v22 =	vld [tilespmem:s31+$0x1430];
	v21 =	vshll.u32 v3, $0xC;
	v2 =	vshll.u32 v7, $0xC;
	v15 =	vadd.s32 v15, v19;
	[tilespmem:s30+$0x30] =	vst v4  }
0x340: {  	v16 =	vld [tilespmem:s31+$0x20];
	v6 =	vshll.u32 v11, $0xC;
	v7 =	vshll.u32 v10, $0xC;
	v12 =	vadd.s32 v3, v18;
	[tilespmem:s30+$0xFFFFEB60] =	vst v15  }
0x341: {  	v19 =	vadd.s32 v19, v20;
	v17 =	vadd.s32 v20, v17;
	v0 =	vadd.s32 v5, v1;
	[tilespmem:s30+$0xFFFFEB70] =	vst v12;
	v12 =	vld [tilespmem:s31+$0x1440]  }
0x342: {  	v11 =	vld [tilespmem:s31+$0x1450];
	v3 =	vshll.u32 v5, $0xC;
	v23 =	vadd.s32 v8, v2;
	v4 =	vshll.u32 v9, $0xC;
	[tilespmem:s30+$0xFFFFEB80] =	vst v0  }
0x343: {  	v5 =	vshll.u32 v8, $0xC;
	v25 =	vadd.s32 v14, v6;
	v8 =	vshll.u32 v13, $0xC;
	v13 =	vld [tilespmem:s31+$0x1460];
	[tilespmem:s30+$0xFFFFEB90] =	vst v23  }
0x344: {  	v9 =	vshll.u32 v14, $0xC;
	v14 =	vld [tilespmem:s31+$0x1470];
	v18 =	vadd.s32 v18, v22;
	v24 =	vadd.s32 v10, v4;
	[tilespmem:s30+$0xFFFFEBB0] =	vst v25  }
0x345: {  	s1 =	simm.s32 $0x0;
	s11 =	simm.s32 $0x52A0;
	s0 =	simm.s32 $0xCD20;
	v15 =	vld [tilespmem:s31+$0x1480];
	v0 =	vadd.s32 v16, v8;
	v10 =	vshll.u32 v16, $0xC;
	v16 =	vadd.s32 v22, v21;
	[tilespmem:s30+$0xFFFFEBA0] =	vst v24  }
.LBB2_38:
0x346: {  	v20 =	vld [tilespmem:s11+$0x30];
	s1 =	sadd.s32 $0x80, s1;
	[tilespmem:s30+$0xFFFFFFC0] =	vst v19;
	v1 =	vadd.s32 v1, v12;
	v3 =	vadd.s32 v12, v3  }
0x347: {  	v12 =	vld [tilespmem:s11+$0x1490];
	p0 =	slt.u32 s1, $0x1380;
	[tilespmem:s30+$0x1420] =	vst v17;
	v2 =	vadd.s32 v2, v11;
	v5 =	vadd.s32 v11, v5  }
0x348: {  	v17 =	vld [tilespmem:s11+$0xFFFFFFC0];
	[tilespmem:s30+$0xFFFFFFD0] =	vst v18;
	v4 =	vadd.s32 v4, v13;
	v7 =	vadd.s32 v13, v7  }
0x349: {  	v11 =	vld [tilespmem:s11+$0xFFFFEB70];
	[tilespmem:s30+$0x1430] =	vst v16;
	v6 =	vadd.s32 v6, v14;
	v9 =	vadd.s32 v14, v9  }
0x34a: {  	v13 =	vld [tilespmem:s11+$0xFFFFFFD0];
	[tilespmem:s30+$0xFFFFFFE0] =	vst v1;
	v8 =	vadd.s32 v8, v15;
	v10 =	vadd.s32 v15, v10  }
0x34b: {  	v1 =	vld [tilespmem:s11+$0xFFFFEB80];
	v14 =	vshll.u32 v20, $0xC;
	[tilespmem:s30+$0x1440] =	vst v3  }
0x34c: {  	s30 =	sadd.s32 $0x80, s30;
	v3 =	vld [tilespmem:s11+$0xFFFFFFE0];
	v14 =	vadd.s32 v12, v14;
	[tilespmem:s0+$0xFFFFFFF0] =	vst v2  }
0x34d: {  	s5 =	simm.s32 $0x13F0;
	s10 =	simm.s32 $0xE0E0;
	s31 =	simm.s32 $0x65E0;
	v15 =	vshll.u32 v17, $0xC;
	v2 =	vld [tilespmem:s11+$0xFFFFEBD0];
	[tilespmem:s30+$0x1490] =	vst v14  }
0x34e: {  	v16 =	vshll.u32 v11, $0xC;
	v11 =	vld [tilespmem:s11+$0xFFFFEB90];
	[tilespmem:s0+$0x1450] =	vst v5  }
0x34f: {  	v14 =	vadd.s32 v13, v16;
	v21 =	vshll.u32 v13, $0xC;
	v5 =	vld [tilespmem:s11+$0xFFFFFFF0];
	[tilespmem:s0+$0x0] =	vst v4  }
0x350: {  	v1 =	vshll.u32 v1, $0xC;
	v4 =	vld [tilespmem:s11+$0xFFFFEBA0];
	[tilespmem:s0+$0x1460] =	vst v7  }
0x351: {  	v13 =	vadd.s32 v3, v1;
	v3 =	vshll.u32 v3, $0xC;
	v7 =	vld [tilespmem:s11+$0x0];
	[tilespmem:s0+$0x10] =	vst v6  }
0x352: {  	v6 =	vld [tilespmem:s11+$0xFFFFEBB0];
	v18 =	vshll.u32 v2, $0xC;
	[tilespmem:s0+$0x1470] =	vst v9  }
0x353: {  	v2 =	vshll.u32 v11, $0xC;
	v9 =	vld [tilespmem:s11+$0x10];
	v11 =	vadd.s32 v20, v18;
	v12 =	vadd.s32 v18, v12;
	[tilespmem:s0+$0xFFFFEBC0] =	vst v0  }
0x354: {  	v0 =	vadd.s32 v5, v2;
	v5 =	vshll.u32 v5, $0xC;
	v18 =	vld [tilespmem:s11+$0xFFFFEBC0];
	[tilespmem:s0+$0x20] =	vst v8  }
0x355: {  	v4 =	vshll.u32 v4, $0xC;
	v19 =	vld [tilespmem:s11+$0x20];
	[tilespmem:s0+$0x1480] =	vst v10;
	s0 =	smov.u32 s30  }
0x356: {  	v20 =	vld [tilespmem:s11+$0xFFFFEB60];
	v22 =	vadd.s32 v7, v4;
	v7 =	vshll.u32 v7, $0xC;
	[tilespmem:s30+$0xFFFFEBD0] =	vst v11  }
0x357: {  	v23 =	vld [tilespmem:s11+$0x1420];
	v6 =	vshll.u32 v6, $0xC;
	[tilespmem:s30+$0x30] =	vst v12  }
0x358: {  	v24 =	vld [tilespmem:s11+$0x1430];
	[tilespmem:s30+$0xFFFFEB70] =	vst v14;
	v25 =	vadd.s32 v9, v6;
	v9 =	vshll.u32 v9, $0xC  }
.Ltmp18:
0x359: {  	v12 =	vld [tilespmem:s11+$0x1440];
	[tilespmem:s30+$0xFFFFEB80] =	vst v13;
	v8 =	vshll.u32 v18, $0xC;
	(pc) =	sbr.rel @p0 .LBB2_38-.Ltmp18, $4  }
0x35a: {  	v11 =	vld [tilespmem:s11+$0x1450];
	[tilespmem:s30+$0xFFFFEB90] =	vst v0;
	v0 =	vadd.s32 v19, v8;
	v10 =	vshll.u32 v19, $0xC  }
0x35b: {  	v14 =	vshll.u32 v20, $0xC;
	v13 =	vld [tilespmem:s11+$0x1460];
	[tilespmem:s30+$0xFFFFEBA0] =	vst v22  }
0x35c: {  	v18 =	vadd.s32 v17, v14;
	v19 =	vadd.s32 v14, v23;
	v17 =	vadd.s32 v23, v15;
	v14 =	vld [tilespmem:s11+$0x1470];
	[tilespmem:s30+$0xFFFFEBB0] =	vst v25  }
0x35d: {  	[tilespmem:s30+$0xFFFFEB60] =	vst v18;
	v18 =	vadd.s32 v16, v24;
	v16 =	vadd.s32 v24, v21;
	v15 =	vld [tilespmem:s11+$0x1480];
	s11 =	sadd.s32 $0x80, s11  }
0x35e: {  	[tilespmem:s30+$0xFFFFFFC0] =	vst v19  }
0x35f: {  	[tilespmem:s30+$0x1420] =	vst v17  }
0x360: {  	[tilespmem:s30+$0xFFFFFFD0] =	vst v18  }
0x361: {  	[tilespmem:s30+$0x1430] =	vst v16  }
0x362: {  	v1 =	vadd.s32 v1, v12;
	[tilespmem:s0+$0xFFFFEBC0] =	vst v0  }
0x363: {  	v3 =	vadd.s32 v12, v3;
	[tilespmem:s30+$0xFFFFFFE0] =	vst v1  }
0x364: {  	v56 =	vadd.s32 v2, v11;
	[tilespmem:s30+$0x1440] =	vst v3  }
0x365: {  	v57 =	vadd.s32 v11, v5;
	[tilespmem:s0+$0xFFFFFFF0] =	vst v56  }
0x366: {  	v58 =	vadd.s32 v4, v13;
	[tilespmem:s0+$0x1450] =	vst v57  }
0x367: {  	v59 =	vadd.s32 v13, v7;
	[tilespmem:s0+$0x0] =	vst v58  }
0x368: {  	v60 =	vadd.s32 v6, v14;
	[tilespmem:s0+$0x1460] =	vst v59  }
0x369: {  	v61 =	vadd.s32 v14, v9;
	[tilespmem:s0+$0x10] =	vst v60  }
0x36a: {  	[tilespmem:s0+$0x1470] =	vst v61;
	v62 =	vadd.s32 v8, v15  }
0x36b: {  	v63 =	vadd.s32 v15, v10;
	[tilespmem:s0+$0x20] =	vst v62  }
0x36c: {  	[tilespmem:s0+$0x1480] =	vst v63  }
.LBB2_40:
0x36d: {  	v0 =	vld [tilespmem:s31+$0xFFFFEBA0]  }
0x36e: {  	v1 =	vld [tilespmem:s31+$0x0]  }
0x36f: {  	v2 =	vld [tilespmem:s31+$0x1460]  }
0x370: {  	s5 =	sadd.s32 $0x10, s5  }
0x371: {  	p0 =	slt.u32 s5, $0x1450  }
.Ltmp19:
0x372: {  	v0 =	vshll.u32 v0, $0xC;
	(pc) =	sbr.rel @p0 .LBB2_40-.Ltmp19, $4  }
0x373: {  	v3 =	vadd.s32 v1, v0  }
0x374: {  	v0 =	vadd.s32 v0, v2;
	v1 =	vshll.u32 v1, $0xC;
	[tilespmem:s10+$0xFFFFEBA0] =	vst v3  }
0x375: {  	[tilespmem:s10+$0x0] =	vst v0;
	v63 =	vadd.s32 v2, v1  }
0x376: {  	s31 =	sadd.s32 $0x10, s31;
	[tilespmem:s10+$0x1460] =	vst v63;
	s10 =	sadd.s32 $0x10, s10  }
0x377: {  	[tilespmem:s18], [sflag:$0x8] =	stream.indirect.gather [hbm4b:s3+s9], $0x1, s17, s9, $0xb8;
	[tilespmem:$0x19A00] =	vst v63  }
0x378: {  	_ = 	snop  }
0x379: {  	[tilespmem:s20], [sflag:$0xA] =	stream.indirect.gather [hbm4b:s3+s9], $0x1, s19, s9, $0xb8;
	[tilespmem:$0x19A00] =	vst v63  }
0x37a: {  	_ =	swait.ge [sflag:s21], $0x1E90  }
0x37b: {  	[sflag:s21] =	ssyncset.done $0x0  }
0x37c: {  	[sflag:s21] =	ssyncadd.s32 $0xFFFFE170  }
0x37d: {  	_ =	swait.ge [sflag:s22], $0x1E90  }
0x37e: {  	[sflag:s22] =	ssyncset.done $0x0  }
0x37f: {  	[sflag:s22] =	ssyncadd.s32 $0xFFFFE170  }
0x380: {  	_ =	swait.ge [sflag:s28], $0x1460  }
0x381: {  	[sflag:s28] =	ssyncset.done $0x0  }
0x382: {  	s5 =	simm.s32 $0x10AA0;
	[sflag:s28] =	ssyncadd.s32 $0xFFFFEBA0  }
0x383: {  	v0 =	vld [tilespmem:s5+$0xFFFFEBD0]  }
0x384: {  	v1 =	vld [tilespmem:s5+$0x30]  }
0x385: {  	v3 =	vld [tilespmem:s5+$0xFFFFFFC0]  }
0x386: {  	v2 =	vld [tilespmem:s5+$0x1490]  }
0x387: {  	v4 =	vld [tilespmem:s5+$0xFFFFEB70]  }
0x388: {  	v5 =	vld [tilespmem:s5+$0xFFFFFFD0]  }
0x389: {  	v6 =	vld [tilespmem:s5+$0xFFFFEB80]  }
0x38a: {  	v7 =	vld [tilespmem:s5+$0xFFFFFFE0]  }
0x38b: {  	v8 =	vld [tilespmem:s5+$0xFFFFEB90]  }
0x38c: {  	v10 =	vld [tilespmem:s5+$0xFFFFFFF0]  }
0x38d: {  	v11 =	vld [tilespmem:s5+$0xFFFFEBA0]  }
0x38e: {  	v12 =	vld [tilespmem:s5+$0x0]  }
0x38f: {  	v13 =	vld [tilespmem:s5+$0xFFFFEBB0]  }
0x390: {  	v14 =	vld [tilespmem:s5+$0x10]  }
0x391: {  	v15 =	vld [tilespmem:s5+$0xFFFFEBC0]  }
0x392: {  	v16 =	vld [tilespmem:s5+$0x20]  }
0x393: {  	v17 =	vld [tilespmem:s5+$0xFFFFEB60]  }
0x394: {  	v18 =	vld [tilespmem:s5+$0x1420];
	v0 =	vadd.f32 v1, v0  }
0x395: {  	v19 =	vld [tilespmem:s5+$0x1430]  }
0x396: {  	v9 =	vld [tilespmem:s5+$0x1440];
	v21 =	vadd.f32 v5, v4;
	v20 =	vadd.f32 v2, v0  }
0x397: {  	v1 =	vadd.f32 v10, v8;
	v0 =	vadd.f32 v7, v6;
	v6 =	vld [tilespmem:s5+$0x1450]  }
0x398: {  	v10 =	vadd.f32 v3, v17;
	v8 =	vld [tilespmem:s5+$0x1460];
	v4 =	vadd.f32 v14, v13;
	v7 =	vmul.f32 $3.333333430e-01, v20  }
0x399: {  	s0 =	simm.s32 $0x17140;
	v3 =	vadd.f32 v16, v15;
	v5 =	vld [tilespmem:s5+$0x1470];
	v2 =	vadd.f32 v12, v11  }
0x39a: {  	s1 =	simm.s32 $0x0;
	v10 =	vadd.f32 v18, v10;
	v11 =	vadd.f32 v19, v21;
	[tilespmem:s0+$0x30] =	vst v7;
	v7 =	vld [tilespmem:s5+$0x1480];
	s5 =	simm.s32 $0x10B20  }
.LBB2_42:
0x39b: {  	v12 =	vld [tilespmem:s5+$0xFFFFEBD0];
	v0 =	vadd.f32 v9, v0  }
0x39c: {  	s1 =	sadd.s32 $0x80, s1;
	v9 =	vld [tilespmem:s5+$0x30];
	v10 =	vmul.f32 $3.333333430e-01, v10;
	v11 =	vmul.f32 $3.333333430e-01, v11;
	v1 =	vadd.f32 v6, v1  }
0x39d: {  	p0 =	slt.u32 s1, $0x1380;
	v13 =	vld [tilespmem:s5+$0xFFFFFFC0];
	v0 =	vmul.f32 $3.333333430e-01, v0;
	v2 =	vadd.f32 v8, v2  }
0x39e: {  	v6 =	vld [tilespmem:s5+$0x1490];
	[tilespmem:s0+$0xFFFFFFC0] =	vst v10;
	v1 =	vmul.f32 $3.333333430e-01, v1;
	v4 =	vadd.f32 v5, v4  }
0x39f: {  	v5 =	vld [tilespmem:s5+$0xFFFFEB70];
	[tilespmem:s0+$0xFFFFFFD0] =	vst v11;
	v2 =	vmul.f32 $3.333333430e-01, v2;
	v3 =	vadd.f32 v7, v3  }
0x3a0: {  	v7 =	vld [tilespmem:s5+$0xFFFFFFD0];
	[tilespmem:s0+$0xFFFFFFE0] =	vst v0;
	v0 =	vmul.f32 $3.333333430e-01, v4  }
0x3a1: {  	v4 =	vld [tilespmem:s5+$0xFFFFEB80];
	v8 =	vadd.f32 v9, v12;
	[tilespmem:s0+$0xFFFFFFF0] =	vst v1;
	v1 =	vmul.f32 $3.333333430e-01, v3  }
0x3a2: {  	v3 =	vld [tilespmem:s5+$0xFFFFFFE0];
	[tilespmem:s0+$0x0] =	vst v2  }
0x3a3: {  	v2 =	vld [tilespmem:s5+$0xFFFFEB90];
	v6 =	vadd.f32 v6, v8;
	[tilespmem:s0+$0x10] =	vst v0  }
0x3a4: {  	v8 =	vld [tilespmem:s5+$0xFFFFFFF0];
	[tilespmem:s0+$0x20] =	vst v1  }
0x3a5: {  	v7 =	vadd.f32 v7, v5;
	v5 =	vld [tilespmem:s5+$0xFFFFEBA0];
	v1 =	vmul.f32 $3.333333430e-01, v6  }
0x3a6: {  	s0 =	sadd.s32 $0x80, s0;
	v6 =	vld [tilespmem:s5+$0x0]  }
0x3a7: {  	s10 =	simm.s32 $0x13F0;
	s11 =	simm.s32 $0x18500;
	s30 =	simm.s32 $0x11E60;
	v0 =	vadd.f32 v3, v4;
	v3 =	vld [tilespmem:s5+$0xFFFFEBB0];
	[tilespmem:s0+$0x30] =	vst v1  }
0x3a8: {  	v4 =	vld [tilespmem:s5+$0x10]  }
0x3a9: {  	v1 =	vadd.f32 v8, v2;
	v8 =	vld [tilespmem:s5+$0xFFFFEBC0]  }
0x3aa: {  	v10 =	vld [tilespmem:s5+$0x20]  }
0x3ab: {  	v11 =	vld [tilespmem:s5+$0xFFFFEB60];
	v2 =	vadd.f32 v6, v5  }
0x3ac: {  	v12 =	vld [tilespmem:s5+$0x1420]  }
0x3ad: {  	v14 =	vld [tilespmem:s5+$0x1430];
	v4 =	vadd.f32 v4, v3  }
.Ltmp20:
0x3ae: {  	v9 =	vld [tilespmem:s5+$0x1440];
	(pc) =	sbr.rel @p0 .LBB2_42-.Ltmp20, $4  }
0x3af: {  	v6 =	vld [tilespmem:s5+$0x1450];
	v3 =	vadd.f32 v10, v8  }
0x3b0: {  	v10 =	vadd.f32 v13, v11;
	v8 =	vld [tilespmem:s5+$0x1460]  }
0x3b1: {  	v5 =	vld [tilespmem:s5+$0x1470]  }
0x3b2: {  	v10 =	vadd.f32 v12, v10;
	v11 =	vadd.f32 v14, v7;
	v7 =	vld [tilespmem:s5+$0x1480];
	s5 =	sadd.s32 $0x80, s5  }
0x3b3: {  	_ = 	snop  }
0x3b4: {  	v0 =	vadd.f32 v9, v0;
	v60 =	vmul.f32 $3.333333430e-01, v10  }
0x3b5: {  	v61 =	vmul.f32 $3.333333430e-01, v11;
	v1 =	vadd.f32 v6, v1  }
0x3b6: {  	v0 =	vmul.f32 $3.333333430e-01, v0;
	v2 =	vadd.f32 v8, v2;
	[tilespmem:s0+$0xFFFFFFC0] =	vst v60  }
0x3b7: {  	v1 =	vmul.f32 $3.333333430e-01, v1;
	v4 =	vadd.f32 v5, v4;
	[tilespmem:s0+$0xFFFFFFD0] =	vst v61  }
0x3b8: {  	v2 =	vmul.f32 $3.333333430e-01, v2;
	v3 =	vadd.f32 v7, v3;
	[tilespmem:s0+$0xFFFFFFE0] =	vst v0  }
0x3b9: {  	v62 =	vmul.f32 $3.333333430e-01, v4;
	[tilespmem:s0+$0xFFFFFFF0] =	vst v1  }
0x3ba: {  	v63 =	vmul.f32 $3.333333430e-01, v3;
	[tilespmem:s0+$0x0] =	vst v2  }
0x3bb: {  	[tilespmem:s0+$0x10] =	vst v62  }
0x3bc: {  	[tilespmem:s0+$0x20] =	vst v63  }
.LBB2_44:
0x3bd: {  	v0 =	vld [tilespmem:s30+$0xFFFFEBA0]  }
0x3be: {  	v1 =	vld [tilespmem:s30+$0x0];
	_ =	sdelay $0x1  }
0x3bf: {  	v2 =	vld [tilespmem:s30+$0x1460];
	_ =	sdelay $0x2  }
0x3c0: {  	s10 =	sadd.s32 $0x10, s10;
	v0 =	vadd.f32 v1, v0  }
0x3c1: {  	p0 =	slt.u32 s10, $0x1450  }
.Ltmp21:
0x3c2: {  	v0 =	vadd.f32 v2, v0;
	(pc) =	sbr.rel @p0 .LBB2_44-.Ltmp21, $3  }
0x3c3: {  	_ = 	snop  }
0x3c4: {  	v0 =	vmul.f32 $3.333333430e-01, v0;
	_ =	sdelay $0x1  }
0x3c5: {  	s30 =	sadd.s32 $0x10, s30;
	[tilespmem:s11+$0x0] =	vst v0;
	s11 =	sadd.s32 $0x10, s11  }
0x3c6: {  	s0 =	rddreg [dreg:$0x15]  }
0x3c7: {  	[hbm4b:s0+s2] =	stream.linear.scatter [tilespmem:s23], [sflag:$0xB], $0x1460, $0x38;
	[tilespmem:$0x19A00] =	vst v63  }
0x3c8: {  	_ =	swait.ge [sflag:s24], $0x1E90  }
0x3c9: {  	[sflag:s24] =	ssyncset.done $0x0  }
0x3ca: {  	[sflag:s24] =	ssyncadd.s32 $0xFFFFE170  }
0x3cb: {  	_ =	swait.ge [sflag:s25], $0x1E90  }
0x3cc: {  	[sflag:s25] =	ssyncset.done $0x0  }
0x3cd: {  	[sflag:s25] =	ssyncadd.s32 $0xFFFFE170  }
0x3ce: {  	_ =	swait.ge [sflag:s29], $0x1460  }
0x3cf: {  	[sflag:s29] =	ssyncset.done $0x0  }
0x3d0: {  	s5 =	simm.s32 $0x14820;
	[sflag:s29] =	ssyncadd.s32 $0xFFFFEBA0  }
0x3d1: {  	v0 =	vld [tilespmem:s5+$0xFFFFEBD0]  }
0x3d2: {  	v1 =	vld [tilespmem:s5+$0x30]  }
0x3d3: {  	v3 =	vld [tilespmem:s5+$0xFFFFFFC0]  }
0x3d4: {  	v2 =	vld [tilespmem:s5+$0x1490]  }
0x3d5: {  	v4 =	vld [tilespmem:s5+$0xFFFFEB70]  }
0x3d6: {  	v5 =	vld [tilespmem:s5+$0xFFFFFFD0]  }
0x3d7: {  	v6 =	vld [tilespmem:s5+$0xFFFFEB80]  }
0x3d8: {  	v7 =	vld [tilespmem:s5+$0xFFFFFFE0]  }
0x3d9: {  	v8 =	vld [tilespmem:s5+$0xFFFFEB90]  }
0x3da: {  	v10 =	vld [tilespmem:s5+$0xFFFFFFF0]  }
0x3db: {  	v11 =	vld [tilespmem:s5+$0xFFFFEBA0]  }
0x3dc: {  	v12 =	vld [tilespmem:s5+$0x0]  }
0x3dd: {  	v13 =	vld [tilespmem:s5+$0xFFFFEBB0]  }
0x3de: {  	v14 =	vld [tilespmem:s5+$0x10]  }
0x3df: {  	v15 =	vld [tilespmem:s5+$0xFFFFEBC0]  }
0x3e0: {  	v16 =	vld [tilespmem:s5+$0x20]  }
0x3e1: {  	v17 =	vld [tilespmem:s5+$0xFFFFEB60]  }
0x3e2: {  	v18 =	vld [tilespmem:s5+$0x1420];
	v0 =	vadd.f32 v1, v0  }
0x3e3: {  	v19 =	vld [tilespmem:s5+$0x1430]  }
0x3e4: {  	v9 =	vld [tilespmem:s5+$0x1440];
	v21 =	vadd.f32 v5, v4;
	v20 =	vadd.f32 v2, v0  }
0x3e5: {  	v1 =	vadd.f32 v10, v8;
	v0 =	vadd.f32 v7, v6;
	v6 =	vld [tilespmem:s5+$0x1450]  }
0x3e6: {  	v10 =	vadd.f32 v3, v17;
	v8 =	vld [tilespmem:s5+$0x1460];
	v4 =	vadd.f32 v14, v13;
	v7 =	vmul.f32 $3.333333430e-01, v20  }
0x3e7: {  	s0 =	simm.s32 $0x185C0;
	v3 =	vadd.f32 v16, v15;
	v5 =	vld [tilespmem:s5+$0x1470];
	v2 =	vadd.f32 v12, v11  }
0x3e8: {  	s1 =	simm.s32 $0x0;
	v10 =	vadd.f32 v18, v10;
	v11 =	vadd.f32 v19, v21;
	[tilespmem:s0+$0x30] =	vst v7;
	v7 =	vld [tilespmem:s5+$0x1480];
	s5 =	simm.s32 $0x148A0  }
.LBB2_46:
0x3e9: {  	v12 =	vld [tilespmem:s5+$0xFFFFEBD0];
	v0 =	vadd.f32 v9, v0  }
0x3ea: {  	s1 =	sadd.s32 $0x80, s1;
	v9 =	vld [tilespmem:s5+$0x30];
	v10 =	vmul.f32 $3.333333430e-01, v10;
	v11 =	vmul.f32 $3.333333430e-01, v11;
	v1 =	vadd.f32 v6, v1  }
0x3eb: {  	p0 =	slt.u32 s1, $0x1380;
	v13 =	vld [tilespmem:s5+$0xFFFFFFC0];
	v0 =	vmul.f32 $3.333333430e-01, v0;
	v2 =	vadd.f32 v8, v2  }
0x3ec: {  	v6 =	vld [tilespmem:s5+$0x1490];
	[tilespmem:s0+$0xFFFFFFC0] =	vst v10;
	v1 =	vmul.f32 $3.333333430e-01, v1;
	v4 =	vadd.f32 v5, v4  }
0x3ed: {  	v5 =	vld [tilespmem:s5+$0xFFFFEB70];
	[tilespmem:s0+$0xFFFFFFD0] =	vst v11;
	v2 =	vmul.f32 $3.333333430e-01, v2;
	v3 =	vadd.f32 v7, v3  }
0x3ee: {  	v7 =	vld [tilespmem:s5+$0xFFFFFFD0];
	[tilespmem:s0+$0xFFFFFFE0] =	vst v0;
	v0 =	vmul.f32 $3.333333430e-01, v4  }
0x3ef: {  	v4 =	vld [tilespmem:s5+$0xFFFFEB80];
	v8 =	vadd.f32 v9, v12;
	[tilespmem:s0+$0xFFFFFFF0] =	vst v1;
	v1 =	vmul.f32 $3.333333430e-01, v3  }
0x3f0: {  	v3 =	vld [tilespmem:s5+$0xFFFFFFE0];
	[tilespmem:s0+$0x0] =	vst v2  }
0x3f1: {  	v2 =	vld [tilespmem:s5+$0xFFFFEB90];
	v6 =	vadd.f32 v6, v8;
	[tilespmem:s0+$0x10] =	vst v0  }
0x3f2: {  	v8 =	vld [tilespmem:s5+$0xFFFFFFF0];
	[tilespmem:s0+$0x20] =	vst v1  }
0x3f3: {  	v7 =	vadd.f32 v7, v5;
	v5 =	vld [tilespmem:s5+$0xFFFFEBA0];
	v1 =	vmul.f32 $3.333333430e-01, v6  }
0x3f4: {  	s0 =	sadd.s32 $0x80, s0;
	v6 =	vld [tilespmem:s5+$0x0]  }
0x3f5: {  	s10 =	simm.s32 $0x13F0;
	s11 =	simm.s32 $0x19980;
	s30 =	simm.s32 $0x15BE0;
	v0 =	vadd.f32 v3, v4;
	v3 =	vld [tilespmem:s5+$0xFFFFEBB0];
	[tilespmem:s0+$0x30] =	vst v1  }
0x3f6: {  	v4 =	vld [tilespmem:s5+$0x10]  }
0x3f7: {  	v1 =	vadd.f32 v8, v2;
	v8 =	vld [tilespmem:s5+$0xFFFFEBC0]  }
0x3f8: {  	v10 =	vld [tilespmem:s5+$0x20]  }
0x3f9: {  	v11 =	vld [tilespmem:s5+$0xFFFFEB60];
	v2 =	vadd.f32 v6, v5  }
0x3fa: {  	v12 =	vld [tilespmem:s5+$0x1420]  }
0x3fb: {  	v14 =	vld [tilespmem:s5+$0x1430];
	v4 =	vadd.f32 v4, v3  }
.Ltmp22:
0x3fc: {  	v9 =	vld [tilespmem:s5+$0x1440];
	(pc) =	sbr.rel @p0 .LBB2_46-.Ltmp22, $4  }
0x3fd: {  	v6 =	vld [tilespmem:s5+$0x1450];
	v3 =	vadd.f32 v10, v8  }
0x3fe: {  	v10 =	vadd.f32 v13, v11;
	v8 =	vld [tilespmem:s5+$0x1460]  }
0x3ff: {  	v5 =	vld [tilespmem:s5+$0x1470]  }
0x400: {  	v10 =	vadd.f32 v12, v10;
	v11 =	vadd.f32 v14, v7;
	v7 =	vld [tilespmem:s5+$0x1480];
	s5 =	sadd.s32 $0x80, s5  }
0x401: {  	_ = 	snop  }
0x402: {  	v0 =	vadd.f32 v9, v0;
	v60 =	vmul.f32 $3.333333430e-01, v10  }
0x403: {  	v61 =	vmul.f32 $3.333333430e-01, v11;
	v1 =	vadd.f32 v6, v1  }
0x404: {  	v0 =	vmul.f32 $3.333333430e-01, v0;
	v2 =	vadd.f32 v8, v2;
	[tilespmem:s0+$0xFFFFFFC0] =	vst v60  }
0x405: {  	v1 =	vmul.f32 $3.333333430e-01, v1;
	v4 =	vadd.f32 v5, v4;
	[tilespmem:s0+$0xFFFFFFD0] =	vst v61  }
0x406: {  	v2 =	vmul.f32 $3.333333430e-01, v2;
	v3 =	vadd.f32 v7, v3;
	[tilespmem:s0+$0xFFFFFFE0] =	vst v0  }
0x407: {  	v62 =	vmul.f32 $3.333333430e-01, v4;
	[tilespmem:s0+$0xFFFFFFF0] =	vst v1  }
0x408: {  	v63 =	vmul.f32 $3.333333430e-01, v3;
	[tilespmem:s0+$0x0] =	vst v2  }
0x409: {  	[tilespmem:s0+$0x10] =	vst v62  }
0x40a: {  	[tilespmem:s0+$0x20] =	vst v63  }
.LBB2_48:
0x40b: {  	v0 =	vld [tilespmem:s30+$0xFFFFEBA0]  }
0x40c: {  	v1 =	vld [tilespmem:s30+$0x0];
	_ =	sdelay $0x1  }
0x40d: {  	v2 =	vld [tilespmem:s30+$0x1460];
	_ =	sdelay $0x2  }
0x40e: {  	s10 =	sadd.s32 $0x10, s10;
	v0 =	vadd.f32 v1, v0  }
0x40f: {  	p0 =	slt.u32 s10, $0x1450  }
.Ltmp23:
0x410: {  	v0 =	vadd.f32 v2, v0;
	(pc) =	sbr.rel @p0 .LBB2_48-.Ltmp23, $3  }
0x411: {  	_ = 	snop  }
0x412: {  	v0 =	vmul.f32 $3.333333430e-01, v0;
	_ =	sdelay $0x1  }
0x413: {  	s30 =	sadd.s32 $0x10, s30;
	[tilespmem:s11+$0x0] =	vst v0;
	s11 =	sadd.s32 $0x10, s11  }
0x414: {  	s0 =	rddreg [dreg:$0x16]  }
0x415: {  	[hbm4b:s0+s2] =	stream.linear.scatter [tilespmem:s26], [sflag:$0xC], $0x1460, $0x38;
	[tilespmem:$0x19A00] =	vst v63  }
0x416: {  	_ =	swait.ge [sflag:s28], $0x1460  }
0x417: {  	[sflag:s28] =	ssyncset.done $0x0  }
0x418: {  	[sflag:s28] =	ssyncadd.s32 $0xFFFFEBA0  }
0x419: {  	_ =	swait.ge [sflag:s29], $0x1460  }
0x41a: {  	s4 =	sadd.s32 $0x1, s4;
	s31 =	rddreg [dreg:$0x18]  }
0x41b: {  	p0 =	sne.s32 s4, s31  }
.Ltmp24:
0x41c: {  	_ = 	snop;
	(pc) =	sbr.rel @p0 .LBB2_1-.Ltmp24, $3  }
0x41d: {  	_ =	sdelay $0x1  }
0x41e: {  	[sflag:s29] =	ssyncset.done $0x0  }
0x41f: {  	[sflag:s29] =	ssyncadd.s32 $0xFFFFEBA0  }
0x420: {  	_ =	sfence.sel $0x180000  }
0x421: {  	[bflag:$0x0] =	sbarrier.arrive $0xFFFF  }
0x422: {  	_ =	strace $0x9000004A  }
0x423: {  	s0 =	stileid.u32;
	[bflag:$0x2] =	sbarrier.arrive $0xFFFF  }
0x424: {  	p0 =	sne.s32 s0, $0x0;
	s0 =	rddreg [dreg:$0x2]  }
0x425: {  	s0 =	sadd.s32 @!p0 $0x100000, s0  }
0x426: {  	[sflag:s0] =	ssyncadd.tile.s32 @!p0 $0x1;
	_ =	shalt  }
.Lfunc_end2:
_tile_overlayer_lowered:
.L_overlay_start_2:
0x427: {  	(tag) =	ssettag $0x2  }
0x428: {  	s0 =	rddreg [dreg:$0x0];
	s2 =	stileid.u32  }
0x429: {  	s1 =	rddreg [dreg:$0x1];
	p0 =	sne.s32 s2, $0x0  }
0x42a: {  	s3 =	rddreg [dreg:$0x2];
	[bflag:$0x3] =	sbarrier.arrive $0xFFFF;
	s2 =	simm.s32 @!p0 $0x1C0D  }
0x42b: {  	[timem:s3], [sflag:s2] =	dma.local @!p0 [hbm:s0], s1  }
0x42c: {  	s0 =	simm.s32 @!p0 $0xD  }
0x42d: {  	_ =	swait.ge @!p0 [sflag:s0], s1  }
0x42e: {  	s1 =	ssub.s32 @!p0 $0x0, s1;
	[sflag:s0] =	ssyncset.done @!p0 $0x0  }
0x42f: {  	[sflag:s0] =	ssyncadd.s32 @!p0 s1  }
0x430: {  	[bflag:$0x3] =	sbarrier.arrive $0xFFFF  }
0x431: {  	_ =	shalt  }

// kernel: sparse-core-data-format-call.cloned.1.call-start
scs
called_computation_lowered:
.L_overlay_start_0:
0x0: {  	s2 =	sld [smem:$0x3FD9]  }
0x1: {  	s3 =	sld [smem:$0x3FFE];
	_ =	sdelay $0x1  }
0x2: {  	s1 =	srdreg.scid  }
0x3: {  	s0 =	sand.u32 $0x1, s1  }
0x4: {  	s18 =	sshll.u32 s0, $0xA;
	s2 =	sadd.s32 s3, s2  }
0x5: {  	s2 =	sadd.s32 s2, s18  }
0x6: {  	[smem:$0x3FC6] =	sst s2  }
0x7: {  	_ = 	snop  }
0x8: {  	s2 =	sld [smem:$0x3FC9];
	(tm) =	ssettm $0x1  }
0x9: {  	s19 =	sld [smem:$0x3FFB];
	_ =	sdelay $0x3  }
0xa: {  	_ =	strace s19  }
0xb: {  	s3 =	sld [smem:$0x3FFC];
	_ =	sdelay $0x3  }
0xc: {  	_ =	strace s3  }
0xd: {  	s3 =	sld [smem:$0x3FFD];
	_ =	sdelay $0x3  }
0xe: {  	_ =	strace s3  }
0xf: {  	_ =	strace $0x8FFFFFFF  }
0x10: {  	s20 =	sld [smem:$0x3FDB];
	_ =	sdelay $0x1  }
0x11: {  	s4 =	simm.s32 $_scs_section_size  }
0x12: {  	s5 =	simm.s32 $_size__tile_overlayer_lowered;
	s6 =	simm.s32 $_tile_overlayer_lowered  }
0x13: {  	s23 =	simm.s32 $0x1BFF;
	s22 =	sshll.u32 s6, $0x1;
	s3 =	sadd.s32 s4, s20  }
0x14: {  	s7 =	simm.s32 $0x0;
	s21 =	sshll.u32 s5, $0x1;
	s5 =	sadd.s32 s22, s3  }
0x15: {  	[timem:s7], [sflag:s23] =	dma.local [hbm:s5], s21  }
0x16: {  	_ =	swait.ge [sflag:s23], s21  }
0x17: {  	s4 =	ssub.s32 $0x0, s21;
	[sflag:s23] =	ssyncset.done $0x0  }
0x18: {  	[sflag:s23] =	ssyncadd.s32 s4;
	_ =	sdelay $0x1  }
0x19: {  	s24 =	simm.s32 $0x1B8B  }
0x1a: {  	_ =	swait.ge [sflag:s24], $0x1  }
0x1b: {  	[sflag:s24] =	ssyncset.done $0x0  }
0x1c: {  	s26 =	simm.s32 $0x1B8E;
	s25 =	sld [smem:$0x3FFE];
	[sflag:s24] =	ssyncadd.s32 $0xFFFFFFFF  }
0x1d: {  	s27 =	simm.s32 $execute0_lowered;
	[smem:$0x3FD2] =	sst s26  }
0x1e: {  	s5 =	sshll.u32 s27, $0x1;
	_ =	strace $0x80000046;
	[dreg:$0x1] =	wrdreg $0xFFFFFFFF  }
0x1f: {  	s28 =	simm.s32 $_size_execute0_lowered;
	s3 =	sadd.s32 s3, s5;
	[dreg:$0x0] =	wrdreg $0x0  }
0x20: {  	s5 =	sshll.u32 s28, $0x1;
	[dreg:$0x2] =	wrdreg s3  }
0x21: {  	[dreg:$0x3] =	wrdreg s5  }
0x22: {  	[dreg:$0x4] =	wrdreg $0xC0  }
0x23: {  	_ =	task [dreg:s7], $0x5FFFF  }
0x24: {  	[dreg:$0x1] =	wrdreg $0xFFFFFFFF  }
0x25: {  	[dreg:$0x0] =	wrdreg $0x60  }
0x26: {  	[dreg:$0x2] =	wrdreg s2  }
0x27: {  	[dreg:$0x3] =	wrdreg s25  }
0x28: {  	[dreg:$0x4] =	wrdreg $0x9  }
0x29: {  	_ =	task.clear_ibuf [dreg:s7], $0x5FFFF;
	_ =	strace $0x90000046  }
0x2a: {  	s29 =	simm.s32 $0x9;
	_ =	strace $0x80000048  }
0x2b: {  	_ =	swait.ge [sflag:s29], $0x1  }
0x2c: {  	[sflag:s29] =	ssyncadd.s32 $0xFFFFFFFF  }
0x2d: {  	_ =	strace $0x90000048  }
0x2e: {  	_ =	sfence  }
0x2f: {  	s30 =	sld [smem:$0x0];
	_ =	sdelay $0x2  }
0x30: {  	s31 =	sshll.u32 s1, $0xD;
	s1 =	sshrl.u32 s1, $0x2  }
0x31: {  	s3 =	sand.u32 $0x4000, s31;
	s1 =	sadd.s32 s1, s30  }
0x32: {  	s0 =	sor.u32 s3, s0;
	s1 =	sshll.u32 s1, $0x11  }
0x33: {  	s0 =	sor.u32 s1, s0  }
0x34: {  	s0 =	sadd.s32 $0x8F2B, s0  }
0x35: {  	[sflag:s0] =	ssyncadd.remote.s32 $0x1  }
0x36: {  	_ =	sfence.sel $0xFFFF  }
0x37: {  	[dreg:$0x0] =	wrdreg $0xFFFFFFFF;
	(pc) =	sbr.abs _section_cstart, $3  }
0x38: {  	[dreg:$0x1] =	wrdreg $0xFFFFFFFF  }
0x39: {  	_ =	task.clear_ibuf [dreg:s7], $0x2FFFF;
	_ =	strace $0x9FFFFFFF  }
0x3a: {  	(tm) =	ssettm $0x7FFFFFFF  }
0x3b: {  	_ =	shalt  }
tec
execute0_lowered:
.L_overlay_start_1:
0x0: {  	(tag) =	ssettag $0x1  }
0x1: {  	s2 =	rddreg [dreg:$0x0]  }
0x2: {  	s1 =	rddreg [dreg:$0x1]  }
0x3: {  	s0 =	rddreg [dreg:$0x2];
	_ =	strace $0x80000047;
	s4 =	srdreg.scid  }
0x4: {  	s6 =	simm.s32 $0x2;
	s11 =	simm.s32 $0x0;
	p0 =	por $0x0, $0x0  }
.Ltmp0:
0x5: {  	s7 =	simm.s32 $0x1000;
	s12 =	simm.s32 $0x0;
	(pc) =	sbr.rel .LBB1_1-.Ltmp0, $4  }
0x6: {  	s9 =	simm.s32 $0x0;
	s3 =	sadd.s32 $0xA00, s1;
	s5 =	sshll.u32 s4, $0x4  }
0x7: {  	s1 =	stileid.u32;
	s4 =	simm.s32 $0x1;
	s5 =	sand.u32 $0x10, s5  }
0x8: {  	s8 =	simm.s32 $0x0;
	[sflag:s4] =	ssyncpa.u1 $0x0;
	s5 =	sor.u32 s1, s5  }
0x9: {  	[sflag:s6] =	ssyncpa.u1 $0x0;
	s6 =	simm.s32 $0x800;
	s10 =	smov.u32 s5  }
.LBB1_7:
0xa: {  	s13 =	sadd.s32 $0x10, s9  }
0xb: {  	s11 =	sadd.s32 $0x20, s10;
	s15 =	smov.u32 s10;
	p2 =	sgt.s32 s13, $0x1F  }
0xc: {  	p1 =	slt.u32 s8, $0x2;
	s15 =	smov.u32 @p2 s11  }
0xd: {  	s8 =	sadd.s32 $0x1, s8;
	s13 =	simm.s32 @p2 $0x0;
	p2 =	sgt.s32 s15, $0x1FF  }
0xe: {  	s15 =	smov.u32 @p2 s5;
	p2 =	sne.s32 s8, $0x22  }
.Ltmp1:
0xf: {  	_ = 	snop;
	(pc) =	sbr.rel @!p2 .LBB1_8-.Ltmp1, $4  }
0x10: {  	s14 =	simm.s32 @!p1 $0x2  }
0x11: {  	s12 =	smov.u32 s10;
	_ =	swait.ge @!p1 [sflag:s14], $0x4000  }
0x12: {  	p0 =	por !p0, !p0;
	s11 =	smov.u32 s9;
	[sflag:s14] =	ssyncset.done @!p1 $0x0  }
0x13: {  	s9 =	smov.u32 s13;
	[sflag:s14] =	ssyncadd.s32 @!p1 $0xFFFFC000;
	s10 =	smov.u32 s15  }
.LBB1_1:
0x14: {  	p1 =	sgt.u32 s8, $0x1F  }
0x15: {  	s13 =	sxor.u32 @!p1 $0xFFFFFFFF, s8;
	s14 =	sshll.u32 @!p1 s10, $0xC  }
0x16: {  	s15 =	sshll.u32 @!p1 s9, $0x7;
	s13 =	sshll.u32 @!p1 s13, $0xE;
	s14 =	sadd.s32 @!p1 s2, s14  }
0x17: {  	s13 =	sand.u32 @!p1 $0x4000, s13;
	s14 =	sadd.s32 @!p1 s15, s14;
	s15 =	simm.s32 @!p1 $0x0  }
0x18: {  	[tilespmem:s13], [sflag:$0x1] =	stream.linear.gather @!p1 [hbm4b:s14+s15], $0x4000, $0x38;
	[tilespmem:$0x10000] =	vst v63  }
0x19: {  	p1 =	seq.s32 s8, $0x0  }
0x1a: {  	p2 =	seq.s32 @!p1 s8, $0x21  }
0x1b: {  	p1 =	por p1, p2  }
.Ltmp2:
0x1c: {  	_ = 	snop;
	(pc) =	sbr.rel @p1 .LBB1_7-.Ltmp2, $1  }
0x1d: {  	_ =	sdelay $0x3  }
0x1e: {  	s13 =	simm.s32 $0x1;
	_ =	swait.ge [sflag:s4], $0x4000;
	s16 =	sshll.u32 s8, $0xE  }
0x1f: {  	s13 =	simm.s32 @!p0 $0x0;
	[sflag:s4] =	ssyncset.done $0x0;
	s31 =	sand.u32 $0x4000, s16  }
0x20: {  	s16 =	simm.s32 $0x0;
	s14 =	sshll.u32 s13, $0xE;
	[sflag:s4] =	ssyncadd.s32 $0xFFFFC000  }
0x21: {  	s13 =	sor.u32 $0x8040, s14;
	s15 =	sor.u32 $0x40, s14;
	s14 =	sor.u32 $0x8000, s31  }
.LBB1_3:
0x22: {  	v0 =	vmov s15;
	_ =	sdelay $0x3  }
0x23: {  	s18 =	simm.s32 $0x0  }
0x24: {  	v6 =	vld.idx.msk [tilespmem:v0+s18+$0x30 ss:$0x1], $0xffff  }
0x25: {  	v7 =	vld.idx.msk [tilespmem:v0+s18+$0xFFFFFFC0 ss:$0x1], $0xffff  }
0x26: {  	v5 =	vld.idx.msk [tilespmem:v0+s18+$0xFFFFFFD0 ss:$0x1], $0xffff  }
0x27: {  	v4 =	vld.idx.msk [tilespmem:v0+s18+$0xFFFFFFE0 ss:$0x1], $0xffff  }
0x28: {  	v3 =	vld.idx.msk [tilespmem:v0+s18+$0xFFFFFFF0 ss:$0x1], $0xffff  }
0x29: {  	v1 =	vld.idx.msk [tilespmem:v0+s18+$0x0 ss:$0x1], $0xffff  }
0x2a: {  	v2 =	vld.idx.msk [tilespmem:v0+s18+$0x10 ss:$0x1], $0xffff;
	[tilespmem:s13+$0x30] =	vst v6  }
0x2b: {  	s17 =	simm.s32 $0x80;
	s19 =	simm.s32 $0x400;
	[tilespmem:s13+$0xFFFFFFC0] =	vst v7;
	v6 =	vld.idx.msk [tilespmem:v0+s18+$0x20 ss:$0x1], $0xffff;
	s18 =	smov.u32 s13  }
.LBB1_4:
0x2c: {  	p1 =	sne.s32 s19, $0xE00;
	v7 =	vld.idx.msk [tilespmem:v0+s17+$0x30 ss:$0x1], $0xffff;
	[tilespmem:s18+$0xFFFFFFD0] =	vst v5  }
0x2d: {  	v8 =	vld.idx.msk [tilespmem:v0+s17+$0xFFFFFFC0 ss:$0x1], $0xffff;
	[tilespmem:s18+$0xFFFFFFE0] =	vst v4  }
0x2e: {  	v5 =	vld.idx.msk [tilespmem:v0+s17+$0xFFFFFFD0 ss:$0x1], $0xffff;
	[tilespmem:s18+$0xFFFFFFF0] =	vst v3  }
.Ltmp3:
0x2f: {  	v4 =	vld.idx.msk [tilespmem:v0+s17+$0xFFFFFFE0 ss:$0x1], $0xffff;
	[tilespmem:s18+$0x0] =	vst v1;
	(pc) =	sbr.rel @p1 .LBB1_4-.Ltmp3, $4  }
0x30: {  	v3 =	vld.idx.msk [tilespmem:v0+s17+$0xFFFFFFF0 ss:$0x1], $0xffff;
	[tilespmem:s18+$0x10] =	vst v2  }
0x31: {  	v1 =	vld.idx.msk [tilespmem:v0+s17+$0x0 ss:$0x1], $0xffff;
	[tilespmem:s18+$0x20] =	vst v6;
	s18 =	sadd.s32 $0x800, s18  }
0x32: {  	v2 =	vld.idx.msk [tilespmem:v0+s17+$0x10 ss:$0x1], $0xffff;
	[tilespmem:s18+$0x30] =	vst v7  }
0x33: {  	[tilespmem:s18+$0xFFFFFFC0] =	vst v8;
	v6 =	vld.idx.msk [tilespmem:v0+s17+$0x20 ss:$0x1], $0xffff;
	s17 =	sshra.s32 s19, $0x2;
	s19 =	sadd.s32 $0x200, s19  }
0x34: {  	_ =	sdelay $0x2  }
0x35: {  	[tilespmem:s18+$0xFFFFFFD0] =	vst v5  }
0x36: {  	v56 =	vld.idx.msk [tilespmem:v0+s17+$0x30 ss:$0x1], $0xffff;
	[tilespmem:s18+$0xFFFFFFE0] =	vst v4  }
0x37: {  	v57 =	vld.idx.msk [tilespmem:v0+s17+$0xFFFFFFC0 ss:$0x1], $0xffff;
	[tilespmem:s18+$0xFFFFFFF0] =	vst v3  }
0x38: {  	v58 =	vld.idx.msk [tilespmem:v0+s17+$0xFFFFFFD0 ss:$0x1], $0xffff;
	[tilespmem:s18+$0x0] =	vst v1  }
0x39: {  	v59 =	vld.idx.msk [tilespmem:v0+s17+$0xFFFFFFE0 ss:$0x1], $0xffff;
	[tilespmem:s18+$0x10] =	vst v2  }
0x3a: {  	v60 =	vld.idx.msk [tilespmem:v0+s17+$0xFFFFFFF0 ss:$0x1], $0xffff;
	s31 =	sadd.s32 $0x800, s18;
	[tilespmem:s18+$0x20] =	vst v6  }
0x3b: {  	v61 =	vld.idx.msk [tilespmem:v0+s17+$0x0 ss:$0x1], $0xffff;
	[tilespmem:s31+$0x30] =	vst v56  }
0x3c: {  	v62 =	vld.idx.msk [tilespmem:v0+s17+$0x10 ss:$0x1], $0xffff;
	s16 =	sadd.s32 $0x1, s16;
	[tilespmem:s31+$0xFFFFFFC0] =	vst v57  }
0x3d: {  	v63 =	vld.idx.msk [tilespmem:v0+s17+$0x20 ss:$0x1], $0xffff;
	p1 =	sne.s32 s16, $0x10;
	[tilespmem:s31+$0xFFFFFFD0] =	vst v58  }
.Ltmp4:
0x3e: {  	[tilespmem:s31+$0xFFFFFFE0] =	vst v59;
	(pc) =	sbr.rel @p1 .LBB1_3-.Ltmp4, $4  }
0x3f: {  	[tilespmem:s31+$0xFFFFFFF0] =	vst v60  }
0x40: {  	[tilespmem:s31+$0x0] =	vst v61  }
0x41: {  	[tilespmem:s31+$0x10] =	vst v62  }
0x42: {  	s13 =	sadd.s32 $0x80, s13;
	s15 =	sadd.s32 $0x400, s15;
	[tilespmem:s31+$0x20] =	vst v63  }
.Ltmp5:
0x43: {  	(pc) =	sbr.rel .LBB1_7-.Ltmp5, $4  }
0x44: {  	s12 =	sshll.u32 s12, $0xC;
	s11 =	sshll.u32 s11, $0x4  }
0x45: {  	s11 =	sand.u32 $0x1F0, s11;
	s12 =	sadd.s32 s3, s12  }
0x46: {  	s11 =	sadd.s32 s11, s12  }
0x47: {  	[hbm4b:s11+s6] =	stream.strided.scatter [tilespmem:s14], [sflag:$0x2], $0x4000, s7, s6, $0x38;
	[tilespmem:$0x10000] =	vst v63  }
.LBB1_8:
0x48: {  	_ =	sfence.sel $0x180000  }
0x49: {  	s2 =	simm.s32 $0x1;
	[bflag:$0x0] =	sbarrier.arrive $0xFFFF  }
0x4a: {  	s31 =	simm.s32 $0x2;
	[sflag:s2] =	ssyncpa.u1 $0x1  }
0x4b: {  	[sflag:s31] =	ssyncpa.u1 $0x1  }
0x4c: {  	p0 =	sne.s32 s1, $0x0;
	_ =	strace $0x90000047  }
0x4d: {  	s0 =	sadd.s32 @!p0 $0x100000, s0;
	[bflag:$0x2] =	sbarrier.arrive $0xFFFF  }
0x4e: {  	[sflag:s0] =	ssyncadd.tile.s32 @!p0 $0x1;
	_ =	shalt  }
.Lfunc_end1:
_tile_overlayer_lowered:
.L_overlay_start_2:
0x4f: {  	(tag) =	ssettag $0x2  }
0x50: {  	s0 =	rddreg [dreg:$0x0];
	s2 =	stileid.u32  }
0x51: {  	s1 =	rddreg [dreg:$0x1];
	p0 =	sne.s32 s2, $0x0  }
0x52: {  	s3 =	rddreg [dreg:$0x2];
	[bflag:$0x3] =	sbarrier.arrive $0xFFFF;
	s2 =	simm.s32 @!p0 $0x1C01  }
0x53: {  	[timem:s3], [sflag:s2] =	dma.local @!p0 [hbm:s0], s1  }
0x54: {  	s0 =	simm.s32 @!p0 $0x1  }
0x55: {  	_ =	swait.ge @!p0 [sflag:s0], s1  }
0x56: {  	s1 =	ssub.s32 @!p0 $0x0, s1;
	[sflag:s0] =	ssyncset.done @!p0 $0x0  }
0x57: {  	[sflag:s0] =	ssyncadd.s32 @!p0 s1  }
0x58: {  	[bflag:$0x3] =	sbarrier.arrive $0xFFFF  }
0x59: {  	_ =	shalt  }

</sc_bundles>
